<compile_context>
chip_gen: v7x
topology: tpu7x:2x2x1
jax: 0.10.2.dev20260603
libtpu: 0.0.44.dev20260713+nightly
codegen_flags: <defaults>
</compile_context>

<pallas_src>
import functools

import jax
import jax.numpy as jnp
from jax import lax
from jax.experimental import pallas as pl
from jax.experimental.pallas import tpu as pltpu
from jax.experimental.pallas import tpu_sc as plsc

N = 10000
D = 128
EPS = 1e-5

NC = 2
NS = 16
NW = NC * NS

CH = 128
EP = 327680
NROW = EP // CH
NCHT = NROW // NW
NPAD = 10240
ZROWS = 128
NBUF = 2
IRING = 8
DEG_B = 40

_mesh = plsc.VectorSubcoreMesh(
    core_axis_name="c", subcore_axis_name="s", num_cores=NC, num_subcores=NS
)


def _worker(cid, sid):
    return sid * NC + cid


def _make_deg():
    @functools.partial(
        pl.kernel,
        out_type=jax.ShapeDtypeStruct((NC, NPAD, D), jnp.float32),
        mesh=_mesh,
        scratch_types=[
            pltpu.VMEM((NCHT, CH), jnp.int32),
            pltpu.VMEM((CH, D), jnp.float32),
            pltpu.VMEM_SHARED((NPAD, D), jnp.float32),
            pltpu.SemaphoreType.DMA,
        ],
    )
    def deg_k(dst_hbm, ones_hbm, zer_hbm, out_hbm, didx_all, ones_v, deg_sp,
              sem):
        cid = lax.axis_index("c")
        sid = lax.axis_index("s")
        wid = _worker(cid, sid)
        rpt = NPAD // NS
        for z in range(rpt // ZROWS):
            pltpu.sync_copy(zer_hbm, deg_sp.at[pl.ds(sid * rpt + z * ZROWS, ZROWS)])
        pltpu.sync_copy(ones_hbm, ones_v)
        pltpu.sync_copy(dst_hbm.at[pl.ds(wid * NCHT, NCHT)], didx_all)
        plsc.subcore_barrier()

        def body(g, carry):
            for i in range(DEG_B):
                c = g * DEG_B + i
                pltpu.async_copy(ones_v, deg_sp.at[didx_all.at[c]], sem,
                                 add=True)
            for i in range(DEG_B):
                pltpu.make_async_copy(ones_v, deg_sp.at[didx_all.at[0]],
                                      sem).wait()
            return carry

        lax.fori_loop(0, NCHT // DEG_B, body, 0)
        plsc.subcore_barrier()
        pltpu.sync_copy(
            deg_sp.at[pl.ds(sid * rpt, rpt)],
            out_hbm.at[cid, pl.ds(sid * rpt, rpt)],
        )

    return deg_k


def _make_scatter():
    @functools.partial(
        pl.kernel,
        out_type=jax.ShapeDtypeStruct((NC, NPAD, D), jnp.float32),
        mesh=_mesh,
        scratch_types=[
            pltpu.VMEM((NCHT, CH), jnp.int32),
            pltpu.VMEM((IRING, CH), jnp.int32),
            pltpu.VMEM((NBUF, CH, D), jnp.float32),
            pltpu.VMEM_SHARED((NPAD, D), jnp.float32),
            pltpu.SemaphoreType.DMA((IRING,)),
            pltpu.SemaphoreType.DMA((NBUF,)),
            pltpu.SemaphoreType.DMA((NBUF,)),
        ],
    )
    def scat_k(hp_hbm, src_hbm, dst_hbm, zer_hbm, out_hbm,
               sidx_all, dring, rows, acc_sp, isem, gsem, ssem):
        cid = lax.axis_index("c")
        sid = lax.axis_index("s")
        wid = _worker(cid, sid)
        rpt = NPAD // NS
        for z in range(rpt // ZROWS):
            pltpu.sync_copy(zer_hbm, acc_sp.at[pl.ds(sid * rpt + z * ZROWS, ZROWS)])
        pltpu.sync_copy(src_hbm.at[pl.ds(wid * NCHT, NCHT)], sidx_all)
        for s in range(IRING):
            pltpu.async_copy(dst_hbm.at[pl.ds(wid * NCHT + s, 1)],
                             dring.at[pl.ds(s, 1)], isem.at[s])
        plsc.subcore_barrier()
        pltpu.async_copy(hp_hbm.at[sidx_all.at[0]], rows.at[0], gsem.at[0])

        def sup(g, carry):
            for b in range(IRING):
                c = g * IRING + b
                rb = b % NBUF
                rb1 = (b + 1) % NBUF
                sl = (b + IRING - 1) % IRING

                pltpu.make_async_copy(hp_hbm.at[sidx_all.at[0]], rows.at[rb],
                                      gsem.at[rb]).wait()

                @pl.when(c >= 1)
                def _():
                    pltpu.make_async_copy(rows.at[rb1],
                                          acc_sp.at[dring.at[0]],
                                          ssem.at[rb1]).wait()
                    r = c + IRING - 1

                    @pl.when(r < NCHT)
                    def _():
                        pltpu.async_copy(dst_hbm.at[pl.ds(wid * NCHT + r, 1)],
                                         dring.at[pl.ds(sl, 1)], isem.at[sl])

                @pl.when(c + 1 < NCHT)
                def _():
                    pltpu.async_copy(hp_hbm.at[sidx_all.at[c + 1]],
                                     rows.at[rb1], gsem.at[rb1])

                pltpu.make_async_copy(dst_hbm.at[pl.ds(0, 1)],
                                      dring.at[pl.ds(b, 1)], isem.at[b]).wait()
                pltpu.async_copy(rows.at[rb], acc_sp.at[dring.at[b]],
                                 ssem.at[rb], add=True)
            return carry

        lax.fori_loop(0, NCHT // IRING, sup, 0)
        pltpu.make_async_copy(rows.at[(NCHT - 1) % NBUF],
                              acc_sp.at[dring.at[0]],
                              ssem.at[(NCHT - 1) % NBUF]).wait()
        plsc.subcore_barrier()
        pltpu.sync_copy(
            acc_sp.at[pl.ds(sid * rpt, rpt)],
            out_hbm.at[cid, pl.ds(sid * rpt, rpt)],
        )

    return scat_k


def _hprime_body(x_ref, w_ref, degp_ref, o_ref):
    deg = degp_ref[0, 0:N, 0:1] + degp_ref[1, 0:N, 0:1]
    dinv = lax.rsqrt(deg + 1.0)
    h = jnp.dot(x_ref[...], w_ref[...], preferred_element_type=jnp.float32)
    o_ref[...] = h * dinv


_hprime = pl.pallas_call(
    _hprime_body, out_shape=jax.ShapeDtypeStruct((N, D), jnp.float32)
)


def _final_body(prev_ref, accp_ref, hp_ref, degp_ref, b_ref, g_ref,
                be_ref, o_ref):
    deg = degp_ref[0, 0:N, 0:1] + degp_ref[1, 0:N, 0:1]
    dinv = lax.rsqrt(deg + 1.0)
    a = accp_ref[0, 0:N, :] + accp_ref[1, 0:N, :]
    y = prev_ref[...] + dinv * (a + hp_ref[...])
    y = y + b_ref[...]
    mean = jnp.mean(y, axis=0, keepdims=True)
    c = y - mean
    var = jnp.mean(c * c, axis=0, keepdims=True)
    o_ref[...] = jnp.maximum(c * lax.rsqrt(var + EPS) * g_ref[...] + be_ref[...],
                             0.0)


_final = pl.pallas_call(
    _final_body, out_shape=jax.ShapeDtypeStruct((N, D), jnp.float32)
)


def kernel(prev, x, edge_index, W, b, gamma, beta):
    E = edge_index.shape[1]
    assert E % NW == 0 and E // NW <= NCHT * CH
    ppw = NCHT * CH - E // NW
    pad_src = jnp.tile(jnp.arange(ppw, dtype=jnp.int32), (NW, 1))
    pad_dst = N + pad_src % (NPAD - N)
    src = jnp.concatenate(
        [edge_index[0].reshape(NW, E // NW), pad_src], axis=1).reshape(NROW, CH)
    dst = jnp.concatenate(
        [edge_index[1].reshape(NW, E // NW), pad_dst], axis=1).reshape(NROW, CH)

    ones_rows = jnp.ones((CH, D), jnp.float32)
    zer = jnp.zeros((ZROWS, D), jnp.float32)

    degp = _make_deg()(dst, ones_rows, zer)
    hp = _hprime(x, W, degp)
    accp = _make_scatter()(hp, src, dst, zer)

    return _final(
        prev, accp, hp, degp,
        b.reshape(1, D), gamma.reshape(1, D), beta.reshape(1, D),
    )

# --- scband reference (transcript-rebuilt; emitter-appended) ---
"""Pipeline reference for scband-gcnblock-36636071034892 (READ-ONLY COPY).

The authoritative reference and input builder live on the scoring server;
editing this copy changes nothing except your own understanding.
"""

import jax, jax.numpy as jnp
import numpy as np

N = 10000
E = 320000
D = 128
EPS = 1e-5

def setup_inputs(seed: int = 0) -> dict:
    key = jax.random.key(seed)
    k1, k2, k3, k4, k5 = jax.random.split(key, 5)
    prev = jax.random.normal(k1, (N, D), dtype=jnp.float32)
    x = jax.random.normal(k2, (N, D), dtype=jnp.float32)
    edge_index = jax.random.randint(k3, (2, E), 0, N, dtype=jnp.int32)
    # GCNConv parameters: lin weight (no bias in lin) + separate bias added after aggregation
    W = jax.random.normal(k4, (D, D), dtype=jnp.float32) * (1.0 / np.sqrt(D))
    b = jnp.zeros((D,), dtype=jnp.float32)
    # BatchNorm1d affine params
    gamma = jnp.ones((D,), dtype=jnp.float32)
    beta = jnp.zeros((D,), dtype=jnp.float32)
    return {"prev": prev, "x": x, "edge_index": edge_index, "W": W, "b": b, "gamma": gamma, "beta": beta}

def reference(prev, x, edge_index, W, b, gamma, beta):
    n = prev.shape[0]
    src = edge_index[0]
    dst = edge_index[1]
    # GCNConv default: add self loops, symmetric normalization
    loop = jnp.arange(n, dtype=src.dtype)
    src = jnp.concatenate([src, loop])
    dst = jnp.concatenate([dst, loop])
    deg = jnp.zeros((n,), jnp.float32).at[dst].add(1.0)
    dinv = jnp.where(deg > 0, jax.lax.rsqrt(jnp.maximum(deg, 1e-12)), 0.0)
    norm = dinv[src] * dinv[dst]
    h = x @ W
    msg = h[src] * norm[:, None]
    agg = jax.ops.segment_sum(msg, dst, num_segments=n) + b
    y = prev + agg
    # BatchNorm1d in training mode (batch statistics, biased variance)
    mean = jnp.mean(y, axis=0)
    var = jnp.mean((y - mean) ** 2, axis=0)
    ybn = (y - mean) * jax.lax.rsqrt(var + EPS) * gamma + beta
    return jax.nn.relu(ybn)

if __name__ == "__main__":
    import jax
    _d = setup_inputs()
    print(jax.jit(kernel)(*tuple(_d.values())))

</pallas_src>

<mosaic_0001>
#map = affine_map<(d0, d1) -> (0, 0)>
#map1 = affine_map<(d0, d1) -> (0, 0, 0)>
module attributes {stable_mosaic.version = 14 : i64} {
  func.func @deg_k(%arg0: i32, %arg1: i32, %arg2: memref<2560x128xi32, #tpu.memory_space<hbm>>, %arg3: memref<128x128xf32, #tpu.memory_space<hbm>>, %arg4: memref<128x128xf32, #tpu.memory_space<hbm>>, %arg5: memref<2x10240x128xf32, #tpu.memory_space<hbm>>, %arg6: memref<80x128xi32, #tpu.memory_space<vmem>>, %arg7: memref<128x128xf32, #tpu.memory_space<vmem>>, %arg8: memref<10240x128xf32, #tpu.memory_space<vmem_shared>>, %arg9: memref<!tpu.dma_semaphore, #tpu.memory_space<semaphore_mem>>) attributes {dimension_semantics = [#tpu.dimension_semantics<core_parallel>, #tpu.dimension_semantics<subcore_parallel>], iteration_bounds = array<i64: 2, 16>, scalar_prefetch = 0 : i64, scratch_operands = 4 : i64, tpu.core_type = #tpu.core_type<sc_vector_subcore>, window_params = [{transform_indices = #map}, {transform_indices = #map}, {transform_indices = #map}, {transform_indices = #map1}]} {
    %mul3A = arith.constant 2 : i32
    %mul3A_0 = arith.muli %arg1, %mul3A : i32
    %add3A = arith.addi %mul3A_0, %arg0 : i32
    %mul3A_1 = arith.constant 640 : i32
    %mul3A_2 = arith.muli %arg1, %mul3A_1 : i32
    %add3A_3 = arith.constant 0 : i32
    %add3A_4 = arith.addi %mul3A_2, %add3A_3 : i32
    "tpu.region"() ({
      %run_scoped3A = tpu.sem_alloc : memref<!tpu.dma_semaphore, #tpu.memory_space<semaphore_mem>>
      %dma_start3A = arith.constant 0 : i32
      %dma_start3A_33 = tpu.memref_slice %arg8[%add3A_4, %dma_start3A] : memref<10240x128xf32, #tpu.memory_space<vmem_shared>> -> memref<128x128xf32, #tpu.memory_space<vmem_shared>>
      tpu.enqueue_dma source(%arg4 : memref<128x128xf32, #tpu.memory_space<hbm>>) target(%dma_start3A_33 : memref<128x128xf32, #tpu.memory_space<vmem_shared>>) target_semaphore(%run_scoped3A : memref<!tpu.dma_semaphore, #tpu.memory_space<semaphore_mem>>)
      %dma_wait3A = arith.constant 0 : i32
      %dma_wait3A_34 = tpu.memref_slice %arg8[%add3A_4, %dma_wait3A] : memref<10240x128xf32, #tpu.memory_space<vmem_shared>> -> memref<128x128xf32, #tpu.memory_space<vmem_shared>>
      tpu.wait_dma2 semaphore(%run_scoped3A : memref<!tpu.dma_semaphore, #tpu.memory_space<semaphore_mem>>) src(%arg4 : memref<128x128xf32, #tpu.memory_space<hbm>>) dst(%dma_wait3A_34 : memref<128x128xf32, #tpu.memory_space<vmem_shared>>)
      tpu.yield
    }) : () -> ()
    %mul3A_5 = arith.constant 640 : i32
    %mul3A_6 = arith.muli %arg1, %mul3A_5 : i32
    %add3A_7 = arith.constant 128 : i32
    %add3A_8 = arith.addi %mul3A_6, %add3A_7 : i32
    "tpu.region"() ({
      %run_scoped3A = tpu.sem_alloc : memref<!tpu.dma_semaphore, #tpu.memory_space<semaphore_mem>>
      %dma_start3A = arith.constant 0 : i32
      %dma_start3A_33 = tpu.memref_slice %arg8[%add3A_8, %dma_start3A] : memref<10240x128xf32, #tpu.memory_space<vmem_shared>> -> memref<128x128xf32, #tpu.memory_space<vmem_shared>>
      tpu.enqueue_dma source(%arg4 : memref<128x128xf32, #tpu.memory_space<hbm>>) target(%dma_start3A_33 : memref<128x128xf32, #tpu.memory_space<vmem_shared>>) target_semaphore(%run_scoped3A : memref<!tpu.dma_semaphore, #tpu.memory_space<semaphore_mem>>)
      %dma_wait3A = arith.constant 0 : i32
      %dma_wait3A_34 = tpu.memref_slice %arg8[%add3A_8, %dma_wait3A] : memref<10240x128xf32, #tpu.memory_space<vmem_shared>> -> memref<128x128xf32, #tpu.memory_space<vmem_shared>>
      tpu.wait_dma2 semaphore(%run_scoped3A : memref<!tpu.dma_semaphore, #tpu.memory_space<semaphore_mem>>) src(%arg4 : memref<128x128xf32, #tpu.memory_space<hbm>>) dst(%dma_wait3A_34 : memref<128x128xf32, #tpu.memory_space<vmem_shared>>)
      tpu.yield
    }) : () -> ()
    %mul3A_9 = arith.constant 640 : i32
    %mul3A_10 = arith.muli %arg1, %mul3A_9 : i32
    %add3A_11 = arith.constant 256 : i32
    %add3A_12 = arith.addi %mul3A_10, %add3A_11 : i32
    "tpu.region"() ({
      %run_scoped3A = tpu.sem_alloc : memref<!tpu.dma_semaphore, #tpu.memory_space<semaphore_mem>>
      %dma_start3A = arith.constant 0 : i32
      %dma_start3A_33 = tpu.memref_slice %arg8[%add3A_12, %dma_start3A] : memref<10240x128xf32, #tpu.memory_space<vmem_shared>> -> memref<128x128xf32, #tpu.memory_space<vmem_shared>>
      tpu.enqueue_dma source(%arg4 : memref<128x128xf32, #tpu.memory_space<hbm>>) target(%dma_start3A_33 : memref<128x128xf32, #tpu.memory_space<vmem_shared>>) target_semaphore(%run_scoped3A : memref<!tpu.dma_semaphore, #tpu.memory_space<semaphore_mem>>)
      %dma_wait3A = arith.constant 0 : i32
      %dma_wait3A_34 = tpu.memref_slice %arg8[%add3A_12, %dma_wait3A] : memref<10240x128xf32, #tpu.memory_space<vmem_shared>> -> memref<128x128xf32, #tpu.memory_space<vmem_shared>>
      tpu.wait_dma2 semaphore(%run_scoped3A : memref<!tpu.dma_semaphore, #tpu.memory_space<semaphore_mem>>) src(%arg4 : memref<128x128xf32, #tpu.memory_space<hbm>>) dst(%dma_wait3A_34 : memref<128x128xf32, #tpu.memory_space<vmem_shared>>)
      tpu.yield
    }) : () -> ()
    %mul3A_13 = arith.constant 640 : i32
    %mul3A_14 = arith.muli %arg1, %mul3A_13 : i32
    %add3A_15 = arith.constant 384 : i32
    %add3A_16 = arith.addi %mul3A_14, %add3A_15 : i32
    "tpu.region"() ({
      %run_scoped3A = tpu.sem_alloc : memref<!tpu.dma_semaphore, #tpu.memory_space<semaphore_mem>>
      %dma_start3A = arith.constant 0 : i32
      %dma_start3A_33 = tpu.memref_slice %arg8[%add3A_16, %dma_start3A] : memref<10240x128xf32, #tpu.memory_space<vmem_shared>> -> memref<128x128xf32, #tpu.memory_space<vmem_shared>>
      tpu.enqueue_dma source(%arg4 : memref<128x128xf32, #tpu.memory_space<hbm>>) target(%dma_start3A_33 : memref<128x128xf32, #tpu.memory_space<vmem_shared>>) target_semaphore(%run_scoped3A : memref<!tpu.dma_semaphore, #tpu.memory_space<semaphore_mem>>)
      %dma_wait3A = arith.constant 0 : i32
      %dma_wait3A_34 = tpu.memref_slice %arg8[%add3A_16, %dma_wait3A] : memref<10240x128xf32, #tpu.memory_space<vmem_shared>> -> memref<128x128xf32, #tpu.memory_space<vmem_shared>>
      tpu.wait_dma2 semaphore(%run_scoped3A : memref<!tpu.dma_semaphore, #tpu.memory_space<semaphore_mem>>) src(%arg4 : memref<128x128xf32, #tpu.memory_space<hbm>>) dst(%dma_wait3A_34 : memref<128x128xf32, #tpu.memory_space<vmem_shared>>)
      tpu.yield
    }) : () -> ()
    %mul3A_17 = arith.constant 640 : i32
    %mul3A_18 = arith.muli %arg1, %mul3A_17 : i32
    %add3A_19 = arith.constant 512 : i32
    %add3A_20 = arith.addi %mul3A_18, %add3A_19 : i32
    "tpu.region"() ({
      %run_scoped3A = tpu.sem_alloc : memref<!tpu.dma_semaphore, #tpu.memory_space<semaphore_mem>>
      %dma_start3A = arith.constant 0 : i32
      %dma_start3A_33 = tpu.memref_slice %arg8[%add3A_20, %dma_start3A] : memref<10240x128xf32, #tpu.memory_space<vmem_shared>> -> memref<128x128xf32, #tpu.memory_space<vmem_shared>>
      tpu.enqueue_dma source(%arg4 : memref<128x128xf32, #tpu.memory_space<hbm>>) target(%dma_start3A_33 : memref<128x128xf32, #tpu.memory_space<vmem_shared>>) target_semaphore(%run_scoped3A : memref<!tpu.dma_semaphore, #tpu.memory_space<semaphore_mem>>)
      %dma_wait3A = arith.constant 0 : i32
      %dma_wait3A_34 = tpu.memref_slice %arg8[%add3A_20, %dma_wait3A] : memref<10240x128xf32, #tpu.memory_space<vmem_shared>> -> memref<128x128xf32, #tpu.memory_space<vmem_shared>>
      tpu.wait_dma2 semaphore(%run_scoped3A : memref<!tpu.dma_semaphore, #tpu.memory_space<semaphore_mem>>) src(%arg4 : memref<128x128xf32, #tpu.memory_space<hbm>>) dst(%dma_wait3A_34 : memref<128x128xf32, #tpu.memory_space<vmem_shared>>)
      tpu.yield
    }) : () -> ()
    "tpu.region"() ({
      %run_scoped3A = tpu.sem_alloc : memref<!tpu.dma_semaphore, #tpu.memory_space<semaphore_mem>>
      tpu.enqueue_dma source(%arg3 : memref<128x128xf32, #tpu.memory_space<hbm>>) target(%arg7 : memref<128x128xf32, #tpu.memory_space<vmem>>) target_semaphore(%run_scoped3A : memref<!tpu.dma_semaphore, #tpu.memory_space<semaphore_mem>>)
      tpu.wait_dma2 semaphore(%run_scoped3A : memref<!tpu.dma_semaphore, #tpu.memory_space<semaphore_mem>>) src(%arg3 : memref<128x128xf32, #tpu.memory_space<hbm>>) dst(%arg7 : memref<128x128xf32, #tpu.memory_space<vmem>>)
      tpu.yield
    }) : () -> ()
    %mul3A_21 = arith.constant 80 : i32
    %mul3A_22 = arith.muli %add3A, %mul3A_21 : i32
    "tpu.region"() ({
      %run_scoped3A = tpu.sem_alloc : memref<!tpu.dma_semaphore, #tpu.memory_space<semaphore_mem>>
      %dma_start3A = arith.constant 0 : i32
      %dma_start3A_33 = tpu.memref_slice %arg2[%mul3A_22, %dma_start3A] : memref<2560x128xi32, #tpu.memory_space<hbm>> -> memref<80x128xi32, #tpu.memory_space<hbm>>
      %dma_start3A_34 = arith.constant 0 : i32
      %dma_start3A_35 = tpu.memref_slice %arg2[%mul3A_22, %dma_start3A_34] : memref<2560x128xi32, #tpu.memory_space<hbm>> -> memref<80x128xi32, #tpu.memory_space<hbm>>
      tpu.enqueue_dma source(%dma_start3A_35 : memref<80x128xi32, #tpu.memory_space<hbm>>) target(%arg6 : memref<80x128xi32, #tpu.memory_space<vmem>>) target_semaphore(%run_scoped3A : memref<!tpu.dma_semaphore, #tpu.memory_space<semaphore_mem>>)
      %dma_wait3A = arith.constant 0 : i32
      %dma_wait3A_36 = tpu.memref_slice %arg2[%mul3A_22, %dma_wait3A] : memref<2560x128xi32, #tpu.memory_space<hbm>> -> memref<80x128xi32, #tpu.memory_space<hbm>>
      %dma_wait3A_37 = arith.constant 0 : i32
      %dma_wait3A_38 = tpu.memref_slice %arg2[%mul3A_22, %dma_wait3A_37] : memref<2560x128xi32, #tpu.memory_space<hbm>> -> memref<80x128xi32, #tpu.memory_space<hbm>>
      tpu.wait_dma2 semaphore(%run_scoped3A : memref<!tpu.dma_semaphore, #tpu.memory_space<semaphore_mem>>) src(%dma_wait3A_38 : memref<80x128xi32, #tpu.memory_space<hbm>>) dst(%arg6 : memref<80x128xi32, #tpu.memory_space<vmem>>)
      tpu.yield
    }) : () -> ()
    %barrier3A = arith.constant 0 : index
    tpu.barrier barrier_id(%barrier3A)
    %scan3A = arith.constant 0 : i32
    %scan3A_23 = arith.constant 0 : i32
    %scan3A_24 = arith.constant 2 : i32
    %scan3A_25 = arith.addi %scan3A_23, %scan3A_24 : i32
    %scan3A_26 = arith.constant 1 : i32
    scf.for %scan3A_33 = %scan3A_23 to %scan3A_25 step %scan3A_26  : i32 {
      %mul3A_34 = arith.constant 40 : i32
      %mul3A_35 = arith.muli %scan3A_33, %mul3A_34 : i32
      %add3A_36 = arith.constant 0 : i32
      %add3A_37 = arith.addi %mul3A_35, %add3A_36 : i32
      %dma_start3A = arith.constant 0 : i32
      %dma_start3A_38 = tpu.memref_slice %arg6[%add3A_37, %dma_start3A] : memref<80x128xi32, #tpu.memory_space<vmem>> -> memref<1x128xi32, #tpu.memory_space<vmem>>
      %dma_start3A_39 = tpu.memref_squeeze %dma_start3A_38 : memref<1x128xi32, #tpu.memory_space<vmem>> -> memref<128xi32, #tpu.memory_space<vmem>>
      %dma_start3A_40 = arith.constant 0 : i32
      %dma_start3A_41 = arith.constant 0 : i32
      %dma_start3A_42 = tpu.memref_slice %arg8[%dma_start3A_40, %dma_start3A_41] : memref<10240x128xf32, #tpu.memory_space<vmem_shared>> -> memref<10240x128xf32, #tpu.memory_space<vmem_shared>>
      tpu.enqueue_indirect_dma source(%arg7 : memref<128x128xf32, #tpu.memory_space<vmem>>) target(%dma_start3A_42 : memref<10240x128xf32, #tpu.memory_space<vmem_shared>>) offsets(%dma_start3A_39 : memref<128xi32, #tpu.memory_space<vmem>>) semaphore(%arg9 : memref<!tpu.dma_semaphore, #tpu.memory_space<semaphore_mem>>) {add = true}
      %mul3A_43 = arith.constant 40 : i32
      %mul3A_44 = arith.muli %scan3A_33, %mul3A_43 : i32
      %add3A_45 = arith.constant 1 : i32
      %add3A_46 = arith.addi %mul3A_44, %add3A_45 : i32
      %dma_start3A_47 = arith.constant 0 : i32
      %dma_start3A_48 = tpu.memref_slice %arg6[%add3A_46, %dma_start3A_47] : memref<80x128xi32, #tpu.memory_space<vmem>> -> memref<1x128xi32, #tpu.memory_space<vmem>>
      %dma_start3A_49 = tpu.memref_squeeze %dma_start3A_48 : memref<1x128xi32, #tpu.memory_space<vmem>> -> memref<128xi32, #tpu.memory_space<vmem>>
      %dma_start3A_50 = arith.constant 0 : i32
      %dma_start3A_51 = arith.constant 0 : i32
      %dma_start3A_52 = tpu.memref_slice %arg8[%dma_start3A_50, %dma_start3A_51] : memref<10240x128xf32, #tpu.memory_space<vmem_shared>> -> memref<10240x128xf32, #tpu.memory_space<vmem_shared>>
      tpu.enqueue_indirect_dma source(%arg7 : memref<128x128xf32, #tpu.memory_space<vmem>>) target(%dma_start3A_52 : memref<10240x128xf32, #tpu.memory_space<vmem_shared>>) offsets(%dma_start3A_49 : memref<128xi32, #tpu.memory_space<vmem>>) semaphore(%arg9 : memref<!tpu.dma_semaphore, #tpu.memory_space<semaphore_mem>>) {add = true}
      %mul3A_53 = arith.constant 40 : i32
      %mul3A_54 = arith.muli %scan3A_33, %mul3A_53 : i32
      %add3A_55 = arith.constant 2 : i32
      %add3A_56 = arith.addi %mul3A_54, %add3A_55 : i32
      %dma_start3A_57 = arith.constant 0 : i32
      %dma_start3A_58 = tpu.memref_slice %arg6[%add3A_56, %dma_start3A_57] : memref<80x128xi32, #tpu.memory_space<vmem>> -> memref<1x128xi32, #tpu.memory_space<vmem>>
      %dma_start3A_59 = tpu.memref_squeeze %dma_start3A_58 : memref<1x128xi32, #tpu.memory_space<vmem>> -> memref<128xi32, #tpu.memory_space<vmem>>
      %dma_start3A_60 = arith.constant 0 : i32
      %dma_start3A_61 = arith.constant 0 : i32
      %dma_start3A_62 = tpu.memref_slice %arg8[%dma_start3A_60, %dma_start3A_61] : memref<10240x128xf32, #tpu.memory_space<vmem_shared>> -> memref<10240x128xf32, #tpu.memory_space<vmem_shared>>
      tpu.enqueue_indirect_dma source(%arg7 : memref<128x128xf32, #tpu.memory_space<vmem>>) target(%dma_start3A_62 : memref<10240x128xf32, #tpu.memory_space<vmem_shared>>) offsets(%dma_start3A_59 : memref<128xi32, #tpu.memory_space<vmem>>) semaphore(%arg9 : memref<!tpu.dma_semaphore, #tpu.memory_space<semaphore_mem>>) {add = true}
      %mul3A_63 = arith.constant 40 : i32
      %mul3A_64 = arith.muli %scan3A_33, %mul3A_63 : i32
      %add3A_65 = arith.constant 3 : i32
      %add3A_66 = arith.addi %mul3A_64, %add3A_65 : i32
      %dma_start3A_67 = arith.constant 0 : i32
      %dma_start3A_68 = tpu.memref_slice %arg6[%add3A_66, %dma_start3A_67] : memref<80x128xi32, #tpu.memory_space<vmem>> -> memref<1x128xi32, #tpu.memory_space<vmem>>
      %dma_start3A_69 = tpu.memref_squeeze %dma_start3A_68 : memref<1x128xi32, #tpu.memory_space<vmem>> -> memref<128xi32, #tpu.memory_space<vmem>>
      %dma_start3A_70 = arith.constant 0 : i32
      %dma_start3A_71 = arith.constant 0 : i32
      %dma_start3A_72 = tpu.memref_slice %arg8[%dma_start3A_70, %dma_start3A_71] : memref<10240x128xf32, #tpu.memory_space<vmem_shared>> -> memref<10240x128xf32, #tpu.memory_space<vmem_shared>>
      tpu.enqueue_indirect_dma source(%arg7 : memref<128x128xf32, #tpu.memory_space<vmem>>) target(%dma_start3A_72 : memref<10240x128xf32, #tpu.memory_space<vmem_shared>>) offsets(%dma_start3A_69 : memref<128xi32, #tpu.memory_space<vmem>>) semaphore(%arg9 : memref<!tpu.dma_semaphore, #tpu.memory_space<semaphore_mem>>) {add = true}
      %mul3A_73 = arith.constant 40 : i32
      %mul3A_74 = arith.muli %scan3A_33, %mul3A_73 : i32
      %add3A_75 = arith.constant 4 : i32
      %add3A_76 = arith.addi %mul3A_74, %add3A_75 : i32
      %dma_start3A_77 = arith.constant 0 : i32
      %dma_start3A_78 = tpu.memref_slice %arg6[%add3A_76, %dma_start3A_77] : memref<80x128xi32, #tpu.memory_space<vmem>> -> memref<1x128xi32, #tpu.memory_space<vmem>>
      %dma_start3A_79 = tpu.memref_squeeze %dma_start3A_78 : memref<1x128xi32, #tpu.memory_space<vmem>> -> memref<128xi32, #tpu.memory_space<vmem>>
      %dma_start3A_80 = arith.constant 0 : i32
      %dma_start3A_81 = arith.constant 0 : i32
      %dma_start3A_82 = tpu.memref_slice %arg8[%dma_start3A_80, %dma_start3A_81] : memref<10240x128xf32, #tpu.memory_space<vmem_shared>> -> memref<10240x128xf32, #tpu.memory_space<vmem_shared>>
      tpu.enqueue_indirect_dma source(%arg7 : memref<128x128xf32, #tpu.memory_space<vmem>>) target(%dma_start3A_82 : memref<10240x128xf32, #tpu.memory_space<vmem_shared>>) offsets(%dma_start3A_79 : memref<128xi32, #tpu.memory_space<vmem>>) semaphore(%arg9 : memref<!tpu.dma_semaphore, #tpu.memory_space<semaphore_mem>>) {add = true}
      %mul3A_83 = arith.constant 40 : i32
      %mul3A_84 = arith.muli %scan3A_33, %mul3A_83 : i32
      %add3A_85 = arith.constant 5 : i32
      %add3A_86 = arith.addi %mul3A_84, %add3A_85 : i32
      %dma_start3A_87 = arith.constant 0 : i32
      %dma_start3A_88 = tpu.memref_slice %arg6[%add3A_86, %dma_start3A_87] : memref<80x128xi32, #tpu.memory_space<vmem>> -> memref<1x128xi32, #tpu.memory_space<vmem>>
      %dma_start3A_89 = tpu.memref_squeeze %dma_start3A_88 : memref<1x128xi32, #tpu.memory_space<vmem>> -> memref<128xi32, #tpu.memory_space<vmem>>
      %dma_start3A_90 = arith.constant 0 : i32
      %dma_start3A_91 = arith.constant 0 : i32
      %dma_start3A_92 = tpu.memref_slice %arg8[%dma_start3A_90, %dma_start3A_91] : memref<10240x128xf32, #tpu.memory_space<vmem_shared>> -> memref<10240x128xf32, #tpu.memory_space<vmem_shared>>
      tpu.enqueue_indirect_dma source(%arg7 : memref<128x128xf32, #tpu.memory_space<vmem>>) target(%dma_start3A_92 : memref<10240x128xf32, #tpu.memory_space<vmem_shared>>) offsets(%dma_start3A_89 : memref<128xi32, #tpu.memory_space<vmem>>) semaphore(%arg9 : memref<!tpu.dma_semaphore, #tpu.memory_space<semaphore_mem>>) {add = true}
      %mul3A_93 = arith.constant 40 : i32
      %mul3A_94 = arith.muli %scan3A_33, %mul3A_93 : i32
      %add3A_95 = arith.constant 6 : i32
      %add3A_96 = arith.addi %mul3A_94, %add3A_95 : i32
      %dma_start3A_97 = arith.constant 0 : i32
      %dma_start3A_98 = tpu.memref_slice %arg6[%add3A_96, %dma_start3A_97] : memref<80x128xi32, #tpu.memory_space<vmem>> -> memref<1x128xi32, #tpu.memory_space<vmem>>
      %dma_start3A_99 = tpu.memref_squeeze %dma_start3A_98 : memref<1x128xi32, #tpu.memory_space<vmem>> -> memref<128xi32, #tpu.memory_space<vmem>>
      %dma_start3A_100 = arith.constant 0 : i32
      %dma_start3A_101 = arith.constant 0 : i32
      %dma_start3A_102 = tpu.memref_slice %arg8[%dma_start3A_100, %dma_start3A_101] : memref<10240x128xf32, #tpu.memory_space<vmem_shared>> -> memref<10240x128xf32, #tpu.memory_space<vmem_shared>>
      tpu.enqueue_indirect_dma source(%arg7 : memref<128x128xf32, #tpu.memory_space<vmem>>) target(%dma_start3A_102 : memref<10240x128xf32, #tpu.memory_space<vmem_shared>>) offsets(%dma_start3A_99 : memref<128xi32, #tpu.memory_space<vmem>>) semaphore(%arg9 : memref<!tpu.dma_semaphore, #tpu.memory_space<semaphore_mem>>) {add = true}
      %mul3A_103 = arith.constant 40 : i32
      %mul3A_104 = arith.muli %scan3A_33, %mul3A_103 : i32
      %add3A_105 = arith.constant 7 : i32
      %add3A_106 = arith.addi %mul3A_104, %add3A_105 : i32
      %dma_start3A_107 = arith.constant 0 : i32
      %dma_start3A_108 = tpu.memref_slice %arg6[%add3A_106, %dma_start3A_107] : memref<80x128xi32, #tpu.memory_space<vmem>> -> memref<1x128xi32, #tpu.memory_space<vmem>>
      %dma_start3A_109 = tpu.memref_squeeze %dma_start3A_108 : memref<1x128xi32, #tpu.memory_space<vmem>> -> memref<128xi32, #tpu.memory_space<vmem>>
      %dma_start3A_110 = arith.constant 0 : i32
      %dma_start3A_111 = arith.constant 0 : i32
      %dma_start3A_112 = tpu.memref_slice %arg8[%dma_start3A_110, %dma_start3A_111] : memref<10240x128xf32, #tpu.memory_space<vmem_shared>> -> memref<10240x128xf32, #tpu.memory_space<vmem_shared>>
      tpu.enqueue_indirect_dma source(%arg7 : memref<128x128xf32, #tpu.memory_space<vmem>>) target(%dma_start3A_112 : memref<10240x128xf32, #tpu.memory_space<vmem_shared>>) offsets(%dma_start3A_109 : memref<128xi32, #tpu.memory_space<vmem>>) semaphore(%arg9 : memref<!tpu.dma_semaphore, #tpu.memory_space<semaphore_mem>>) {add = true}
      %mul3A_113 = arith.constant 40 : i32
      %mul3A_114 = arith.muli %scan3A_33, %mul3A_113 : i32
      %add3A_115 = arith.constant 8 : i32
      %add3A_116 = arith.addi %mul3A_114, %add3A_115 : i32
      %dma_start3A_117 = arith.constant 0 : i32
      %dma_start3A_118 = tpu.memref_slice %arg6[%add3A_116, %dma_start3A_117] : memref<80x128xi32, #tpu.memory_space<vmem>> -> memref<1x128xi32, #tpu.memory_space<vmem>>
      %dma_start3A_119 = tpu.memref_squeeze %dma_start3A_118 : memref<1x128xi32, #tpu.memory_space<vmem>> -> memref<128xi32, #tpu.memory_space<vmem>>
      %dma_start3A_120 = arith.constant 0 : i32
      %dma_start3A_121 = arith.constant 0 : i32
      %dma_start3A_122 = tpu.memref_slice %arg8[%dma_start3A_120, %dma_start3A_121] : memref<10240x128xf32, #tpu.memory_space<vmem_shared>> -> memref<10240x128xf32, #tpu.memory_space<vmem_shared>>
      tpu.enqueue_indirect_dma source(%arg7 : memref<128x128xf32, #tpu.memory_space<vmem>>) target(%dma_start3A_122 : memref<10240x128xf32, #tpu.memory_space<vmem_shared>>) offsets(%dma_start3A_119 : memref<128xi32, #tpu.memory_space<vmem>>) semaphore(%arg9 : memref<!tpu.dma_semaphore, #tpu.memory_space<semaphore_mem>>) {add = true}
      %mul3A_123 = arith.constant 40 : i32
      %mul3A_124 = arith.muli %scan3A_33, %mul3A_123 : i32
      %add3A_125 = arith.constant 9 : i32
      %add3A_126 = arith.addi %mul3A_124, %add3A_125 : i32
      %dma_start3A_127 = arith.constant 0 : i32
      %dma_start3A_128 = tpu.memref_slice %arg6[%add3A_126, %dma_start3A_127] : memref<80x128xi32, #tpu.memory_space<vmem>> -> memref<1x128xi32, #tpu.memory_space<vmem>>
      %dma_start3A_129 = tpu.memref_squeeze %dma_start3A_128 : memref<1x128xi32, #tpu.memory_space<vmem>> -> memref<128xi32, #tpu.memory_space<vmem>>
      %dma_start3A_130 = arith.constant 0 : i32
      %dma_start3A_131 = arith.constant 0 : i32
      %dma_start3A_132 = tpu.memref_slice %arg8[%dma_start3A_130, %dma_start3A_131] : memref<10240x128xf32, #tpu.memory_space<vmem_shared>> -> memref<10240x128xf32, #tpu.memory_space<vmem_shared>>
      tpu.enqueue_indirect_dma source(%arg7 : memref<128x128xf32, #tpu.memory_space<vmem>>) target(%dma_start3A_132 : memref<10240x128xf32, #tpu.memory_space<vmem_shared>>) offsets(%dma_start3A_129 : memref<128xi32, #tpu.memory_space<vmem>>) semaphore(%arg9 : memref<!tpu.dma_semaphore, #tpu.memory_space<semaphore_mem>>) {add = true}
      %mul3A_133 = arith.constant 40 : i32
      %mul3A_134 = arith.muli %scan3A_33, %mul3A_133 : i32
      %add3A_135 = arith.constant 10 : i32
      %add3A_136 = arith.addi %mul3A_134, %add3A_135 : i32
      %dma_start3A_137 = arith.constant 0 : i32
      %dma_start3A_138 = tpu.memref_slice %arg6[%add3A_136, %dma_start3A_137] : memref<80x128xi32, #tpu.memory_space<vmem>> -> memref<1x128xi32, #tpu.memory_space<vmem>>
      %dma_start3A_139 = tpu.memref_squeeze %dma_start3A_138 : memref<1x128xi32, #tpu.memory_space<vmem>> -> memref<128xi32, #tpu.memory_space<vmem>>
      %dma_start3A_140 = arith.constant 0 : i32
      %dma_start3A_141 = arith.constant 0 : i32
      %dma_start3A_142 = tpu.memref_slice %arg8[%dma_start3A_140, %dma_start3A_141] : memref<10240x128xf32, #tpu.memory_space<vmem_shared>> -> memref<10240x128xf32, #tpu.memory_space<vmem_shared>>
      tpu.enqueue_indirect_dma source(%arg7 : memref<128x128xf32, #tpu.memory_space<vmem>>) target(%dma_start3A_142 : memref<10240x128xf32, #tpu.memory_space<vmem_shared>>) offsets(%dma_start3A_139 : memref<128xi32, #tpu.memory_space<vmem>>) semaphore(%arg9 : memref<!tpu.dma_semaphore, #tpu.memory_space<semaphore_mem>>) {add = true}
      %mul3A_143 = arith.constant 40 : i32
      %mul3A_144 = arith.muli %scan3A_33, %mul3A_143 : i32
      %add3A_145 = arith.constant 11 : i32
      %add3A_146 = arith.addi %mul3A_144, %add3A_145 : i32
      %dma_start3A_147 = arith.constant 0 : i32
      %dma_start3A_148 = tpu.memref_slice %arg6[%add3A_146, %dma_start3A_147] : memref<80x128xi32, #tpu.memory_space<vmem>> -> memref<1x128xi32, #tpu.memory_space<vmem>>
      %dma_start3A_149 = tpu.memref_squeeze %dma_start3A_148 : memref<1x128xi32, #tpu.memory_space<vmem>> -> memref<128xi32, #tpu.memory_space<vmem>>
      %dma_start3A_150 = arith.constant 0 : i32
      %dma_start3A_151 = arith.constant 0 : i32
      %dma_start3A_152 = tpu.memref_slice %arg8[%dma_start3A_150, %dma_start3A_151] : memref<10240x128xf32, #tpu.memory_space<vmem_shared>> -> memref<10240x128xf32, #tpu.memory_space<vmem_shared>>
      tpu.enqueue_indirect_dma source(%arg7 : memref<128x128xf32, #tpu.memory_space<vmem>>) target(%dma_start3A_152 : memref<10240x128xf32, #tpu.memory_space<vmem_shared>>) offsets(%dma_start3A_149 : memref<128xi32, #tpu.memory_space<vmem>>) semaphore(%arg9 : memref<!tpu.dma_semaphore, #tpu.memory_space<semaphore_mem>>) {add = true}
      %mul3A_153 = arith.constant 40 : i32
      %mul3A_154 = arith.muli %scan3A_33, %mul3A_153 : i32
      %add3A_155 = arith.constant 12 : i32
      %add3A_156 = arith.addi %mul3A_154, %add3A_155 : i32
      %dma_start3A_157 = arith.constant 0 : i32
      %dma_start3A_158 = tpu.memref_slice %arg6[%add3A_156, %dma_start3A_157] : memref<80x128xi32, #tpu.memory_space<vmem>> -> memref<1x128xi32, #tpu.memory_space<vmem>>
      %dma_start3A_159 = tpu.memref_squeeze %dma_start3A_158 : memref<1x128xi32, #tpu.memory_space<vmem>> -> memref<128xi32, #tpu.memory_space<vmem>>
      %dma_start3A_160 = arith.constant 0 : i32
      %dma_start3A_161 = arith.constant 0 : i32
      %dma_start3A_162 = tpu.memref_slice %arg8[%dma_start3A_160, %dma_start3A_161] : memref<10240x128xf32, #tpu.memory_space<vmem_shared>> -> memref<10240x128xf32, #tpu.memory_space<vmem_shared>>
      tpu.enqueue_indirect_dma source(%arg7 : memref<128x128xf32, #tpu.memory_space<vmem>>) target(%dma_start3A_162 : memref<10240x128xf32, #tpu.memory_space<vmem_shared>>) offsets(%dma_start3A_159 : memref<128xi32, #tpu.memory_space<vmem>>) semaphore(%arg9 : memref<!tpu.dma_semaphore, #tpu.memory_space<semaphore_mem>>) {add = true}
      %mul3A_163 = arith.constant 40 : i32
      %mul3A_164 = arith.muli %scan3A_33, %mul3A_163 : i32
      %add3A_165 = arith.constant 13 : i32
      %add3A_166 = arith.addi %mul3A_164, %add3A_165 : i32
      %dma_start3A_167 = arith.constant 0 : i32
      %dma_start3A_168 = tpu.memref_slice %arg6[%add3A_166, %dma_start3A_167] : memref<80x128xi32, #tpu.memory_space<vmem>> -> memref<1x128xi32, #tpu.memory_space<vmem>>
      %dma_start3A_169 = tpu.memref_squeeze %dma_start3A_168 : memref<1x128xi32, #tpu.memory_space<vmem>> -> memref<128xi32, #tpu.memory_space<vmem>>
      %dma_start3A_170 = arith.constant 0 : i32
      %dma_start3A_171 = arith.constant 0 : i32
      %dma_start3A_172 = tpu.memref_slice %arg8[%dma_start3A_170, %dma_start3A_171] : memref<10240x128xf32, #tpu.memory_space<vmem_shared>> -> memref<10240x128xf32, #tpu.memory_space<vmem_shared>>
      tpu.enqueue_indirect_dma source(%arg7 : memref<128x128xf32, #tpu.memory_space<vmem>>) target(%dma_start3A_172 : memref<10240x128xf32, #tpu.memory_space<vmem_shared>>) offsets(%dma_start3A_169 : memref<128xi32, #tpu.memory_space<vmem>>) semaphore(%arg9 : memref<!tpu.dma_semaphore, #tpu.memory_space<semaphore_mem>>) {add = true}
      %mul3A_173 = arith.constant 40 : i32
      %mul3A_174 = arith.muli %scan3A_33, %mul3A_173 : i32
      %add3A_175 = arith.constant 14 : i32
      %add3A_176 = arith.addi %mul3A_174, %add3A_175 : i32
      %dma_start3A_177 = arith.constant 0 : i32
      %dma_start3A_178 = tpu.memref_slice %arg6[%add3A_176, %dma_start3A_177] : memref<80x128xi32, #tpu.memory_space<vmem>> -> memref<1x128xi32, #tpu.memory_space<vmem>>
      %dma_start3A_179 = tpu.memref_squeeze %dma_start3A_178 : memref<1x128xi32, #tpu.memory_space<vmem>> -> memref<128xi32, #tpu.memory_space<vmem>>
      %dma_start3A_180 = arith.constant 0 : i32
      %dma_start3A_181 = arith.constant 0 : i32
      %dma_start3A_182 = tpu.memref_slice %arg8[%dma_start3A_180, %dma_start3A_181] : memref<10240x128xf32, #tpu.memory_space<vmem_shared>> -> memref<10240x128xf32, #tpu.memory_space<vmem_shared>>
      tpu.enqueue_indirect_dma source(%arg7 : memref<128x128xf32, #tpu.memory_space<vmem>>) target(%dma_start3A_182 : memref<10240x128xf32, #tpu.memory_space<vmem_shared>>) offsets(%dma_start3A_179 : memref<128xi32, #tpu.memory_space<vmem>>) semaphore(%arg9 : memref<!tpu.dma_semaphore, #tpu.memory_space<semaphore_mem>>) {add = true}
      %mul3A_183 = arith.constant 40 : i32
      %mul3A_184 = arith.muli %scan3A_33, %mul3A_183 : i32
      %add3A_185 = arith.constant 15 : i32
      %add3A_186 = arith.addi %mul3A_184, %add3A_185 : i32
      %dma_start3A_187 = arith.constant 0 : i32
      %dma_start3A_188 = tpu.memref_slice %arg6[%add3A_186, %dma_start3A_187] : memref<80x128xi32, #tpu.memory_space<vmem>> -> memref<1x128xi32, #tpu.memory_space<vmem>>
      %dma_start3A_189 = tpu.memref_squeeze %dma_start3A_188 : memref<1x128xi32, #tpu.memory_space<vmem>> -> memref<128xi32, #tpu.memory_space<vmem>>
      %dma_start3A_190 = arith.constant 0 : i32
      %dma_start3A_191 = arith.constant 0 : i32
      %dma_start3A_192 = tpu.memref_slice %arg8[%dma_start3A_190, %dma_start3A_191] : memref<10240x128xf32, #tpu.memory_space<vmem_shared>> -> memref<10240x128xf32, #tpu.memory_space<vmem_shared>>
      tpu.enqueue_indirect_dma source(%arg7 : memref<128x128xf32, #tpu.memory_space<vmem>>) target(%dma_start3A_192 : memref<10240x128xf32, #tpu.memory_space<vmem_shared>>) offsets(%dma_start3A_189 : memref<128xi32, #tpu.memory_space<vmem>>) semaphore(%arg9 : memref<!tpu.dma_semaphore, #tpu.memory_space<semaphore_mem>>) {add = true}
      %mul3A_193 = arith.constant 40 : i32
      %mul3A_194 = arith.muli %scan3A_33, %mul3A_193 : i32
      %add3A_195 = arith.constant 16 : i32
      %add3A_196 = arith.addi %mul3A_194, %add3A_195 : i32
      %dma_start3A_197 = arith.constant 0 : i32
      %dma_start3A_198 = tpu.memref_slice %arg6[%add3A_196, %dma_start3A_197] : memref<80x128xi32, #tpu.memory_space<vmem>> -> memref<1x128xi32, #tpu.memory_space<vmem>>
      %dma_start3A_199 = tpu.memref_squeeze %dma_start3A_198 : memref<1x128xi32, #tpu.memory_space<vmem>> -> memref<128xi32, #tpu.memory_space<vmem>>
      %dma_start3A_200 = arith.constant 0 : i32
      %dma_start3A_201 = arith.constant 0 : i32
      %dma_start3A_202 = tpu.memref_slice %arg8[%dma_start3A_200, %dma_start3A_201] : memref<10240x128xf32, #tpu.memory_space<vmem_shared>> -> memref<10240x128xf32, #tpu.memory_space<vmem_shared>>
      tpu.enqueue_indirect_dma source(%arg7 : memref<128x128xf32, #tpu.memory_space<vmem>>) target(%dma_start3A_202 : memref<10240x128xf32, #tpu.memory_space<vmem_shared>>) offsets(%dma_start3A_199 : memref<128xi32, #tpu.memory_space<vmem>>) semaphore(%arg9 : memref<!tpu.dma_semaphore, #tpu.memory_space<semaphore_mem>>) {add = true}
      %mul3A_203 = arith.constant 40 : i32
      %mul3A_204 = arith.muli %scan3A_33, %mul3A_203 : i32
      %add3A_205 = arith.constant 17 : i32
      %add3A_206 = arith.addi %mul3A_204, %add3A_205 : i32
      %dma_start3A_207 = arith.constant 0 : i32
      %dma_start3A_208 = tpu.memref_slice %arg6[%add3A_206, %dma_start3A_207] : memref<80x128xi32, #tpu.memory_space<vmem>> -> memref<1x128xi32, #tpu.memory_space<vmem>>
      %dma_start3A_209 = tpu.memref_squeeze %dma_start3A_208 : memref<1x128xi32, #tpu.memory_space<vmem>> -> memref<128xi32, #tpu.memory_space<vmem>>
      %dma_start3A_210 = arith.constant 0 : i32
      %dma_start3A_211 = arith.constant 0 : i32
      %dma_start3A_212 = tpu.memref_slice %arg8[%dma_start3A_210, %dma_start3A_211] : memref<10240x128xf32, #tpu.memory_space<vmem_shared>> -> memref<10240x128xf32, #tpu.memory_space<vmem_shared>>
      tpu.enqueue_indirect_dma source(%arg7 : memref<128x128xf32, #tpu.memory_space<vmem>>) target(%dma_start3A_212 : memref<10240x128xf32, #tpu.memory_space<vmem_shared>>) offsets(%dma_start3A_209 : memref<128xi32, #tpu.memory_space<vmem>>) semaphore(%arg9 : memref<!tpu.dma_semaphore, #tpu.memory_space<semaphore_mem>>) {add = true}
      %mul3A_213 = arith.constant 40 : i32
      %mul3A_214 = arith.muli %scan3A_33, %mul3A_213 : i32
      %add3A_215 = arith.constant 18 : i32
      %add3A_216 = arith.addi %mul3A_214, %add3A_215 : i32
      %dma_start3A_217 = arith.constant 0 : i32
      %dma_start3A_218 = tpu.memref_slice %arg6[%add3A_216, %dma_start3A_217] : memref<80x128xi32, #tpu.memory_space<vmem>> -> memref<1x128xi32, #tpu.memory_space<vmem>>
      %dma_start3A_219 = tpu.memref_squeeze %dma_start3A_218 : memref<1x128xi32, #tpu.memory_space<vmem>> -> memref<128xi32, #tpu.memory_space<vmem>>
      %dma_start3A_220 = arith.constant 0 : i32
      %dma_start3A_221 = arith.constant 0 : i32
      %dma_start3A_222 = tpu.memref_slice %arg8[%dma_start3A_220, %dma_start3A_221] : memref<10240x128xf32, #tpu.memory_space<vmem_shared>> -> memref<10240x128xf32, #tpu.memory_space<vmem_shared>>
      tpu.enqueue_indirect_dma source(%arg7 : memref<128x128xf32, #tpu.memory_space<vmem>>) target(%dma_start3A_222 : memref<10240x128xf32, #tpu.memory_space<vmem_shared>>) offsets(%dma_start3A_219 : memref<128xi32, #tpu.memory_space<vmem>>) semaphore(%arg9 : memref<!tpu.dma_semaphore, #tpu.memory_space<semaphore_mem>>) {add = true}
      %mul3A_223 = arith.constant 40 : i32
      %mul3A_224 = arith.muli %scan3A_33, %mul3A_223 : i32
      %add3A_225 = arith.constant 19 : i32
      %add3A_226 = arith.addi %mul3A_224, %add3A_225 : i32
      %dma_start3A_227 = arith.constant 0 : i32
      %dma_start3A_228 = tpu.memref_slice %arg6[%add3A_226, %dma_start3A_227] : memref<80x128xi32, #tpu.memory_space<vmem>> -> memref<1x128xi32, #tpu.memory_space<vmem>>
      %dma_start3A_229 = tpu.memref_squeeze %dma_start3A_228 : memref<1x128xi32, #tpu.memory_space<vmem>> -> memref<128xi32, #tpu.memory_space<vmem>>
      %dma_start3A_230 = arith.constant 0 : i32
      %dma_start3A_231 = arith.constant 0 : i32
      %dma_start3A_232 = tpu.memref_slice %arg8[%dma_start3A_230, %dma_start3A_231] : memref<10240x128xf32, #tpu.memory_space<vmem_shared>> -> memref<10240x128xf32, #tpu.memory_space<vmem_shared>>
      tpu.enqueue_indirect_dma source(%arg7 : memref<128x128xf32, #tpu.memory_space<vmem>>) target(%dma_start3A_232 : memref<10240x128xf32, #tpu.memory_space<vmem_shared>>) offsets(%dma_start3A_229 : memref<128xi32, #tpu.memory_space<vmem>>) semaphore(%arg9 : memref<!tpu.dma_semaphore, #tpu.memory_space<semaphore_mem>>) {add = true}
      %mul3A_233 = arith.constant 40 : i32
      %mul3A_234 = arith.muli %scan3A_33, %mul3A_233 : i32
      %add3A_235 = arith.constant 20 : i32
      %add3A_236 = arith.addi %mul3A_234, %add3A_235 : i32
      %dma_start3A_237 = arith.constant 0 : i32
      %dma_start3A_238 = tpu.memref_slice %arg6[%add3A_236, %dma_start3A_237] : memref<80x128xi32, #tpu.memory_space<vmem>> -> memref<1x128xi32, #tpu.memory_space<vmem>>
      %dma_start3A_239 = tpu.memref_squeeze %dma_start3A_238 : memref<1x128xi32, #tpu.memory_space<vmem>> -> memref<128xi32, #tpu.memory_space<vmem>>
      %dma_start3A_240 = arith.constant 0 : i32
      %dma_start3A_241 = arith.constant 0 : i32
      %dma_start3A_242 = tpu.memref_slice %arg8[%dma_start3A_240, %dma_start3A_241] : memref<10240x128xf32, #tpu.memory_space<vmem_shared>> -> memref<10240x128xf32, #tpu.memory_space<vmem_shared>>
      tpu.enqueue_indirect_dma source(%arg7 : memref<128x128xf32, #tpu.memory_space<vmem>>) target(%dma_start3A_242 : memref<10240x128xf32, #tpu.memory_space<vmem_shared>>) offsets(%dma_start3A_239 : memref<128xi32, #tpu.memory_space<vmem>>) semaphore(%arg9 : memref<!tpu.dma_semaphore, #tpu.memory_space<semaphore_mem>>) {add = true}
      %mul3A_243 = arith.constant 40 : i32
      %mul3A_244 = arith.muli %scan3A_33, %mul3A_243 : i32
      %add3A_245 = arith.constant 21 : i32
      %add3A_246 = arith.addi %mul3A_244, %add3A_245 : i32
      %dma_start3A_247 = arith.constant 0 : i32
      %dma_start3A_248 = tpu.memref_slice %arg6[%add3A_246, %dma_start3A_247] : memref<80x128xi32, #tpu.memory_space<vmem>> -> memref<1x128xi32, #tpu.memory_space<vmem>>
      %dma_start3A_249 = tpu.memref_squeeze %dma_start3A_248 : memref<1x128xi32, #tpu.memory_space<vmem>> -> memref<128xi32, #tpu.memory_space<vmem>>
      %dma_start3A_250 = arith.constant 0 : i32
      %dma_start3A_251 = arith.constant 0 : i32
      %dma_start3A_252 = tpu.memref_slice %arg8[%dma_start3A_250, %dma_start3A_251] : memref<10240x128xf32, #tpu.memory_space<vmem_shared>> -> memref<10240x128xf32, #tpu.memory_space<vmem_shared>>
      tpu.enqueue_indirect_dma source(%arg7 : memref<128x128xf32, #tpu.memory_space<vmem>>) target(%dma_start3A_252 : memref<10240x128xf32, #tpu.memory_space<vmem_shared>>) offsets(%dma_start3A_249 : memref<128xi32, #tpu.memory_space<vmem>>) semaphore(%arg9 : memref<!tpu.dma_semaphore, #tpu.memory_space<semaphore_mem>>) {add = true}
      %mul3A_253 = arith.constant 40 : i32
      %mul3A_254 = arith.muli %scan3A_33, %mul3A_253 : i32
      %add3A_255 = arith.constant 22 : i32
      %add3A_256 = arith.addi %mul3A_254, %add3A_255 : i32
      %dma_start3A_257 = arith.constant 0 : i32
      %dma_start3A_258 = tpu.memref_slice %arg6[%add3A_256, %dma_start3A_257] : memref<80x128xi32, #tpu.memory_space<vmem>> -> memref<1x128xi32, #tpu.memory_space<vmem>>
      %dma_start3A_259 = tpu.memref_squeeze %dma_start3A_258 : memref<1x128xi32, #tpu.memory_space<vmem>> -> memref<128xi32, #tpu.memory_space<vmem>>
      %dma_start3A_260 = arith.constant 0 : i32
      %dma_start3A_261 = arith.constant 0 : i32
      %dma_start3A_262 = tpu.memref_slice %arg8[%dma_start3A_260, %dma_start3A_261] : memref<10240x128xf32, #tpu.memory_space<vmem_shared>> -> memref<10240x128xf32, #tpu.memory_space<vmem_shared>>
      tpu.enqueue_indirect_dma source(%arg7 : memref<128x128xf32, #tpu.memory_space<vmem>>) target(%dma_start3A_262 : memref<10240x128xf32, #tpu.memory_space<vmem_shared>>) offsets(%dma_start3A_259 : memref<128xi32, #tpu.memory_space<vmem>>) semaphore(%arg9 : memref<!tpu.dma_semaphore, #tpu.memory_space<semaphore_mem>>) {add = true}
      %mul3A_263 = arith.constant 40 : i32
      %mul3A_264 = arith.muli %scan3A_33, %mul3A_263 : i32
      %add3A_265 = arith.constant 23 : i32
      %add3A_266 = arith.addi %mul3A_264, %add3A_265 : i32
      %dma_start3A_267 = arith.constant 0 : i32
      %dma_start3A_268 = tpu.memref_slice %arg6[%add3A_266, %dma_start3A_267] : memref<80x128xi32, #tpu.memory_space<vmem>> -> memref<1x128xi32, #tpu.memory_space<vmem>>
      %dma_start3A_269 = tpu.memref_squeeze %dma_start3A_268 : memref<1x128xi32, #tpu.memory_space<vmem>> -> memref<128xi32, #tpu.memory_space<vmem>>
      %dma_start3A_270 = arith.constant 0 : i32
      %dma_start3A_271 = arith.constant 0 : i32
      %dma_start3A_272 = tpu.memref_slice %arg8[%dma_start3A_270, %dma_start3A_271] : memref<10240x128xf32, #tpu.memory_space<vmem_shared>> -> memref<10240x128xf32, #tpu.memory_space<vmem_shared>>
      tpu.enqueue_indirect_dma source(%arg7 : memref<128x128xf32, #tpu.memory_space<vmem>>) target(%dma_start3A_272 : memref<10240x128xf32, #tpu.memory_space<vmem_shared>>) offsets(%dma_start3A_269 : memref<128xi32, #tpu.memory_space<vmem>>) semaphore(%arg9 : memref<!tpu.dma_semaphore, #tpu.memory_space<semaphore_mem>>) {add = true}
      %mul3A_273 = arith.constant 40 : i32
      %mul3A_274 = arith.muli %scan3A_33, %mul3A_273 : i32
      %add3A_275 = arith.constant 24 : i32
      %add3A_276 = arith.addi %mul3A_274, %add3A_275 : i32
      %dma_start3A_277 = arith.constant 0 : i32
      %dma_start3A_278 = tpu.memref_slice %arg6[%add3A_276, %dma_start3A_277] : memref<80x128xi32, #tpu.memory_space<vmem>> -> memref<1x128xi32, #tpu.memory_space<vmem>>
      %dma_start3A_279 = tpu.memref_squeeze %dma_start3A_278 : memref<1x128xi32, #tpu.memory_space<vmem>> -> memref<128xi32, #tpu.memory_space<vmem>>
      %dma_start3A_280 = arith.constant 0 : i32
      %dma_start3A_281 = arith.constant 0 : i32
      %dma_start3A_282 = tpu.memref_slice %arg8[%dma_start3A_280, %dma_start3A_281] : memref<10240x128xf32, #tpu.memory_space<vmem_shared>> -> memref<10240x128xf32, #tpu.memory_space<vmem_shared>>
      tpu.enqueue_indirect_dma source(%arg7 : memref<128x128xf32, #tpu.memory_space<vmem>>) target(%dma_start3A_282 : memref<10240x128xf32, #tpu.memory_space<vmem_shared>>) offsets(%dma_start3A_279 : memref<128xi32, #tpu.memory_space<vmem>>) semaphore(%arg9 : memref<!tpu.dma_semaphore, #tpu.memory_space<semaphore_mem>>) {add = true}
      %mul3A_283 = arith.constant 40 : i32
      %mul3A_284 = arith.muli %scan3A_33, %mul3A_283 : i32
      %add3A_285 = arith.constant 25 : i32
      %add3A_286 = arith.addi %mul3A_284, %add3A_285 : i32
      %dma_start3A_287 = arith.constant 0 : i32
      %dma_start3A_288 = tpu.memref_slice %arg6[%add3A_286, %dma_start3A_287] : memref<80x128xi32, #tpu.memory_space<vmem>> -> memref<1x128xi32, #tpu.memory_space<vmem>>
      %dma_start3A_289 = tpu.memref_squeeze %dma_start3A_288 : memref<1x128xi32, #tpu.memory_space<vmem>> -> memref<128xi32, #tpu.memory_space<vmem>>
      %dma_start3A_290 = arith.constant 0 : i32
      %dma_start3A_291 = arith.constant 0 : i32
      %dma_start3A_292 = tpu.memref_slice %arg8[%dma_start3A_290, %dma_start3A_291] : memref<10240x128xf32, #tpu.memory_space<vmem_shared>> -> memref<10240x128xf32, #tpu.memory_space<vmem_shared>>
      tpu.enqueue_indirect_dma source(%arg7 : memref<128x128xf32, #tpu.memory_space<vmem>>) target(%dma_start3A_292 : memref<10240x128xf32, #tpu.memory_space<vmem_shared>>) offsets(%dma_start3A_289 : memref<128xi32, #tpu.memory_space<vmem>>) semaphore(%arg9 : memref<!tpu.dma_semaphore, #tpu.memory_space<semaphore_mem>>) {add = true}
      %mul3A_293 = arith.constant 40 : i32
      %mul3A_294 = arith.muli %scan3A_33, %mul3A_293 : i32
      %add3A_295 = arith.constant 26 : i32
      %add3A_296 = arith.addi %mul3A_294, %add3A_295 : i32
      %dma_start3A_297 = arith.constant 0 : i32
      %dma_start3A_298 = tpu.memref_slice %arg6[%add3A_296, %dma_start3A_297] : memref<80x128xi32, #tpu.memory_space<vmem>> -> memref<1x128xi32, #tpu.memory_space<vmem>>
      %dma_start3A_299 = tpu.memref_squeeze %dma_start3A_298 : memref<1x128xi32, #tpu.memory_space<vmem>> -> memref<128xi32, #tpu.memory_space<vmem>>
      %dma_start3A_300 = arith.constant 0 : i32
      %dma_start3A_301 = arith.constant 0 : i32
      %dma_start3A_302 = tpu.memref_slice %arg8[%dma_start3A_300, %dma_start3A_301] : memref<10240x128xf32, #tpu.memory_space<vmem_shared>> -> memref<10240x128xf32, #tpu.memory_space<vmem_shared>>
      tpu.enqueue_indirect_dma source(%arg7 : memref<128x128xf32, #tpu.memory_space<vmem>>) target(%dma_start3A_302 : memref<10240x128xf32, #tpu.memory_space<vmem_shared>>) offsets(%dma_start3A_299 : memref<128xi32, #tpu.memory_space<vmem>>) semaphore(%arg9 : memref<!tpu.dma_semaphore, #tpu.memory_space<semaphore_mem>>) {add = true}
      %mul3A_303 = arith.constant 40 : i32
      %mul3A_304 = arith.muli %scan3A_33, %mul3A_303 : i32
      %add3A_305 = arith.constant 27 : i32
      %add3A_306 = arith.addi %mul3A_304, %add3A_305 : i32
      %dma_start3A_307 = arith.constant 0 : i32
      %dma_start3A_308 = tpu.memref_slice %arg6[%add3A_306, %dma_start3A_307] : memref<80x128xi32, #tpu.memory_space<vmem>> -> memref<1x128xi32, #tpu.memory_space<vmem>>
      %dma_start3A_309 = tpu.memref_squeeze %dma_start3A_308 : memref<1x128xi32, #tpu.memory_space<vmem>> -> memref<128xi32, #tpu.memory_space<vmem>>
      %dma_start3A_310 = arith.constant 0 : i32
      %dma_start3A_311 = arith.constant 0 : i32
      %dma_start3A_312 = tpu.memref_slice %arg8[%dma_start3A_310, %dma_start3A_311] : memref<10240x128xf32, #tpu.memory_space<vmem_shared>> -> memref<10240x128xf32, #tpu.memory_space<vmem_shared>>
      tpu.enqueue_indirect_dma source(%arg7 : memref<128x128xf32, #tpu.memory_space<vmem>>) target(%dma_start3A_312 : memref<10240x128xf32, #tpu.memory_space<vmem_shared>>) offsets(%dma_start3A_309 : memref<128xi32, #tpu.memory_space<vmem>>) semaphore(%arg9 : memref<!tpu.dma_semaphore, #tpu.memory_space<semaphore_mem>>) {add = true}
      %mul3A_313 = arith.constant 40 : i32
      %mul3A_314 = arith.muli %scan3A_33, %mul3A_313 : i32
      %add3A_315 = arith.constant 28 : i32
      %add3A_316 = arith.addi %mul3A_314, %add3A_315 : i32
      %dma_start3A_317 = arith.constant 0 : i32
      %dma_start3A_318 = tpu.memref_slice %arg6[%add3A_316, %dma_start3A_317] : memref<80x128xi32, #tpu.memory_space<vmem>> -> memref<1x128xi32, #tpu.memory_space<vmem>>
      %dma_start3A_319 = tpu.memref_squeeze %dma_start3A_318 : memref<1x128xi32, #tpu.memory_space<vmem>> -> memref<128xi32, #tpu.memory_space<vmem>>
      %dma_start3A_320 = arith.constant 0 : i32
      %dma_start3A_321 = arith.constant 0 : i32
      %dma_start3A_322 = tpu.memref_slice %arg8[%dma_start3A_320, %dma_start3A_321] : memref<10240x128xf32, #tpu.memory_space<vmem_shared>> -> memref<10240x128xf32, #tpu.memory_space<vmem_shared>>
      tpu.enqueue_indirect_dma source(%arg7 : memref<128x128xf32, #tpu.memory_space<vmem>>) target(%dma_start3A_322 : memref<10240x128xf32, #tpu.memory_space<vmem_shared>>) offsets(%dma_start3A_319 : memref<128xi32, #tpu.memory_space<vmem>>) semaphore(%arg9 : memref<!tpu.dma_semaphore, #tpu.memory_space<semaphore_mem>>) {add = true}
      %mul3A_323 = arith.constant 40 : i32
      %mul3A_324 = arith.muli %scan3A_33, %mul3A_323 : i32
      %add3A_325 = arith.constant 29 : i32
      %add3A_326 = arith.addi %mul3A_324, %add3A_325 : i32
      %dma_start3A_327 = arith.constant 0 : i32
      %dma_start3A_328 = tpu.memref_slice %arg6[%add3A_326, %dma_start3A_327] : memref<80x128xi32, #tpu.memory_space<vmem>> -> memref<1x128xi32, #tpu.memory_space<vmem>>
      %dma_start3A_329 = tpu.memref_squeeze %dma_start3A_328 : memref<1x128xi32, #tpu.memory_space<vmem>> -> memref<128xi32, #tpu.memory_space<vmem>>
      %dma_start3A_330 = arith.constant 0 : i32
      %dma_start3A_331 = arith.constant 0 : i32
      %dma_start3A_332 = tpu.memref_slice %arg8[%dma_start3A_330, %dma_start3A_331] : memref<10240x128xf32, #tpu.memory_space<vmem_shared>> -> memref<10240x128xf32, #tpu.memory_space<vmem_shared>>
      tpu.enqueue_indirect_dma source(%arg7 : memref<128x128xf32, #tpu.memory_space<vmem>>) target(%dma_start3A_332 : memref<10240x128xf32, #tpu.memory_space<vmem_shared>>) offsets(%dma_start3A_329 : memref<128xi32, #tpu.memory_space<vmem>>) semaphore(%arg9 : memref<!tpu.dma_semaphore, #tpu.memory_space<semaphore_mem>>) {add = true}
      %mul3A_333 = arith.constant 40 : i32
      %mul3A_334 = arith.muli %scan3A_33, %mul3A_333 : i32
      %add3A_335 = arith.constant 30 : i32
      %add3A_336 = arith.addi %mul3A_334, %add3A_335 : i32
      %dma_start3A_337 = arith.constant 0 : i32
      %dma_start3A_338 = tpu.memref_slice %arg6[%add3A_336, %dma_start3A_337] : memref<80x128xi32, #tpu.memory_space<vmem>> -> memref<1x128xi32, #tpu.memory_space<vmem>>
      %dma_start3A_339 = tpu.memref_squeeze %dma_start3A_338 : memref<1x128xi32, #tpu.memory_space<vmem>> -> memref<128xi32, #tpu.memory_space<vmem>>
      %dma_start3A_340 = arith.constant 0 : i32
      %dma_start3A_341 = arith.constant 0 : i32
      %dma_start3A_342 = tpu.memref_slice %arg8[%dma_start3A_340, %dma_start3A_341] : memref<10240x128xf32, #tpu.memory_space<vmem_shared>> -> memref<10240x128xf32, #tpu.memory_space<vmem_shared>>
      tpu.enqueue_indirect_dma source(%arg7 : memref<128x128xf32, #tpu.memory_space<vmem>>) target(%dma_start3A_342 : memref<10240x128xf32, #tpu.memory_space<vmem_shared>>) offsets(%dma_start3A_339 : memref<128xi32, #tpu.memory_space<vmem>>) semaphore(%arg9 : memref<!tpu.dma_semaphore, #tpu.memory_space<semaphore_mem>>) {add = true}
      %mul3A_343 = arith.constant 40 : i32
      %mul3A_344 = arith.muli %scan3A_33, %mul3A_343 : i32
      %add3A_345 = arith.constant 31 : i32
      %add3A_346 = arith.addi %mul3A_344, %add3A_345 : i32
      %dma_start3A_347 = arith.constant 0 : i32
      %dma_start3A_348 = tpu.memref_slice %arg6[%add3A_346, %dma_start3A_347] : memref<80x128xi32, #tpu.memory_space<vmem>> -> memref<1x128xi32, #tpu.memory_space<vmem>>
      %dma_start3A_349 = tpu.memref_squeeze %dma_start3A_348 : memref<1x128xi32, #tpu.memory_space<vmem>> -> memref<128xi32, #tpu.memory_space<vmem>>
      %dma_start3A_350 = arith.constant 0 : i32
      %dma_start3A_351 = arith.constant 0 : i32
      %dma_start3A_352 = tpu.memref_slice %arg8[%dma_start3A_350, %dma_start3A_351] : memref<10240x128xf32, #tpu.memory_space<vmem_shared>> -> memref<10240x128xf32, #tpu.memory_space<vmem_shared>>
      tpu.enqueue_indirect_dma source(%arg7 : memref<128x128xf32, #tpu.memory_space<vmem>>) target(%dma_start3A_352 : memref<10240x128xf32, #tpu.memory_space<vmem_shared>>) offsets(%dma_start3A_349 : memref<128xi32, #tpu.memory_space<vmem>>) semaphore(%arg9 : memref<!tpu.dma_semaphore, #tpu.memory_space<semaphore_mem>>) {add = true}
      %mul3A_353 = arith.constant 40 : i32
      %mul3A_354 = arith.muli %scan3A_33, %mul3A_353 : i32
      %add3A_355 = arith.constant 32 : i32
      %add3A_356 = arith.addi %mul3A_354, %add3A_355 : i32
      %dma_start3A_357 = arith.constant 0 : i32
      %dma_start3A_358 = tpu.memref_slice %arg6[%add3A_356, %dma_start3A_357] : memref<80x128xi32, #tpu.memory_space<vmem>> -> memref<1x128xi32, #tpu.memory_space<vmem>>
      %dma_start3A_359 = tpu.memref_squeeze %dma_start3A_358 : memref<1x128xi32, #tpu.memory_space<vmem>> -> memref<128xi32, #tpu.memory_space<vmem>>
      %dma_start3A_360 = arith.constant 0 : i32
      %dma_start3A_361 = arith.constant 0 : i32
      %dma_start3A_362 = tpu.memref_slice %arg8[%dma_start3A_360, %dma_start3A_361] : memref<10240x128xf32, #tpu.memory_space<vmem_shared>> -> memref<10240x128xf32, #tpu.memory_space<vmem_shared>>
      tpu.enqueue_indirect_dma source(%arg7 : memref<128x128xf32, #tpu.memory_space<vmem>>) target(%dma_start3A_362 : memref<10240x128xf32, #tpu.memory_space<vmem_shared>>) offsets(%dma_start3A_359 : memref<128xi32, #tpu.memory_space<vmem>>) semaphore(%arg9 : memref<!tpu.dma_semaphore, #tpu.memory_space<semaphore_mem>>) {add = true}
      %mul3A_363 = arith.constant 40 : i32
      %mul3A_364 = arith.muli %scan3A_33, %mul3A_363 : i32
      %add3A_365 = arith.constant 33 : i32
      %add3A_366 = arith.addi %mul3A_364, %add3A_365 : i32
      %dma_start3A_367 = arith.constant 0 : i32
      %dma_start3A_368 = tpu.memref_slice %arg6[%add3A_366, %dma_start3A_367] : memref<80x128xi32, #tpu.memory_space<vmem>> -> memref<1x128xi32, #tpu.memory_space<vmem>>
      %dma_start3A_369 = tpu.memref_squeeze %dma_start3A_368 : memref<1x128xi32, #tpu.memory_space<vmem>> -> memref<128xi32, #tpu.memory_space<vmem>>
      %dma_start3A_370 = arith.constant 0 : i32
      %dma_start3A_371 = arith.constant 0 : i32
      %dma_start3A_372 = tpu.memref_slice %arg8[%dma_start3A_370, %dma_start3A_371] : memref<10240x128xf32, #tpu.memory_space<vmem_shared>> -> memref<10240x128xf32, #tpu.memory_space<vmem_shared>>
      tpu.enqueue_indirect_dma source(%arg7 : memref<128x128xf32, #tpu.memory_space<vmem>>) target(%dma_start3A_372 : memref<10240x128xf32, #tpu.memory_space<vmem_shared>>) offsets(%dma_start3A_369 : memref<128xi32, #tpu.memory_space<vmem>>) semaphore(%arg9 : memref<!tpu.dma_semaphore, #tpu.memory_space<semaphore_mem>>) {add = true}
      %mul3A_373 = arith.constant 40 : i32
      %mul3A_374 = arith.muli %scan3A_33, %mul3A_373 : i32
      %add3A_375 = arith.constant 34 : i32
      %add3A_376 = arith.addi %mul3A_374, %add3A_375 : i32
      %dma_start3A_377 = arith.constant 0 : i32
      %dma_start3A_378 = tpu.memref_slice %arg6[%add3A_376, %dma_start3A_377] : memref<80x128xi32, #tpu.memory_space<vmem>> -> memref<1x128xi32, #tpu.memory_space<vmem>>
      %dma_start3A_379 = tpu.memref_squeeze %dma_start3A_378 : memref<1x128xi32, #tpu.memory_space<vmem>> -> memref<128xi32, #tpu.memory_space<vmem>>
      %dma_start3A_380 = arith.constant 0 : i32
      %dma_start3A_381 = arith.constant 0 : i32
      %dma_start3A_382 = tpu.memref_slice %arg8[%dma_start3A_380, %dma_start3A_381] : memref<10240x128xf32, #tpu.memory_space<vmem_shared>> -> memref<10240x128xf32, #tpu.memory_space<vmem_shared>>
      tpu.enqueue_indirect_dma source(%arg7 : memref<128x128xf32, #tpu.memory_space<vmem>>) target(%dma_start3A_382 : memref<10240x128xf32, #tpu.memory_space<vmem_shared>>) offsets(%dma_start3A_379 : memref<128xi32, #tpu.memory_space<vmem>>) semaphore(%arg9 : memref<!tpu.dma_semaphore, #tpu.memory_space<semaphore_mem>>) {add = true}
      %mul3A_383 = arith.constant 40 : i32
      %mul3A_384 = arith.muli %scan3A_33, %mul3A_383 : i32
      %add3A_385 = arith.constant 35 : i32
      %add3A_386 = arith.addi %mul3A_384, %add3A_385 : i32
      %dma_start3A_387 = arith.constant 0 : i32
      %dma_start3A_388 = tpu.memref_slice %arg6[%add3A_386, %dma_start3A_387] : memref<80x128xi32, #tpu.memory_space<vmem>> -> memref<1x128xi32, #tpu.memory_space<vmem>>
      %dma_start3A_389 = tpu.memref_squeeze %dma_start3A_388 : memref<1x128xi32, #tpu.memory_space<vmem>> -> memref<128xi32, #tpu.memory_space<vmem>>
      %dma_start3A_390 = arith.constant 0 : i32
      %dma_start3A_391 = arith.constant 0 : i32
      %dma_start3A_392 = tpu.memref_slice %arg8[%dma_start3A_390, %dma_start3A_391] : memref<10240x128xf32, #tpu.memory_space<vmem_shared>> -> memref<10240x128xf32, #tpu.memory_space<vmem_shared>>
      tpu.enqueue_indirect_dma source(%arg7 : memref<128x128xf32, #tpu.memory_space<vmem>>) target(%dma_start3A_392 : memref<10240x128xf32, #tpu.memory_space<vmem_shared>>) offsets(%dma_start3A_389 : memref<128xi32, #tpu.memory_space<vmem>>) semaphore(%arg9 : memref<!tpu.dma_semaphore, #tpu.memory_space<semaphore_mem>>) {add = true}
      %mul3A_393 = arith.constant 40 : i32
      %mul3A_394 = arith.muli %scan3A_33, %mul3A_393 : i32
      %add3A_395 = arith.constant 36 : i32
      %add3A_396 = arith.addi %mul3A_394, %add3A_395 : i32
      %dma_start3A_397 = arith.constant 0 : i32
      %dma_start3A_398 = tpu.memref_slice %arg6[%add3A_396, %dma_start3A_397] : memref<80x128xi32, #tpu.memory_space<vmem>> -> memref<1x128xi32, #tpu.memory_space<vmem>>
      %dma_start3A_399 = tpu.memref_squeeze %dma_start3A_398 : memref<1x128xi32, #tpu.memory_space<vmem>> -> memref<128xi32, #tpu.memory_space<vmem>>
      %dma_start3A_400 = arith.constant 0 : i32
      %dma_start3A_401 = arith.constant 0 : i32
      %dma_start3A_402 = tpu.memref_slice %arg8[%dma_start3A_400, %dma_start3A_401] : memref<10240x128xf32, #tpu.memory_space<vmem_shared>> -> memref<10240x128xf32, #tpu.memory_space<vmem_shared>>
      tpu.enqueue_indirect_dma source(%arg7 : memref<128x128xf32, #tpu.memory_space<vmem>>) target(%dma_start3A_402 : memref<10240x128xf32, #tpu.memory_space<vmem_shared>>) offsets(%dma_start3A_399 : memref<128xi32, #tpu.memory_space<vmem>>) semaphore(%arg9 : memref<!tpu.dma_semaphore, #tpu.memory_space<semaphore_mem>>) {add = true}
      %mul3A_403 = arith.constant 40 : i32
      %mul3A_404 = arith.muli %scan3A_33, %mul3A_403 : i32
      %add3A_405 = arith.constant 37 : i32
      %add3A_406 = arith.addi %mul3A_404, %add3A_405 : i32
      %dma_start3A_407 = arith.constant 0 : i32
      %dma_start3A_408 = tpu.memref_slice %arg6[%add3A_406, %dma_start3A_407] : memref<80x128xi32, #tpu.memory_space<vmem>> -> memref<1x128xi32, #tpu.memory_space<vmem>>
      %dma_start3A_409 = tpu.memref_squeeze %dma_start3A_408 : memref<1x128xi32, #tpu.memory_space<vmem>> -> memref<128xi32, #tpu.memory_space<vmem>>
      %dma_start3A_410 = arith.constant 0 : i32
      %dma_start3A_411 = arith.constant 0 : i32
      %dma_start3A_412 = tpu.memref_slice %arg8[%dma_start3A_410, %dma_start3A_411] : memref<10240x128xf32, #tpu.memory_space<vmem_shared>> -> memref<10240x128xf32, #tpu.memory_space<vmem_shared>>
      tpu.enqueue_indirect_dma source(%arg7 : memref<128x128xf32, #tpu.memory_space<vmem>>) target(%dma_start3A_412 : memref<10240x128xf32, #tpu.memory_space<vmem_shared>>) offsets(%dma_start3A_409 : memref<128xi32, #tpu.memory_space<vmem>>) semaphore(%arg9 : memref<!tpu.dma_semaphore, #tpu.memory_space<semaphore_mem>>) {add = true}
      %mul3A_413 = arith.constant 40 : i32
      %mul3A_414 = arith.muli %scan3A_33, %mul3A_413 : i32
      %add3A_415 = arith.constant 38 : i32
      %add3A_416 = arith.addi %mul3A_414, %add3A_415 : i32
      %dma_start3A_417 = arith.constant 0 : i32
      %dma_start3A_418 = tpu.memref_slice %arg6[%add3A_416, %dma_start3A_417] : memref<80x128xi32, #tpu.memory_space<vmem>> -> memref<1x128xi32, #tpu.memory_space<vmem>>
      %dma_start3A_419 = tpu.memref_squeeze %dma_start3A_418 : memref<1x128xi32, #tpu.memory_space<vmem>> -> memref<128xi32, #tpu.memory_space<vmem>>
      %dma_start3A_420 = arith.constant 0 : i32
      %dma_start3A_421 = arith.constant 0 : i32
      %dma_start3A_422 = tpu.memref_slice %arg8[%dma_start3A_420, %dma_start3A_421] : memref<10240x128xf32, #tpu.memory_space<vmem_shared>> -> memref<10240x128xf32, #tpu.memory_space<vmem_shared>>
      tpu.enqueue_indirect_dma source(%arg7 : memref<128x128xf32, #tpu.memory_space<vmem>>) target(%dma_start3A_422 : memref<10240x128xf32, #tpu.memory_space<vmem_shared>>) offsets(%dma_start3A_419 : memref<128xi32, #tpu.memory_space<vmem>>) semaphore(%arg9 : memref<!tpu.dma_semaphore, #tpu.memory_space<semaphore_mem>>) {add = true}
      %mul3A_423 = arith.constant 40 : i32
      %mul3A_424 = arith.muli %scan3A_33, %mul3A_423 : i32
      %add3A_425 = arith.constant 39 : i32
      %add3A_426 = arith.addi %mul3A_424, %add3A_425 : i32
      %dma_start3A_427 = arith.constant 0 : i32
      %dma_start3A_428 = tpu.memref_slice %arg6[%add3A_426, %dma_start3A_427] : memref<80x128xi32, #tpu.memory_space<vmem>> -> memref<1x128xi32, #tpu.memory_space<vmem>>
      %dma_start3A_429 = tpu.memref_squeeze %dma_start3A_428 : memref<1x128xi32, #tpu.memory_space<vmem>> -> memref<128xi32, #tpu.memory_space<vmem>>
      %dma_start3A_430 = arith.constant 0 : i32
      %dma_start3A_431 = arith.constant 0 : i32
      %dma_start3A_432 = tpu.memref_slice %arg8[%dma_start3A_430, %dma_start3A_431] : memref<10240x128xf32, #tpu.memory_space<vmem_shared>> -> memref<10240x128xf32, #tpu.memory_space<vmem_shared>>
      tpu.enqueue_indirect_dma source(%arg7 : memref<128x128xf32, #tpu.memory_space<vmem>>) target(%dma_start3A_432 : memref<10240x128xf32, #tpu.memory_space<vmem_shared>>) offsets(%dma_start3A_429 : memref<128xi32, #tpu.memory_space<vmem>>) semaphore(%arg9 : memref<!tpu.dma_semaphore, #tpu.memory_space<semaphore_mem>>) {add = true}
      %dma_wait3A = arith.constant 0 : i32
      %dma_wait3A_433 = arith.constant 0 : i32
      %dma_wait3A_434 = tpu.memref_slice %arg6[%dma_wait3A, %dma_wait3A_433] : memref<80x128xi32, #tpu.memory_space<vmem>> -> memref<1x128xi32, #tpu.memory_space<vmem>>
      %dma_wait3A_435 = tpu.memref_squeeze %dma_wait3A_434 : memref<1x128xi32, #tpu.memory_space<vmem>> -> memref<128xi32, #tpu.memory_space<vmem>>
      %dma_wait3A_436 = arith.constant 0 : i32
      %dma_wait3A_437 = arith.constant 0 : i32
      %dma_wait3A_438 = tpu.memref_slice %arg8[%dma_wait3A_436, %dma_wait3A_437] : memref<10240x128xf32, #tpu.memory_space<vmem_shared>> -> memref<10240x128xf32, #tpu.memory_space<vmem_shared>>
      tpu.wait_indirect_dma semaphore(%arg9 : memref<!tpu.dma_semaphore, #tpu.memory_space<semaphore_mem>>) src(%arg7 : memref<128x128xf32, #tpu.memory_space<vmem>>) dst(%dma_wait3A_438 : memref<10240x128xf32, #tpu.memory_space<vmem_shared>>)
      %dma_wait3A_439 = arith.constant 0 : i32
      %dma_wait3A_440 = arith.constant 0 : i32
      %dma_wait3A_441 = tpu.memref_slice %arg6[%dma_wait3A_439, %dma_wait3A_440] : memref<80x128xi32, #tpu.memory_space<vmem>> -> memref<1x128xi32, #tpu.memory_space<vmem>>
      %dma_wait3A_442 = tpu.memref_squeeze %dma_wait3A_441 : memref<1x128xi32, #tpu.memory_space<vmem>> -> memref<128xi32, #tpu.memory_space<vmem>>
      %dma_wait3A_443 = arith.constant 0 : i32
      %dma_wait3A_444 = arith.constant 0 : i32
      %dma_wait3A_445 = tpu.memref_slice %arg8[%dma_wait3A_443, %dma_wait3A_444] : memref<10240x128xf32, #tpu.memory_space<vmem_shared>> -> memref<10240x128xf32, #tpu.memory_space<vmem_shared>>
      tpu.wait_indirect_dma semaphore(%arg9 : memref<!tpu.dma_semaphore, #tpu.memory_space<semaphore_mem>>) src(%arg7 : memref<128x128xf32, #tpu.memory_space<vmem>>) dst(%dma_wait3A_445 : memref<10240x128xf32, #tpu.memory_space<vmem_shared>>)
      %dma_wait3A_446 = arith.constant 0 : i32
      %dma_wait3A_447 = arith.constant 0 : i32
      %dma_wait3A_448 = tpu.memref_slice %arg6[%dma_wait3A_446, %dma_wait3A_447] : memref<80x128xi32, #tpu.memory_space<vmem>> -> memref<1x128xi32, #tpu.memory_space<vmem>>
      %dma_wait3A_449 = tpu.memref_squeeze %dma_wait3A_448 : memref<1x128xi32, #tpu.memory_space<vmem>> -> memref<128xi32, #tpu.memory_space<vmem>>
      %dma_wait3A_450 = arith.constant 0 : i32
      %dma_wait3A_451 = arith.constant 0 : i32
      %dma_wait3A_452 = tpu.memref_slice %arg8[%dma_wait3A_450, %dma_wait3A_451] : memref<10240x128xf32, #tpu.memory_space<vmem_shared>> -> memref<10240x128xf32, #tpu.memory_space<vmem_shared>>
      tpu.wait_indirect_dma semaphore(%arg9 : memref<!tpu.dma_semaphore, #tpu.memory_space<semaphore_mem>>) src(%arg7 : memref<128x128xf32, #tpu.memory_space<vmem>>) dst(%dma_wait3A_452 : memref<10240x128xf32, #tpu.memory_space<vmem_shared>>)
      %dma_wait3A_453 = arith.constant 0 : i32
      %dma_wait3A_454 = arith.constant 0 : i32
      %dma_wait3A_455 = tpu.memref_slice %arg6[%dma_wait3A_453, %dma_wait3A_454] : memref<80x128xi32, #tpu.memory_space<vmem>> -> memref<1x128xi32, #tpu.memory_space<vmem>>
      %dma_wait3A_456 = tpu.memref_squeeze %dma_wait3A_455 : memref<1x128xi32, #tpu.memory_space<vmem>> -> memref<128xi32, #tpu.memory_space<vmem>>
      %dma_wait3A_457 = arith.constant 0 : i32
      %dma_wait3A_458 = arith.constant 0 : i32
      %dma_wait3A_459 = tpu.memref_slice %arg8[%dma_wait3A_457, %dma_wait3A_458] : memref<10240x128xf32, #tpu.memory_space<vmem_shared>> -> memref<10240x128xf32, #tpu.memory_space<vmem_shared>>
      tpu.wait_indirect_dma semaphore(%arg9 : memref<!tpu.dma_semaphore, #tpu.memory_space<semaphore_mem>>) src(%arg7 : memref<128x128xf32, #tpu.memory_space<vmem>>) dst(%dma_wait3A_459 : memref<10240x128xf32, #tpu.memory_space<vmem_shared>>)
      %dma_wait3A_460 = arith.constant 0 : i32
      %dma_wait3A_461 = arith.constant 0 : i32
      %dma_wait3A_462 = tpu.memref_slice %arg6[%dma_wait3A_460, %dma_wait3A_461] : memref<80x128xi32, #tpu.memory_space<vmem>> -> memref<1x128xi32, #tpu.memory_space<vmem>>
      %dma_wait3A_463 = tpu.memref_squeeze %dma_wait3A_462 : memref<1x128xi32, #tpu.memory_space<vmem>> -> memref<128xi32, #tpu.memory_space<vmem>>
      %dma_wait3A_464 = arith.constant 0 : i32
      %dma_wait3A_465 = arith.constant 0 : i32
      %dma_wait3A_466 = tpu.memref_slice %arg8[%dma_wait3A_464, %dma_wait3A_465] : memref<10240x128xf32, #tpu.memory_space<vmem_shared>> -> memref<10240x128xf32, #tpu.memory_space<vmem_shared>>
      tpu.wait_indirect_dma semaphore(%arg9 : memref<!tpu.dma_semaphore, #tpu.memory_space<semaphore_mem>>) src(%arg7 : memref<128x128xf32, #tpu.memory_space<vmem>>) dst(%dma_wait3A_466 : memref<10240x128xf32, #tpu.memory_space<vmem_shared>>)
      %dma_wait3A_467 = arith.constant 0 : i32
      %dma_wait3A_468 = arith.constant 0 : i32
      %dma_wait3A_469 = tpu.memref_slice %arg6[%dma_wait3A_467, %dma_wait3A_468] : memref<80x128xi32, #tpu.memory_space<vmem>> -> memref<1x128xi32, #tpu.memory_space<vmem>>
      %dma_wait3A_470 = tpu.memref_squeeze %dma_wait3A_469 : memref<1x128xi32, #tpu.memory_space<vmem>> -> memref<128xi32, #tpu.memory_space<vmem>>
      %dma_wait3A_471 = arith.constant 0 : i32
      %dma_wait3A_472 = arith.constant 0 : i32
      %dma_wait3A_473 = tpu.memref_slice %arg8[%dma_wait3A_471, %dma_wait3A_472] : memref<10240x128xf32, #tpu.memory_space<vmem_shared>> -> memref<10240x128xf32, #tpu.memory_space<vmem_shared>>
      tpu.wait_indirect_dma semaphore(%arg9 : memref<!tpu.dma_semaphore, #tpu.memory_space<semaphore_mem>>) src(%arg7 : memref<128x128xf32, #tpu.memory_space<vmem>>) dst(%dma_wait3A_473 : memref<10240x128xf32, #tpu.memory_space<vmem_shared>>)
      %dma_wait3A_474 = arith.constant 0 : i32
      %dma_wait3A_475 = arith.constant 0 : i32
      %dma_wait3A_476 = tpu.memref_slice %arg6[%dma_wait3A_474, %dma_wait3A_475] : memref<80x128xi32, #tpu.memory_space<vmem>> -> memref<1x128xi32, #tpu.memory_space<vmem>>
      %dma_wait3A_477 = tpu.memref_squeeze %dma_wait3A_476 : memref<1x128xi32, #tpu.memory_space<vmem>> -> memref<128xi32, #tpu.memory_space<vmem>>
      %dma_wait3A_478 = arith.constant 0 : i32
      %dma_wait3A_479 = arith.constant 0 : i32
      %dma_wait3A_480 = tpu.memref_slice %arg8[%dma_wait3A_478, %dma_wait3A_479] : memref<10240x128xf32, #tpu.memory_space<vmem_shared>> -> memref<10240x128xf32, #tpu.memory_space<vmem_shared>>
      tpu.wait_indirect_dma semaphore(%arg9 : memref<!tpu.dma_semaphore, #tpu.memory_space<semaphore_mem>>) src(%arg7 : memref<128x128xf32, #tpu.memory_space<vmem>>) dst(%dma_wait3A_480 : memref<10240x128xf32, #tpu.memory_space<vmem_shared>>)
      %dma_wait3A_481 = arith.constant 0 : i32
      %dma_wait3A_482 = arith.constant 0 : i32
      %dma_wait3A_483 = tpu.memref_slice %arg6[%dma_wait3A_481, %dma_wait3A_482] : memref<80x128xi32, #tpu.memory_space<vmem>> -> memref<1x128xi32, #tpu.memory_space<vmem>>
      %dma_wait3A_484 = tpu.memref_squeeze %dma_wait3A_483 : memref<1x128xi32, #tpu.memory_space<vmem>> -> memref<128xi32, #tpu.memory_space<vmem>>
      %dma_wait3A_485 = arith.constant 0 : i32
      %dma_wait3A_486 = arith.constant 0 : i32
      %dma_wait3A_487 = tpu.memref_slice %arg8[%dma_wait3A_485, %dma_wait3A_486] : memref<10240x128xf32, #tpu.memory_space<vmem_shared>> -> memref<10240x128xf32, #tpu.memory_space<vmem_shared>>
      tpu.wait_indirect_dma semaphore(%arg9 : memref<!tpu.dma_semaphore, #tpu.memory_space<semaphore_mem>>) src(%arg7 : memref<128x128xf32, #tpu.memory_space<vmem>>) dst(%dma_wait3A_487 : memref<10240x128xf32, #tpu.memory_space<vmem_shared>>)
      %dma_wait3A_488 = arith.constant 0 : i32
      %dma_wait3A_489 = arith.constant 0 : i32
      %dma_wait3A_490 = tpu.memref_slice %arg6[%dma_wait3A_488, %dma_wait3A_489] : memref<80x128xi32, #tpu.memory_space<vmem>> -> memref<1x128xi32, #tpu.memory_space<vmem>>
      %dma_wait3A_491 = tpu.memref_squeeze %dma_wait3A_490 : memref<1x128xi32, #tpu.memory_space<vmem>> -> memref<128xi32, #tpu.memory_space<vmem>>
      %dma_wait3A_492 = arith.constant 0 : i32
      %dma_wait3A_493 = arith.constant 0 : i32
      %dma_wait3A_494 = tpu.memref_slice %arg8[%dma_wait3A_492, %dma_wait3A_493] : memref<10240x128xf32, #tpu.memory_space<vmem_shared>> -> memref<10240x128xf32, #tpu.memory_space<vmem_shared>>
      tpu.wait_indirect_dma semaphore(%arg9 : memref<!tpu.dma_semaphore, #tpu.memory_space<semaphore_mem>>) src(%arg7 : memref<128x128xf32, #tpu.memory_space<vmem>>) dst(%dma_wait3A_494 : memref<10240x128xf32, #tpu.memory_space<vmem_shared>>)
      %dma_wait3A_495 = arith.constant 0 : i32
      %dma_wait3A_496 = arith.constant 0 : i32
      %dma_wait3A_497 = tpu.memref_slice %arg6[%dma_wait3A_495, %dma_wait3A_496] : memref<80x128xi32, #tpu.memory_space<vmem>> -> memref<1x128xi32, #tpu.memory_space<vmem>>
      %dma_wait3A_498 = tpu.memref_squeeze %dma_wait3A_497 : memref<1x128xi32, #tpu.memory_space<vmem>> -> memref<128xi32, #tpu.memory_space<vmem>>
      %dma_wait3A_499 = arith.constant 0 : i32
      %dma_wait3A_500 = arith.constant 0 : i32
      %dma_wait3A_501 = tpu.memref_slice %arg8[%dma_wait3A_499, %dma_wait3A_500] : memref<10240x128xf32, #tpu.memory_space<vmem_shared>> -> memref<10240x128xf32, #tpu.memory_space<vmem_shared>>
      tpu.wait_indirect_dma semaphore(%arg9 : memref<!tpu.dma_semaphore, #tpu.memory_space<semaphore_mem>>) src(%arg7 : memref<128x128xf32, #tpu.memory_space<vmem>>) dst(%dma_wait3A_501 : memref<10240x128xf32, #tpu.memory_space<vmem_shared>>)
      %dma_wait3A_502 = arith.constant 0 : i32
      %dma_wait3A_503 = arith.constant 0 : i32
      %dma_wait3A_504 = tpu.memref_slice %arg6[%dma_wait3A_502, %dma_wait3A_503] : memref<80x128xi32, #tpu.memory_space<vmem>> -> memref<1x128xi32, #tpu.memory_space<vmem>>
      %dma_wait3A_505 = tpu.memref_squeeze %dma_wait3A_504 : memref<1x128xi32, #tpu.memory_space<vmem>> -> memref<128xi32, #tpu.memory_space<vmem>>
      %dma_wait3A_506 = arith.constant 0 : i32
      %dma_wait3A_507 = arith.constant 0 : i32
      %dma_wait3A_508 = tpu.memref_slice %arg8[%dma_wait3A_506, %dma_wait3A_507] : memref<10240x128xf32, #tpu.memory_space<vmem_shared>> -> memref<10240x128xf32, #tpu.memory_space<vmem_shared>>
      tpu.wait_indirect_dma semaphore(%arg9 : memref<!tpu.dma_semaphore, #tpu.memory_space<semaphore_mem>>) src(%arg7 : memref<128x128xf32, #tpu.memory_space<vmem>>) dst(%dma_wait3A_508 : memref<10240x128xf32, #tpu.memory_space<vmem_shared>>)
      %dma_wait3A_509 = arith.constant 0 : i32
      %dma_wait3A_510 = arith.constant 0 : i32
      %dma_wait3A_511 = tpu.memref_slice %arg6[%dma_wait3A_509, %dma_wait3A_510] : memref<80x128xi32, #tpu.memory_space<vmem>> -> memref<1x128xi32, #tpu.memory_space<vmem>>
      %dma_wait3A_512 = tpu.memref_squeeze %dma_wait3A_511 : memref<1x128xi32, #tpu.memory_space<vmem>> -> memref<128xi32, #tpu.memory_space<vmem>>
      %dma_wait3A_513 = arith.constant 0 : i32
      %dma_wait3A_514 = arith.constant 0 : i32
      %dma_wait3A_515 = tpu.memref_slice %arg8[%dma_wait3A_513, %dma_wait3A_514] : memref<10240x128xf32, #tpu.memory_space<vmem_shared>> -> memref<10240x128xf32, #tpu.memory_space<vmem_shared>>
      tpu.wait_indirect_dma semaphore(%arg9 : memref<!tpu.dma_semaphore, #tpu.memory_space<semaphore_mem>>) src(%arg7 : memref<128x128xf32, #tpu.memory_space<vmem>>) dst(%dma_wait3A_515 : memref<10240x128xf32, #tpu.memory_space<vmem_shared>>)
      %dma_wait3A_516 = arith.constant 0 : i32
      %dma_wait3A_517 = arith.constant 0 : i32
      %dma_wait3A_518 = tpu.memref_slice %arg6[%dma_wait3A_516, %dma_wait3A_517] : memref<80x128xi32, #tpu.memory_space<vmem>> -> memref<1x128xi32, #tpu.memory_space<vmem>>
      %dma_wait3A_519 = tpu.memref_squeeze %dma_wait3A_518 : memref<1x128xi32, #tpu.memory_space<vmem>> -> memref<128xi32, #tpu.memory_space<vmem>>
      %dma_wait3A_520 = arith.constant 0 : i32
      %dma_wait3A_521 = arith.constant 0 : i32
      %dma_wait3A_522 = tpu.memref_slice %arg8[%dma_wait3A_520, %dma_wait3A_521] : memref<10240x128xf32, #tpu.memory_space<vmem_shared>> -> memref<10240x128xf32, #tpu.memory_space<vmem_shared>>
      tpu.wait_indirect_dma semaphore(%arg9 : memref<!tpu.dma_semaphore, #tpu.memory_space<semaphore_mem>>) src(%arg7 : memref<128x128xf32, #tpu.memory_space<vmem>>) dst(%dma_wait3A_522 : memref<10240x128xf32, #tpu.memory_space<vmem_shared>>)
      %dma_wait3A_523 = arith.constant 0 : i32
      %dma_wait3A_524 = arith.constant 0 : i32
      %dma_wait3A_525 = tpu.memref_slice %arg6[%dma_wait3A_523, %dma_wait3A_524] : memref<80x128xi32, #tpu.memory_space<vmem>> -> memref<1x128xi32, #tpu.memory_space<vmem>>
      %dma_wait3A_526 = tpu.memref_squeeze %dma_wait3A_525 : memref<1x128xi32, #tpu.memory_space<vmem>> -> memref<128xi32, #tpu.memory_space<vmem>>
      %dma_wait3A_527 = arith.constant 0 : i32
      %dma_wait3A_528 = arith.constant 0 : i32
      %dma_wait3A_529 = tpu.memref_slice %arg8[%dma_wait3A_527, %dma_wait3A_528] : memref<10240x128xf32, #tpu.memory_space<vmem_shared>> -> memref<10240x128xf32, #tpu.memory_space<vmem_shared>>
      tpu.wait_indirect_dma semaphore(%arg9 : memref<!tpu.dma_semaphore, #tpu.memory_space<semaphore_mem>>) src(%arg7 : memref<128x128xf32, #tpu.memory_space<vmem>>) dst(%dma_wait3A_529 : memref<10240x128xf32, #tpu.memory_space<vmem_shared>>)
      %dma_wait3A_530 = arith.constant 0 : i32
      %dma_wait3A_531 = arith.constant 0 : i32
      %dma_wait3A_532 = tpu.memref_slice %arg6[%dma_wait3A_530, %dma_wait3A_531] : memref<80x128xi32, #tpu.memory_space<vmem>> -> memref<1x128xi32, #tpu.memory_space<vmem>>
      %dma_wait3A_533 = tpu.memref_squeeze %dma_wait3A_532 : memref<1x128xi32, #tpu.memory_space<vmem>> -> memref<128xi32, #tpu.memory_space<vmem>>
      %dma_wait3A_534 = arith.constant 0 : i32
      %dma_wait3A_535 = arith.constant 0 : i32
      %dma_wait3A_536 = tpu.memref_slice %arg8[%dma_wait3A_534, %dma_wait3A_535] : memref<10240x128xf32, #tpu.memory_space<vmem_shared>> -> memref<10240x128xf32, #tpu.memory_space<vmem_shared>>
      tpu.wait_indirect_dma semaphore(%arg9 : memref<!tpu.dma_semaphore, #tpu.memory_space<semaphore_mem>>) src(%arg7 : memref<128x128xf32, #tpu.memory_space<vmem>>) dst(%dma_wait3A_536 : memref<10240x128xf32, #tpu.memory_space<vmem_shared>>)
      %dma_wait3A_537 = arith.constant 0 : i32
      %dma_wait3A_538 = arith.constant 0 : i32
      %dma_wait3A_539 = tpu.memref_slice %arg6[%dma_wait3A_537, %dma_wait3A_538] : memref<80x128xi32, #tpu.memory_space<vmem>> -> memref<1x128xi32, #tpu.memory_space<vmem>>
      %dma_wait3A_540 = tpu.memref_squeeze %dma_wait3A_539 : memref<1x128xi32, #tpu.memory_space<vmem>> -> memref<128xi32, #tpu.memory_space<vmem>>
      %dma_wait3A_541 = arith.constant 0 : i32
      %dma_wait3A_542 = arith.constant 0 : i32
      %dma_wait3A_543 = tpu.memref_slice %arg8[%dma_wait3A_541, %dma_wait3A_542] : memref<10240x128xf32, #tpu.memory_space<vmem_shared>> -> memref<10240x128xf32, #tpu.memory_space<vmem_shared>>
      tpu.wait_indirect_dma semaphore(%arg9 : memref<!tpu.dma_semaphore, #tpu.memory_space<semaphore_mem>>) src(%arg7 : memref<128x128xf32, #tpu.memory_space<vmem>>) dst(%dma_wait3A_543 : memref<10240x128xf32, #tpu.memory_space<vmem_shared>>)
      %dma_wait3A_544 = arith.constant 0 : i32
      %dma_wait3A_545 = arith.constant 0 : i32
      %dma_wait3A_546 = tpu.memref_slice %arg6[%dma_wait3A_544, %dma_wait3A_545] : memref<80x128xi32, #tpu.memory_space<vmem>> -> memref<1x128xi32, #tpu.memory_space<vmem>>
      %dma_wait3A_547 = tpu.memref_squeeze %dma_wait3A_546 : memref<1x128xi32, #tpu.memory_space<vmem>> -> memref<128xi32, #tpu.memory_space<vmem>>
      %dma_wait3A_548 = arith.constant 0 : i32
      %dma_wait3A_549 = arith.constant 0 : i32
      %dma_wait3A_550 = tpu.memref_slice %arg8[%dma_wait3A_548, %dma_wait3A_549] : memref<10240x128xf32, #tpu.memory_space<vmem_shared>> -> memref<10240x128xf32, #tpu.memory_space<vmem_shared>>
      tpu.wait_indirect_dma semaphore(%arg9 : memref<!tpu.dma_semaphore, #tpu.memory_space<semaphore_mem>>) src(%arg7 : memref<128x128xf32, #tpu.memory_space<vmem>>) dst(%dma_wait3A_550 : memref<10240x128xf32, #tpu.memory_space<vmem_shared>>)
      %dma_wait3A_551 = arith.constant 0 : i32
      %dma_wait3A_552 = arith.constant 0 : i32
      %dma_wait3A_553 = tpu.memref_slice %arg6[%dma_wait3A_551, %dma_wait3A_552] : memref<80x128xi32, #tpu.memory_space<vmem>> -> memref<1x128xi32, #tpu.memory_space<vmem>>
      %dma_wait3A_554 = tpu.memref_squeeze %dma_wait3A_553 : memref<1x128xi32, #tpu.memory_space<vmem>> -> memref<128xi32, #tpu.memory_space<vmem>>
      %dma_wait3A_555 = arith.constant 0 : i32
      %dma_wait3A_556 = arith.constant 0 : i32
      %dma_wait3A_557 = tpu.memref_slice %arg8[%dma_wait3A_555, %dma_wait3A_556] : memref<10240x128xf32, #tpu.memory_space<vmem_shared>> -> memref<10240x128xf32, #tpu.memory_space<vmem_shared>>
      tpu.wait_indirect_dma semaphore(%arg9 : memref<!tpu.dma_semaphore, #tpu.memory_space<semaphore_mem>>) src(%arg7 : memref<128x128xf32, #tpu.memory_space<vmem>>) dst(%dma_wait3A_557 : memref<10240x128xf32, #tpu.memory_space<vmem_shared>>)
      %dma_wait3A_558 = arith.constant 0 : i32
      %dma_wait3A_559 = arith.constant 0 : i32
      %dma_wait3A_560 = tpu.memref_slice %arg6[%dma_wait3A_558, %dma_wait3A_559] : memref<80x128xi32, #tpu.memory_space<vmem>> -> memref<1x128xi32, #tpu.memory_space<vmem>>
      %dma_wait3A_561 = tpu.memref_squeeze %dma_wait3A_560 : memref<1x128xi32, #tpu.memory_space<vmem>> -> memref<128xi32, #tpu.memory_space<vmem>>
      %dma_wait3A_562 = arith.constant 0 : i32
      %dma_wait3A_563 = arith.constant 0 : i32
      %dma_wait3A_564 = tpu.memref_slice %arg8[%dma_wait3A_562, %dma_wait3A_563] : memref<10240x128xf32, #tpu.memory_space<vmem_shared>> -> memref<10240x128xf32, #tpu.memory_space<vmem_shared>>
      tpu.wait_indirect_dma semaphore(%arg9 : memref<!tpu.dma_semaphore, #tpu.memory_space<semaphore_mem>>) src(%arg7 : memref<128x128xf32, #tpu.memory_space<vmem>>) dst(%dma_wait3A_564 : memref<10240x128xf32, #tpu.memory_space<vmem_shared>>)
      %dma_wait3A_565 = arith.constant 0 : i32
      %dma_wait3A_566 = arith.constant 0 : i32
      %dma_wait3A_567 = tpu.memref_slice %arg6[%dma_wait3A_565, %dma_wait3A_566] : memref<80x128xi32, #tpu.memory_space<vmem>> -> memref<1x128xi32, #tpu.memory_space<vmem>>
      %dma_wait3A_568 = tpu.memref_squeeze %dma_wait3A_567 : memref<1x128xi32, #tpu.memory_space<vmem>> -> memref<128xi32, #tpu.memory_space<vmem>>
      %dma_wait3A_569 = arith.constant 0 : i32
      %dma_wait3A_570 = arith.constant 0 : i32
      %dma_wait3A_571 = tpu.memref_slice %arg8[%dma_wait3A_569, %dma_wait3A_570] : memref<10240x128xf32, #tpu.memory_space<vmem_shared>> -> memref<10240x128xf32, #tpu.memory_space<vmem_shared>>
      tpu.wait_indirect_dma semaphore(%arg9 : memref<!tpu.dma_semaphore, #tpu.memory_space<semaphore_mem>>) src(%arg7 : memref<128x128xf32, #tpu.memory_space<vmem>>) dst(%dma_wait3A_571 : memref<10240x128xf32, #tpu.memory_space<vmem_shared>>)
      %dma_wait3A_572 = arith.constant 0 : i32
      %dma_wait3A_573 = arith.constant 0 : i32
      %dma_wait3A_574 = tpu.memref_slice %arg6[%dma_wait3A_572, %dma_wait3A_573] : memref<80x128xi32, #tpu.memory_space<vmem>> -> memref<1x128xi32, #tpu.memory_space<vmem>>
      %dma_wait3A_575 = tpu.memref_squeeze %dma_wait3A_574 : memref<1x128xi32, #tpu.memory_space<vmem>> -> memref<128xi32, #tpu.memory_space<vmem>>
      %dma_wait3A_576 = arith.constant 0 : i32
      %dma_wait3A_577 = arith.constant 0 : i32
      %dma_wait3A_578 = tpu.memref_slice %arg8[%dma_wait3A_576, %dma_wait3A_577] : memref<10240x128xf32, #tpu.memory_space<vmem_shared>> -> memref<10240x128xf32, #tpu.memory_space<vmem_shared>>
      tpu.wait_indirect_dma semaphore(%arg9 : memref<!tpu.dma_semaphore, #tpu.memory_space<semaphore_mem>>) src(%arg7 : memref<128x128xf32, #tpu.memory_space<vmem>>) dst(%dma_wait3A_578 : memref<10240x128xf32, #tpu.memory_space<vmem_shared>>)
      %dma_wait3A_579 = arith.constant 0 : i32
      %dma_wait3A_580 = arith.constant 0 : i32
      %dma_wait3A_581 = tpu.memref_slice %arg6[%dma_wait3A_579, %dma_wait3A_580] : memref<80x128xi32, #tpu.memory_space<vmem>> -> memref<1x128xi32, #tpu.memory_space<vmem>>
      %dma_wait3A_582 = tpu.memref_squeeze %dma_wait3A_581 : memref<1x128xi32, #tpu.memory_space<vmem>> -> memref<128xi32, #tpu.memory_space<vmem>>
      %dma_wait3A_583 = arith.constant 0 : i32
      %dma_wait3A_584 = arith.constant 0 : i32
      %dma_wait3A_585 = tpu.memref_slice %arg8[%dma_wait3A_583, %dma_wait3A_584] : memref<10240x128xf32, #tpu.memory_space<vmem_shared>> -> memref<10240x128xf32, #tpu.memory_space<vmem_shared>>
      tpu.wait_indirect_dma semaphore(%arg9 : memref<!tpu.dma_semaphore, #tpu.memory_space<semaphore_mem>>) src(%arg7 : memref<128x128xf32, #tpu.memory_space<vmem>>) dst(%dma_wait3A_585 : memref<10240x128xf32, #tpu.memory_space<vmem_shared>>)
      %dma_wait3A_586 = arith.constant 0 : i32
      %dma_wait3A_587 = arith.constant 0 : i32
      %dma_wait3A_588 = tpu.memref_slice %arg6[%dma_wait3A_586, %dma_wait3A_587] : memref<80x128xi32, #tpu.memory_space<vmem>> -> memref<1x128xi32, #tpu.memory_space<vmem>>
      %dma_wait3A_589 = tpu.memref_squeeze %dma_wait3A_588 : memref<1x128xi32, #tpu.memory_space<vmem>> -> memref<128xi32, #tpu.memory_space<vmem>>
      %dma_wait3A_590 = arith.constant 0 : i32
      %dma_wait3A_591 = arith.constant 0 : i32
      %dma_wait3A_592 = tpu.memref_slice %arg8[%dma_wait3A_590, %dma_wait3A_591] : memref<10240x128xf32, #tpu.memory_space<vmem_shared>> -> memref<10240x128xf32, #tpu.memory_space<vmem_shared>>
      tpu.wait_indirect_dma semaphore(%arg9 : memref<!tpu.dma_semaphore, #tpu.memory_space<semaphore_mem>>) src(%arg7 : memref<128x128xf32, #tpu.memory_space<vmem>>) dst(%dma_wait3A_592 : memref<10240x128xf32, #tpu.memory_space<vmem_shared>>)
      %dma_wait3A_593 = arith.constant 0 : i32
      %dma_wait3A_594 = arith.constant 0 : i32
      %dma_wait3A_595 = tpu.memref_slice %arg6[%dma_wait3A_593, %dma_wait3A_594] : memref<80x128xi32, #tpu.memory_space<vmem>> -> memref<1x128xi32, #tpu.memory_space<vmem>>
      %dma_wait3A_596 = tpu.memref_squeeze %dma_wait3A_595 : memref<1x128xi32, #tpu.memory_space<vmem>> -> memref<128xi32, #tpu.memory_space<vmem>>
      %dma_wait3A_597 = arith.constant 0 : i32
      %dma_wait3A_598 = arith.constant 0 : i32
      %dma_wait3A_599 = tpu.memref_slice %arg8[%dma_wait3A_597, %dma_wait3A_598] : memref<10240x128xf32, #tpu.memory_space<vmem_shared>> -> memref<10240x128xf32, #tpu.memory_space<vmem_shared>>
      tpu.wait_indirect_dma semaphore(%arg9 : memref<!tpu.dma_semaphore, #tpu.memory_space<semaphore_mem>>) src(%arg7 : memref<128x128xf32, #tpu.memory_space<vmem>>) dst(%dma_wait3A_599 : memref<10240x128xf32, #tpu.memory_space<vmem_shared>>)
      %dma_wait3A_600 = arith.constant 0 : i32
      %dma_wait3A_601 = arith.constant 0 : i32
      %dma_wait3A_602 = tpu.memref_slice %arg6[%dma_wait3A_600, %dma_wait3A_601] : memref<80x128xi32, #tpu.memory_space<vmem>> -> memref<1x128xi32, #tpu.memory_space<vmem>>
      %dma_wait3A_603 = tpu.memref_squeeze %dma_wait3A_602 : memref<1x128xi32, #tpu.memory_space<vmem>> -> memref<128xi32, #tpu.memory_space<vmem>>
      %dma_wait3A_604 = arith.constant 0 : i32
      %dma_wait3A_605 = arith.constant 0 : i32
      %dma_wait3A_606 = tpu.memref_slice %arg8[%dma_wait3A_604, %dma_wait3A_605] : memref<10240x128xf32, #tpu.memory_space<vmem_shared>> -> memref<10240x128xf32, #tpu.memory_space<vmem_shared>>
      tpu.wait_indirect_dma semaphore(%arg9 : memref<!tpu.dma_semaphore, #tpu.memory_space<semaphore_mem>>) src(%arg7 : memref<128x128xf32, #tpu.memory_space<vmem>>) dst(%dma_wait3A_606 : memref<10240x128xf32, #tpu.memory_space<vmem_shared>>)
      %dma_wait3A_607 = arith.constant 0 : i32
      %dma_wait3A_608 = arith.constant 0 : i32
      %dma_wait3A_609 = tpu.memref_slice %arg6[%dma_wait3A_607, %dma_wait3A_608] : memref<80x128xi32, #tpu.memory_space<vmem>> -> memref<1x128xi32, #tpu.memory_space<vmem>>
      %dma_wait3A_610 = tpu.memref_squeeze %dma_wait3A_609 : memref<1x128xi32, #tpu.memory_space<vmem>> -> memref<128xi32, #tpu.memory_space<vmem>>
      %dma_wait3A_611 = arith.constant 0 : i32
      %dma_wait3A_612 = arith.constant 0 : i32
      %dma_wait3A_613 = tpu.memref_slice %arg8[%dma_wait3A_611, %dma_wait3A_612] : memref<10240x128xf32, #tpu.memory_space<vmem_shared>> -> memref<10240x128xf32, #tpu.memory_space<vmem_shared>>
      tpu.wait_indirect_dma semaphore(%arg9 : memref<!tpu.dma_semaphore, #tpu.memory_space<semaphore_mem>>) src(%arg7 : memref<128x128xf32, #tpu.memory_space<vmem>>) dst(%dma_wait3A_613 : memref<10240x128xf32, #tpu.memory_space<vmem_shared>>)
      %dma_wait3A_614 = arith.constant 0 : i32
      %dma_wait3A_615 = arith.constant 0 : i32
      %dma_wait3A_616 = tpu.memref_slice %arg6[%dma_wait3A_614, %dma_wait3A_615] : memref<80x128xi32, #tpu.memory_space<vmem>> -> memref<1x128xi32, #tpu.memory_space<vmem>>
      %dma_wait3A_617 = tpu.memref_squeeze %dma_wait3A_616 : memref<1x128xi32, #tpu.memory_space<vmem>> -> memref<128xi32, #tpu.memory_space<vmem>>
      %dma_wait3A_618 = arith.constant 0 : i32
      %dma_wait3A_619 = arith.constant 0 : i32
      %dma_wait3A_620 = tpu.memref_slice %arg8[%dma_wait3A_618, %dma_wait3A_619] : memref<10240x128xf32, #tpu.memory_space<vmem_shared>> -> memref<10240x128xf32, #tpu.memory_space<vmem_shared>>
      tpu.wait_indirect_dma semaphore(%arg9 : memref<!tpu.dma_semaphore, #tpu.memory_space<semaphore_mem>>) src(%arg7 : memref<128x128xf32, #tpu.memory_space<vmem>>) dst(%dma_wait3A_620 : memref<10240x128xf32, #tpu.memory_space<vmem_shared>>)
      %dma_wait3A_621 = arith.constant 0 : i32
      %dma_wait3A_622 = arith.constant 0 : i32
      %dma_wait3A_623 = tpu.memref_slice %arg6[%dma_wait3A_621, %dma_wait3A_622] : memref<80x128xi32, #tpu.memory_space<vmem>> -> memref<1x128xi32, #tpu.memory_space<vmem>>
      %dma_wait3A_624 = tpu.memref_squeeze %dma_wait3A_623 : memref<1x128xi32, #tpu.memory_space<vmem>> -> memref<128xi32, #tpu.memory_space<vmem>>
      %dma_wait3A_625 = arith.constant 0 : i32
      %dma_wait3A_626 = arith.constant 0 : i32
      %dma_wait3A_627 = tpu.memref_slice %arg8[%dma_wait3A_625, %dma_wait3A_626] : memref<10240x128xf32, #tpu.memory_space<vmem_shared>> -> memref<10240x128xf32, #tpu.memory_space<vmem_shared>>
      tpu.wait_indirect_dma semaphore(%arg9 : memref<!tpu.dma_semaphore, #tpu.memory_space<semaphore_mem>>) src(%arg7 : memref<128x128xf32, #tpu.memory_space<vmem>>) dst(%dma_wait3A_627 : memref<10240x128xf32, #tpu.memory_space<vmem_shared>>)
      %dma_wait3A_628 = arith.constant 0 : i32
      %dma_wait3A_629 = arith.constant 0 : i32
      %dma_wait3A_630 = tpu.memref_slice %arg6[%dma_wait3A_628, %dma_wait3A_629] : memref<80x128xi32, #tpu.memory_space<vmem>> -> memref<1x128xi32, #tpu.memory_space<vmem>>
      %dma_wait3A_631 = tpu.memref_squeeze %dma_wait3A_630 : memref<1x128xi32, #tpu.memory_space<vmem>> -> memref<128xi32, #tpu.memory_space<vmem>>
      %dma_wait3A_632 = arith.constant 0 : i32
      %dma_wait3A_633 = arith.constant 0 : i32
      %dma_wait3A_634 = tpu.memref_slice %arg8[%dma_wait3A_632, %dma_wait3A_633] : memref<10240x128xf32, #tpu.memory_space<vmem_shared>> -> memref<10240x128xf32, #tpu.memory_space<vmem_shared>>
      tpu.wait_indirect_dma semaphore(%arg9 : memref<!tpu.dma_semaphore, #tpu.memory_space<semaphore_mem>>) src(%arg7 : memref<128x128xf32, #tpu.memory_space<vmem>>) dst(%dma_wait3A_634 : memref<10240x128xf32, #tpu.memory_space<vmem_shared>>)
      %dma_wait3A_635 = arith.constant 0 : i32
      %dma_wait3A_636 = arith.constant 0 : i32
      %dma_wait3A_637 = tpu.memref_slice %arg6[%dma_wait3A_635, %dma_wait3A_636] : memref<80x128xi32, #tpu.memory_space<vmem>> -> memref<1x128xi32, #tpu.memory_space<vmem>>
      %dma_wait3A_638 = tpu.memref_squeeze %dma_wait3A_637 : memref<1x128xi32, #tpu.memory_space<vmem>> -> memref<128xi32, #tpu.memory_space<vmem>>
      %dma_wait3A_639 = arith.constant 0 : i32
      %dma_wait3A_640 = arith.constant 0 : i32
      %dma_wait3A_641 = tpu.memref_slice %arg8[%dma_wait3A_639, %dma_wait3A_640] : memref<10240x128xf32, #tpu.memory_space<vmem_shared>> -> memref<10240x128xf32, #tpu.memory_space<vmem_shared>>
      tpu.wait_indirect_dma semaphore(%arg9 : memref<!tpu.dma_semaphore, #tpu.memory_space<semaphore_mem>>) src(%arg7 : memref<128x128xf32, #tpu.memory_space<vmem>>) dst(%dma_wait3A_641 : memref<10240x128xf32, #tpu.memory_space<vmem_shared>>)
      %dma_wait3A_642 = arith.constant 0 : i32
      %dma_wait3A_643 = arith.constant 0 : i32
      %dma_wait3A_644 = tpu.memref_slice %arg6[%dma_wait3A_642, %dma_wait3A_643] : memref<80x128xi32, #tpu.memory_space<vmem>> -> memref<1x128xi32, #tpu.memory_space<vmem>>
      %dma_wait3A_645 = tpu.memref_squeeze %dma_wait3A_644 : memref<1x128xi32, #tpu.memory_space<vmem>> -> memref<128xi32, #tpu.memory_space<vmem>>
      %dma_wait3A_646 = arith.constant 0 : i32
      %dma_wait3A_647 = arith.constant 0 : i32
      %dma_wait3A_648 = tpu.memref_slice %arg8[%dma_wait3A_646, %dma_wait3A_647] : memref<10240x128xf32, #tpu.memory_space<vmem_shared>> -> memref<10240x128xf32, #tpu.memory_space<vmem_shared>>
      tpu.wait_indirect_dma semaphore(%arg9 : memref<!tpu.dma_semaphore, #tpu.memory_space<semaphore_mem>>) src(%arg7 : memref<128x128xf32, #tpu.memory_space<vmem>>) dst(%dma_wait3A_648 : memref<10240x128xf32, #tpu.memory_space<vmem_shared>>)
      %dma_wait3A_649 = arith.constant 0 : i32
      %dma_wait3A_650 = arith.constant 0 : i32
      %dma_wait3A_651 = tpu.memref_slice %arg6[%dma_wait3A_649, %dma_wait3A_650] : memref<80x128xi32, #tpu.memory_space<vmem>> -> memref<1x128xi32, #tpu.memory_space<vmem>>
      %dma_wait3A_652 = tpu.memref_squeeze %dma_wait3A_651 : memref<1x128xi32, #tpu.memory_space<vmem>> -> memref<128xi32, #tpu.memory_space<vmem>>
      %dma_wait3A_653 = arith.constant 0 : i32
      %dma_wait3A_654 = arith.constant 0 : i32
      %dma_wait3A_655 = tpu.memref_slice %arg8[%dma_wait3A_653, %dma_wait3A_654] : memref<10240x128xf32, #tpu.memory_space<vmem_shared>> -> memref<10240x128xf32, #tpu.memory_space<vmem_shared>>
      tpu.wait_indirect_dma semaphore(%arg9 : memref<!tpu.dma_semaphore, #tpu.memory_space<semaphore_mem>>) src(%arg7 : memref<128x128xf32, #tpu.memory_space<vmem>>) dst(%dma_wait3A_655 : memref<10240x128xf32, #tpu.memory_space<vmem_shared>>)
      %dma_wait3A_656 = arith.constant 0 : i32
      %dma_wait3A_657 = arith.constant 0 : i32
      %dma_wait3A_658 = tpu.memref_slice %arg6[%dma_wait3A_656, %dma_wait3A_657] : memref<80x128xi32, #tpu.memory_space<vmem>> -> memref<1x128xi32, #tpu.memory_space<vmem>>
      %dma_wait3A_659 = tpu.memref_squeeze %dma_wait3A_658 : memref<1x128xi32, #tpu.memory_space<vmem>> -> memref<128xi32, #tpu.memory_space<vmem>>
      %dma_wait3A_660 = arith.constant 0 : i32
      %dma_wait3A_661 = arith.constant 0 : i32
      %dma_wait3A_662 = tpu.memref_slice %arg8[%dma_wait3A_660, %dma_wait3A_661] : memref<10240x128xf32, #tpu.memory_space<vmem_shared>> -> memref<10240x128xf32, #tpu.memory_space<vmem_shared>>
      tpu.wait_indirect_dma semaphore(%arg9 : memref<!tpu.dma_semaphore, #tpu.memory_space<semaphore_mem>>) src(%arg7 : memref<128x128xf32, #tpu.memory_space<vmem>>) dst(%dma_wait3A_662 : memref<10240x128xf32, #tpu.memory_space<vmem_shared>>)
      %dma_wait3A_663 = arith.constant 0 : i32
      %dma_wait3A_664 = arith.constant 0 : i32
      %dma_wait3A_665 = tpu.memref_slice %arg6[%dma_wait3A_663, %dma_wait3A_664] : memref<80x128xi32, #tpu.memory_space<vmem>> -> memref<1x128xi32, #tpu.memory_space<vmem>>
      %dma_wait3A_666 = tpu.memref_squeeze %dma_wait3A_665 : memref<1x128xi32, #tpu.memory_space<vmem>> -> memref<128xi32, #tpu.memory_space<vmem>>
      %dma_wait3A_667 = arith.constant 0 : i32
      %dma_wait3A_668 = arith.constant 0 : i32
      %dma_wait3A_669 = tpu.memref_slice %arg8[%dma_wait3A_667, %dma_wait3A_668] : memref<10240x128xf32, #tpu.memory_space<vmem_shared>> -> memref<10240x128xf32, #tpu.memory_space<vmem_shared>>
      tpu.wait_indirect_dma semaphore(%arg9 : memref<!tpu.dma_semaphore, #tpu.memory_space<semaphore_mem>>) src(%arg7 : memref<128x128xf32, #tpu.memory_space<vmem>>) dst(%dma_wait3A_669 : memref<10240x128xf32, #tpu.memory_space<vmem_shared>>)
      %dma_wait3A_670 = arith.constant 0 : i32
      %dma_wait3A_671 = arith.constant 0 : i32
      %dma_wait3A_672 = tpu.memref_slice %arg6[%dma_wait3A_670, %dma_wait3A_671] : memref<80x128xi32, #tpu.memory_space<vmem>> -> memref<1x128xi32, #tpu.memory_space<vmem>>
      %dma_wait3A_673 = tpu.memref_squeeze %dma_wait3A_672 : memref<1x128xi32, #tpu.memory_space<vmem>> -> memref<128xi32, #tpu.memory_space<vmem>>
      %dma_wait3A_674 = arith.constant 0 : i32
      %dma_wait3A_675 = arith.constant 0 : i32
      %dma_wait3A_676 = tpu.memref_slice %arg8[%dma_wait3A_674, %dma_wait3A_675] : memref<10240x128xf32, #tpu.memory_space<vmem_shared>> -> memref<10240x128xf32, #tpu.memory_space<vmem_shared>>
      tpu.wait_indirect_dma semaphore(%arg9 : memref<!tpu.dma_semaphore, #tpu.memory_space<semaphore_mem>>) src(%arg7 : memref<128x128xf32, #tpu.memory_space<vmem>>) dst(%dma_wait3A_676 : memref<10240x128xf32, #tpu.memory_space<vmem_shared>>)
      %dma_wait3A_677 = arith.constant 0 : i32
      %dma_wait3A_678 = arith.constant 0 : i32
      %dma_wait3A_679 = tpu.memref_slice %arg6[%dma_wait3A_677, %dma_wait3A_678] : memref<80x128xi32, #tpu.memory_space<vmem>> -> memref<1x128xi32, #tpu.memory_space<vmem>>
      %dma_wait3A_680 = tpu.memref_squeeze %dma_wait3A_679 : memref<1x128xi32, #tpu.memory_space<vmem>> -> memref<128xi32, #tpu.memory_space<vmem>>
      %dma_wait3A_681 = arith.constant 0 : i32
      %dma_wait3A_682 = arith.constant 0 : i32
      %dma_wait3A_683 = tpu.memref_slice %arg8[%dma_wait3A_681, %dma_wait3A_682] : memref<10240x128xf32, #tpu.memory_space<vmem_shared>> -> memref<10240x128xf32, #tpu.memory_space<vmem_shared>>
      tpu.wait_indirect_dma semaphore(%arg9 : memref<!tpu.dma_semaphore, #tpu.memory_space<semaphore_mem>>) src(%arg7 : memref<128x128xf32, #tpu.memory_space<vmem>>) dst(%dma_wait3A_683 : memref<10240x128xf32, #tpu.memory_space<vmem_shared>>)
      %dma_wait3A_684 = arith.constant 0 : i32
      %dma_wait3A_685 = arith.constant 0 : i32
      %dma_wait3A_686 = tpu.memref_slice %arg6[%dma_wait3A_684, %dma_wait3A_685] : memref<80x128xi32, #tpu.memory_space<vmem>> -> memref<1x128xi32, #tpu.memory_space<vmem>>
      %dma_wait3A_687 = tpu.memref_squeeze %dma_wait3A_686 : memref<1x128xi32, #tpu.memory_space<vmem>> -> memref<128xi32, #tpu.memory_space<vmem>>
      %dma_wait3A_688 = arith.constant 0 : i32
      %dma_wait3A_689 = arith.constant 0 : i32
      %dma_wait3A_690 = tpu.memref_slice %arg8[%dma_wait3A_688, %dma_wait3A_689] : memref<10240x128xf32, #tpu.memory_space<vmem_shared>> -> memref<10240x128xf32, #tpu.memory_space<vmem_shared>>
      tpu.wait_indirect_dma semaphore(%arg9 : memref<!tpu.dma_semaphore, #tpu.memory_space<semaphore_mem>>) src(%arg7 : memref<128x128xf32, #tpu.memory_space<vmem>>) dst(%dma_wait3A_690 : memref<10240x128xf32, #tpu.memory_space<vmem_shared>>)
      %dma_wait3A_691 = arith.constant 0 : i32
      %dma_wait3A_692 = arith.constant 0 : i32
      %dma_wait3A_693 = tpu.memref_slice %arg6[%dma_wait3A_691, %dma_wait3A_692] : memref<80x128xi32, #tpu.memory_space<vmem>> -> memref<1x128xi32, #tpu.memory_space<vmem>>
      %dma_wait3A_694 = tpu.memref_squeeze %dma_wait3A_693 : memref<1x128xi32, #tpu.memory_space<vmem>> -> memref<128xi32, #tpu.memory_space<vmem>>
      %dma_wait3A_695 = arith.constant 0 : i32
      %dma_wait3A_696 = arith.constant 0 : i32
      %dma_wait3A_697 = tpu.memref_slice %arg8[%dma_wait3A_695, %dma_wait3A_696] : memref<10240x128xf32, #tpu.memory_space<vmem_shared>> -> memref<10240x128xf32, #tpu.memory_space<vmem_shared>>
      tpu.wait_indirect_dma semaphore(%arg9 : memref<!tpu.dma_semaphore, #tpu.memory_space<semaphore_mem>>) src(%arg7 : memref<128x128xf32, #tpu.memory_space<vmem>>) dst(%dma_wait3A_697 : memref<10240x128xf32, #tpu.memory_space<vmem_shared>>)
      %dma_wait3A_698 = arith.constant 0 : i32
      %dma_wait3A_699 = arith.constant 0 : i32
      %dma_wait3A_700 = tpu.memref_slice %arg6[%dma_wait3A_698, %dma_wait3A_699] : memref<80x128xi32, #tpu.memory_space<vmem>> -> memref<1x128xi32, #tpu.memory_space<vmem>>
      %dma_wait3A_701 = tpu.memref_squeeze %dma_wait3A_700 : memref<1x128xi32, #tpu.memory_space<vmem>> -> memref<128xi32, #tpu.memory_space<vmem>>
      %dma_wait3A_702 = arith.constant 0 : i32
      %dma_wait3A_703 = arith.constant 0 : i32
      %dma_wait3A_704 = tpu.memref_slice %arg8[%dma_wait3A_702, %dma_wait3A_703] : memref<10240x128xf32, #tpu.memory_space<vmem_shared>> -> memref<10240x128xf32, #tpu.memory_space<vmem_shared>>
      tpu.wait_indirect_dma semaphore(%arg9 : memref<!tpu.dma_semaphore, #tpu.memory_space<semaphore_mem>>) src(%arg7 : memref<128x128xf32, #tpu.memory_space<vmem>>) dst(%dma_wait3A_704 : memref<10240x128xf32, #tpu.memory_space<vmem_shared>>)
      %dma_wait3A_705 = arith.constant 0 : i32
      %dma_wait3A_706 = arith.constant 0 : i32
      %dma_wait3A_707 = tpu.memref_slice %arg6[%dma_wait3A_705, %dma_wait3A_706] : memref<80x128xi32, #tpu.memory_space<vmem>> -> memref<1x128xi32, #tpu.memory_space<vmem>>
      %dma_wait3A_708 = tpu.memref_squeeze %dma_wait3A_707 : memref<1x128xi32, #tpu.memory_space<vmem>> -> memref<128xi32, #tpu.memory_space<vmem>>
      %dma_wait3A_709 = arith.constant 0 : i32
      %dma_wait3A_710 = arith.constant 0 : i32
      %dma_wait3A_711 = tpu.memref_slice %arg8[%dma_wait3A_709, %dma_wait3A_710] : memref<10240x128xf32, #tpu.memory_space<vmem_shared>> -> memref<10240x128xf32, #tpu.memory_space<vmem_shared>>
      tpu.wait_indirect_dma semaphore(%arg9 : memref<!tpu.dma_semaphore, #tpu.memory_space<semaphore_mem>>) src(%arg7 : memref<128x128xf32, #tpu.memory_space<vmem>>) dst(%dma_wait3A_711 : memref<10240x128xf32, #tpu.memory_space<vmem_shared>>)
    }
    %scan3A_27 = arith.constant 2 : i32
    %barrier3A_28 = arith.constant 0 : index
    tpu.barrier barrier_id(%barrier3A_28)
    %mul3A_29 = arith.constant 640 : i32
    %mul3A_30 = arith.muli %arg1, %mul3A_29 : i32
    %mul3A_31 = arith.constant 640 : i32
    %mul3A_32 = arith.muli %arg1, %mul3A_31 : i32
    "tpu.region"() ({
      %run_scoped3A = tpu.sem_alloc : memref<!tpu.dma_semaphore, #tpu.memory_space<semaphore_mem>>
      %dma_start3A = arith.constant 0 : i32
      %dma_start3A_33 = tpu.memref_slice %arg5[%arg0, %mul3A_32, %dma_start3A] : memref<2x10240x128xf32, #tpu.memory_space<hbm>> -> memref<1x640x128xf32, #tpu.memory_space<hbm>>
      %dma_start3A_34 = tpu.memref_squeeze %dma_start3A_33 : memref<1x640x128xf32, #tpu.memory_space<hbm>> -> memref<640x128xf32, #tpu.memory_space<hbm>>
      %dma_start3A_35 = arith.constant 0 : i32
      %dma_start3A_36 = tpu.memref_slice %arg8[%mul3A_30, %dma_start3A_35] : memref<10240x128xf32, #tpu.memory_space<vmem_shared>> -> memref<640x128xf32, #tpu.memory_space<vmem_shared>>
      tpu.enqueue_dma source(%dma_start3A_36 : memref<640x128xf32, #tpu.memory_space<vmem_shared>>) target(%dma_start3A_34 : memref<640x128xf32, #tpu.memory_space<hbm>>) target_semaphore(%run_scoped3A : memref<!tpu.dma_semaphore, #tpu.memory_space<semaphore_mem>>)
      %dma_wait3A = arith.constant 0 : i32
      %dma_wait3A_37 = tpu.memref_slice %arg5[%arg0, %mul3A_32, %dma_wait3A] : memref<2x10240x128xf32, #tpu.memory_space<hbm>> -> memref<1x640x128xf32, #tpu.memory_space<hbm>>
      %dma_wait3A_38 = tpu.memref_squeeze %dma_wait3A_37 : memref<1x640x128xf32, #tpu.memory_space<hbm>> -> memref<640x128xf32, #tpu.memory_space<hbm>>
      %dma_wait3A_39 = arith.constant 0 : i32
      %dma_wait3A_40 = tpu.memref_slice %arg8[%mul3A_30, %dma_wait3A_39] : memref<10240x128xf32, #tpu.memory_space<vmem_shared>> -> memref<640x128xf32, #tpu.memory_space<vmem_shared>>
      tpu.wait_dma2 semaphore(%run_scoped3A : memref<!tpu.dma_semaphore, #tpu.memory_space<semaphore_mem>>) src(%dma_wait3A_40 : memref<640x128xf32, #tpu.memory_space<vmem_shared>>) dst(%dma_wait3A_38 : memref<640x128xf32, #tpu.memory_space<hbm>>)
      tpu.yield
    }) : () -> ()
    return
  }
}

#map = affine_map<(d0, d1) -> (0, 0)>
#map1 = affine_map<(d0, d1) -> (0, 0, 0)>
module attributes {stable_mosaic.version = 14 : i64} {
  func.func @scat_k(%arg0: i32, %arg1: i32, %arg2: memref<10000x128xf32, #tpu.memory_space<hbm>>, %arg3: memref<2560x128xi32, #tpu.memory_space<hbm>>, %arg4: memref<2560x128xi32, #tpu.memory_space<hbm>>, %arg5: memref<128x128xf32, #tpu.memory_space<hbm>>, %arg6: memref<2x10240x128xf32, #tpu.memory_space<hbm>>, %arg7: memref<80x128xi32, #tpu.memory_space<vmem>>, %arg8: memref<8x128xi32, #tpu.memory_space<vmem>>, %arg9: memref<2x128x128xf32, #tpu.memory_space<vmem>>, %arg10: memref<10240x128xf32, #tpu.memory_space<vmem_shared>>, %arg11: memref<8x!tpu.dma_semaphore, #tpu.memory_space<semaphore_mem>>, %arg12: memref<2x!tpu.dma_semaphore, #tpu.memory_space<semaphore_mem>>, %arg13: memref<2x!tpu.dma_semaphore, #tpu.memory_space<semaphore_mem>>) attributes {dimension_semantics = [#tpu.dimension_semantics<core_parallel>, #tpu.dimension_semantics<subcore_parallel>], iteration_bounds = array<i64: 2, 16>, scalar_prefetch = 0 : i64, scratch_operands = 7 : i64, tpu.core_type = #tpu.core_type<sc_vector_subcore>, window_params = [{transform_indices = #map}, {transform_indices = #map}, {transform_indices = #map}, {transform_indices = #map}, {transform_indices = #map1}]} {
    %mul3A = arith.constant 2 : i32
    %mul3A_0 = arith.muli %arg1, %mul3A : i32
    %add3A = arith.addi %mul3A_0, %arg0 : i32
    %mul3A_1 = arith.constant 640 : i32
    %mul3A_2 = arith.muli %arg1, %mul3A_1 : i32
    %add3A_3 = arith.constant 0 : i32
    %add3A_4 = arith.addi %mul3A_2, %add3A_3 : i32
    "tpu.region"() ({
      %run_scoped3A = tpu.sem_alloc : memref<!tpu.dma_semaphore, #tpu.memory_space<semaphore_mem>>
      %dma_start3A_197 = arith.constant 0 : i32
      %dma_start3A_198 = tpu.memref_slice %arg10[%add3A_4, %dma_start3A_197] : memref<10240x128xf32, #tpu.memory_space<vmem_shared>> -> memref<128x128xf32, #tpu.memory_space<vmem_shared>>
      tpu.enqueue_dma source(%arg5 : memref<128x128xf32, #tpu.memory_space<hbm>>) target(%dma_start3A_198 : memref<128x128xf32, #tpu.memory_space<vmem_shared>>) target_semaphore(%run_scoped3A : memref<!tpu.dma_semaphore, #tpu.memory_space<semaphore_mem>>)
      %dma_wait3A_199 = arith.constant 0 : i32
      %dma_wait3A_200 = tpu.memref_slice %arg10[%add3A_4, %dma_wait3A_199] : memref<10240x128xf32, #tpu.memory_space<vmem_shared>> -> memref<128x128xf32, #tpu.memory_space<vmem_shared>>
      tpu.wait_dma2 semaphore(%run_scoped3A : memref<!tpu.dma_semaphore, #tpu.memory_space<semaphore_mem>>) src(%arg5 : memref<128x128xf32, #tpu.memory_space<hbm>>) dst(%dma_wait3A_200 : memref<128x128xf32, #tpu.memory_space<vmem_shared>>)
      tpu.yield
    }) : () -> ()
    %mul3A_5 = arith.constant 640 : i32
    %mul3A_6 = arith.muli %arg1, %mul3A_5 : i32
    %add3A_7 = arith.constant 128 : i32
    %add3A_8 = arith.addi %mul3A_6, %add3A_7 : i32
    "tpu.region"() ({
      %run_scoped3A = tpu.sem_alloc : memref<!tpu.dma_semaphore, #tpu.memory_space<semaphore_mem>>
      %dma_start3A_197 = arith.constant 0 : i32
      %dma_start3A_198 = tpu.memref_slice %arg10[%add3A_8, %dma_start3A_197] : memref<10240x128xf32, #tpu.memory_space<vmem_shared>> -> memref<128x128xf32, #tpu.memory_space<vmem_shared>>
      tpu.enqueue_dma source(%arg5 : memref<128x128xf32, #tpu.memory_space<hbm>>) target(%dma_start3A_198 : memref<128x128xf32, #tpu.memory_space<vmem_shared>>) target_semaphore(%run_scoped3A : memref<!tpu.dma_semaphore, #tpu.memory_space<semaphore_mem>>)
      %dma_wait3A_199 = arith.constant 0 : i32
      %dma_wait3A_200 = tpu.memref_slice %arg10[%add3A_8, %dma_wait3A_199] : memref<10240x128xf32, #tpu.memory_space<vmem_shared>> -> memref<128x128xf32, #tpu.memory_space<vmem_shared>>
      tpu.wait_dma2 semaphore(%run_scoped3A : memref<!tpu.dma_semaphore, #tpu.memory_space<semaphore_mem>>) src(%arg5 : memref<128x128xf32, #tpu.memory_space<hbm>>) dst(%dma_wait3A_200 : memref<128x128xf32, #tpu.memory_space<vmem_shared>>)
      tpu.yield
    }) : () -> ()
    %mul3A_9 = arith.constant 640 : i32
    %mul3A_10 = arith.muli %arg1, %mul3A_9 : i32
    %add3A_11 = arith.constant 256 : i32
    %add3A_12 = arith.addi %mul3A_10, %add3A_11 : i32
    "tpu.region"() ({
      %run_scoped3A = tpu.sem_alloc : memref<!tpu.dma_semaphore, #tpu.memory_space<semaphore_mem>>
      %dma_start3A_197 = arith.constant 0 : i32
      %dma_start3A_198 = tpu.memref_slice %arg10[%add3A_12, %dma_start3A_197] : memref<10240x128xf32, #tpu.memory_space<vmem_shared>> -> memref<128x128xf32, #tpu.memory_space<vmem_shared>>
      tpu.enqueue_dma source(%arg5 : memref<128x128xf32, #tpu.memory_space<hbm>>) target(%dma_start3A_198 : memref<128x128xf32, #tpu.memory_space<vmem_shared>>) target_semaphore(%run_scoped3A : memref<!tpu.dma_semaphore, #tpu.memory_space<semaphore_mem>>)
      %dma_wait3A_199 = arith.constant 0 : i32
      %dma_wait3A_200 = tpu.memref_slice %arg10[%add3A_12, %dma_wait3A_199] : memref<10240x128xf32, #tpu.memory_space<vmem_shared>> -> memref<128x128xf32, #tpu.memory_space<vmem_shared>>
      tpu.wait_dma2 semaphore(%run_scoped3A : memref<!tpu.dma_semaphore, #tpu.memory_space<semaphore_mem>>) src(%arg5 : memref<128x128xf32, #tpu.memory_space<hbm>>) dst(%dma_wait3A_200 : memref<128x128xf32, #tpu.memory_space<vmem_shared>>)
      tpu.yield
    }) : () -> ()
    %mul3A_13 = arith.constant 640 : i32
    %mul3A_14 = arith.muli %arg1, %mul3A_13 : i32
    %add3A_15 = arith.constant 384 : i32
    %add3A_16 = arith.addi %mul3A_14, %add3A_15 : i32
    "tpu.region"() ({
      %run_scoped3A = tpu.sem_alloc : memref<!tpu.dma_semaphore, #tpu.memory_space<semaphore_mem>>
      %dma_start3A_197 = arith.constant 0 : i32
      %dma_start3A_198 = tpu.memref_slice %arg10[%add3A_16, %dma_start3A_197] : memref<10240x128xf32, #tpu.memory_space<vmem_shared>> -> memref<128x128xf32, #tpu.memory_space<vmem_shared>>
      tpu.enqueue_dma source(%arg5 : memref<128x128xf32, #tpu.memory_space<hbm>>) target(%dma_start3A_198 : memref<128x128xf32, #tpu.memory_space<vmem_shared>>) target_semaphore(%run_scoped3A : memref<!tpu.dma_semaphore, #tpu.memory_space<semaphore_mem>>)
      %dma_wait3A_199 = arith.constant 0 : i32
      %dma_wait3A_200 = tpu.memref_slice %arg10[%add3A_16, %dma_wait3A_199] : memref<10240x128xf32, #tpu.memory_space<vmem_shared>> -> memref<128x128xf32, #tpu.memory_space<vmem_shared>>
      tpu.wait_dma2 semaphore(%run_scoped3A : memref<!tpu.dma_semaphore, #tpu.memory_space<semaphore_mem>>) src(%arg5 : memref<128x128xf32, #tpu.memory_space<hbm>>) dst(%dma_wait3A_200 : memref<128x128xf32, #tpu.memory_space<vmem_shared>>)
      tpu.yield
    }) : () -> ()
    %mul3A_17 = arith.constant 640 : i32
    %mul3A_18 = arith.muli %arg1, %mul3A_17 : i32
    %add3A_19 = arith.constant 512 : i32
    %add3A_20 = arith.addi %mul3A_18, %add3A_19 : i32
    "tpu.region"() ({
      %run_scoped3A = tpu.sem_alloc : memref<!tpu.dma_semaphore, #tpu.memory_space<semaphore_mem>>
      %dma_start3A_197 = arith.constant 0 : i32
      %dma_start3A_198 = tpu.memref_slice %arg10[%add3A_20, %dma_start3A_197] : memref<10240x128xf32, #tpu.memory_space<vmem_shared>> -> memref<128x128xf32, #tpu.memory_space<vmem_shared>>
      tpu.enqueue_dma source(%arg5 : memref<128x128xf32, #tpu.memory_space<hbm>>) target(%dma_start3A_198 : memref<128x128xf32, #tpu.memory_space<vmem_shared>>) target_semaphore(%run_scoped3A : memref<!tpu.dma_semaphore, #tpu.memory_space<semaphore_mem>>)
      %dma_wait3A_199 = arith.constant 0 : i32
      %dma_wait3A_200 = tpu.memref_slice %arg10[%add3A_20, %dma_wait3A_199] : memref<10240x128xf32, #tpu.memory_space<vmem_shared>> -> memref<128x128xf32, #tpu.memory_space<vmem_shared>>
      tpu.wait_dma2 semaphore(%run_scoped3A : memref<!tpu.dma_semaphore, #tpu.memory_space<semaphore_mem>>) src(%arg5 : memref<128x128xf32, #tpu.memory_space<hbm>>) dst(%dma_wait3A_200 : memref<128x128xf32, #tpu.memory_space<vmem_shared>>)
      tpu.yield
    }) : () -> ()
    %mul3A_21 = arith.constant 80 : i32
    %mul3A_22 = arith.muli %add3A, %mul3A_21 : i32
    "tpu.region"() ({
      %run_scoped3A = tpu.sem_alloc : memref<!tpu.dma_semaphore, #tpu.memory_space<semaphore_mem>>
      %dma_start3A_197 = arith.constant 0 : i32
      %dma_start3A_198 = tpu.memref_slice %arg3[%mul3A_22, %dma_start3A_197] : memref<2560x128xi32, #tpu.memory_space<hbm>> -> memref<80x128xi32, #tpu.memory_space<hbm>>
      %dma_start3A_199 = arith.constant 0 : i32
      %dma_start3A_200 = tpu.memref_slice %arg3[%mul3A_22, %dma_start3A_199] : memref<2560x128xi32, #tpu.memory_space<hbm>> -> memref<80x128xi32, #tpu.memory_space<hbm>>
      tpu.enqueue_dma source(%dma_start3A_200 : memref<80x128xi32, #tpu.memory_space<hbm>>) target(%arg7 : memref<80x128xi32, #tpu.memory_space<vmem>>) target_semaphore(%run_scoped3A : memref<!tpu.dma_semaphore, #tpu.memory_space<semaphore_mem>>)
      %dma_wait3A_201 = arith.constant 0 : i32
      %dma_wait3A_202 = tpu.memref_slice %arg3[%mul3A_22, %dma_wait3A_201] : memref<2560x128xi32, #tpu.memory_space<hbm>> -> memref<80x128xi32, #tpu.memory_space<hbm>>
      %dma_wait3A_203 = arith.constant 0 : i32
      %dma_wait3A_204 = tpu.memref_slice %arg3[%mul3A_22, %dma_wait3A_203] : memref<2560x128xi32, #tpu.memory_space<hbm>> -> memref<80x128xi32, #tpu.memory_space<hbm>>
      tpu.wait_dma2 semaphore(%run_scoped3A : memref<!tpu.dma_semaphore, #tpu.memory_space<semaphore_mem>>) src(%dma_wait3A_204 : memref<80x128xi32, #tpu.memory_space<hbm>>) dst(%arg7 : memref<80x128xi32, #tpu.memory_space<vmem>>)
      tpu.yield
    }) : () -> ()
    %mul3A_23 = arith.constant 80 : i32
    %mul3A_24 = arith.muli %add3A, %mul3A_23 : i32
    %add3A_25 = arith.constant 0 : i32
    %add3A_26 = arith.addi %mul3A_24, %add3A_25 : i32
    %dma_start3A = arith.constant 0 : i32
    %dma_start3A_27 = arith.constant 0 : i32
    %dma_start3A_28 = arith.constant 0 : i32
    %dma_start3A_29 = tpu.memref_slice %arg8[%dma_start3A_27, %dma_start3A_28] : memref<8x128xi32, #tpu.memory_space<vmem>> -> memref<1x128xi32, #tpu.memory_space<vmem>>
    %dma_start3A_30 = arith.constant 0 : i32
    %dma_start3A_31 = tpu.memref_slice %arg4[%add3A_26, %dma_start3A_30] : memref<2560x128xi32, #tpu.memory_space<hbm>> -> memref<1x128xi32, #tpu.memory_space<hbm>>
    %dma_start3A_32 = tpu.memref_slice %arg11[%dma_start3A] : memref<8x!tpu.dma_semaphore, #tpu.memory_space<semaphore_mem>> -> memref<1x!tpu.dma_semaphore, #tpu.memory_space<semaphore_mem>>
    %dma_start3A_33 = tpu.memref_squeeze %dma_start3A_32 : memref<1x!tpu.dma_semaphore, #tpu.memory_space<semaphore_mem>> -> memref<!tpu.dma_semaphore, #tpu.memory_space<semaphore_mem>>
    %dma_start3A_34 = arith.constant 0 : i32
    %dma_start3A_35 = arith.constant 0 : i32
    %dma_start3A_36 = tpu.memref_slice %arg8[%dma_start3A_34, %dma_start3A_35] : memref<8x128xi32, #tpu.memory_space<vmem>> -> memref<1x128xi32, #tpu.memory_space<vmem>>
    %dma_start3A_37 = arith.constant 0 : i32
    %dma_start3A_38 = tpu.memref_slice %arg4[%add3A_26, %dma_start3A_37] : memref<2560x128xi32, #tpu.memory_space<hbm>> -> memref<1x128xi32, #tpu.memory_space<hbm>>
    tpu.enqueue_dma source(%dma_start3A_38 : memref<1x128xi32, #tpu.memory_space<hbm>>) target(%dma_start3A_36 : memref<1x128xi32, #tpu.memory_space<vmem>>) target_semaphore(%dma_start3A_33 : memref<!tpu.dma_semaphore, #tpu.memory_space<semaphore_mem>>)
    %mul3A_39 = arith.constant 80 : i32
    %mul3A_40 = arith.muli %add3A, %mul3A_39 : i32
    %add3A_41 = arith.constant 1 : i32
    %add3A_42 = arith.addi %mul3A_40, %add3A_41 : i32
    %dma_start3A_43 = arith.constant 1 : i32
    %dma_start3A_44 = arith.constant 1 : i32
    %dma_start3A_45 = arith.constant 0 : i32
    %dma_start3A_46 = tpu.memref_slice %arg8[%dma_start3A_44, %dma_start3A_45] : memref<8x128xi32, #tpu.memory_space<vmem>> -> memref<1x128xi32, #tpu.memory_space<vmem>>
    %dma_start3A_47 = arith.constant 0 : i32
    %dma_start3A_48 = tpu.memref_slice %arg4[%add3A_42, %dma_start3A_47] : memref<2560x128xi32, #tpu.memory_space<hbm>> -> memref<1x128xi32, #tpu.memory_space<hbm>>
    %dma_start3A_49 = tpu.memref_slice %arg11[%dma_start3A_43] : memref<8x!tpu.dma_semaphore, #tpu.memory_space<semaphore_mem>> -> memref<1x!tpu.dma_semaphore, #tpu.memory_space<semaphore_mem>>
    %dma_start3A_50 = tpu.memref_squeeze %dma_start3A_49 : memref<1x!tpu.dma_semaphore, #tpu.memory_space<semaphore_mem>> -> memref<!tpu.dma_semaphore, #tpu.memory_space<semaphore_mem>>
    %dma_start3A_51 = arith.constant 1 : i32
    %dma_start3A_52 = arith.constant 0 : i32
    %dma_start3A_53 = tpu.memref_slice %arg8[%dma_start3A_51, %dma_start3A_52] : memref<8x128xi32, #tpu.memory_space<vmem>> -> memref<1x128xi32, #tpu.memory_space<vmem>>
    %dma_start3A_54 = arith.constant 0 : i32
    %dma_start3A_55 = tpu.memref_slice %arg4[%add3A_42, %dma_start3A_54] : memref<2560x128xi32, #tpu.memory_space<hbm>> -> memref<1x128xi32, #tpu.memory_space<hbm>>
    tpu.enqueue_dma source(%dma_start3A_55 : memref<1x128xi32, #tpu.memory_space<hbm>>) target(%dma_start3A_53 : memref<1x128xi32, #tpu.memory_space<vmem>>) target_semaphore(%dma_start3A_50 : memref<!tpu.dma_semaphore, #tpu.memory_space<semaphore_mem>>)
    %mul3A_56 = arith.constant 80 : i32
    %mul3A_57 = arith.muli %add3A, %mul3A_56 : i32
    %add3A_58 = arith.constant 2 : i32
    %add3A_59 = arith.addi %mul3A_57, %add3A_58 : i32
    %dma_start3A_60 = arith.constant 2 : i32
    %dma_start3A_61 = arith.constant 2 : i32
    %dma_start3A_62 = arith.constant 0 : i32
    %dma_start3A_63 = tpu.memref_slice %arg8[%dma_start3A_61, %dma_start3A_62] : memref<8x128xi32, #tpu.memory_space<vmem>> -> memref<1x128xi32, #tpu.memory_space<vmem>>
    %dma_start3A_64 = arith.constant 0 : i32
    %dma_start3A_65 = tpu.memref_slice %arg4[%add3A_59, %dma_start3A_64] : memref<2560x128xi32, #tpu.memory_space<hbm>> -> memref<1x128xi32, #tpu.memory_space<hbm>>
    %dma_start3A_66 = tpu.memref_slice %arg11[%dma_start3A_60] : memref<8x!tpu.dma_semaphore, #tpu.memory_space<semaphore_mem>> -> memref<1x!tpu.dma_semaphore, #tpu.memory_space<semaphore_mem>>
    %dma_start3A_67 = tpu.memref_squeeze %dma_start3A_66 : memref<1x!tpu.dma_semaphore, #tpu.memory_space<semaphore_mem>> -> memref<!tpu.dma_semaphore, #tpu.memory_space<semaphore_mem>>
    %dma_start3A_68 = arith.constant 2 : i32
    %dma_start3A_69 = arith.constant 0 : i32
    %dma_start3A_70 = tpu.memref_slice %arg8[%dma_start3A_68, %dma_start3A_69] : memref<8x128xi32, #tpu.memory_space<vmem>> -> memref<1x128xi32, #tpu.memory_space<vmem>>
    %dma_start3A_71 = arith.constant 0 : i32
    %dma_start3A_72 = tpu.memref_slice %arg4[%add3A_59, %dma_start3A_71] : memref<2560x128xi32, #tpu.memory_space<hbm>> -> memref<1x128xi32, #tpu.memory_space<hbm>>
    tpu.enqueue_dma source(%dma_start3A_72 : memref<1x128xi32, #tpu.memory_space<hbm>>) target(%dma_start3A_70 : memref<1x128xi32, #tpu.memory_space<vmem>>) target_semaphore(%dma_start3A_67 : memref<!tpu.dma_semaphore, #tpu.memory_space<semaphore_mem>>)
    %mul3A_73 = arith.constant 80 : i32
    %mul3A_74 = arith.muli %add3A, %mul3A_73 : i32
    %add3A_75 = arith.constant 3 : i32
    %add3A_76 = arith.addi %mul3A_74, %add3A_75 : i32
    %dma_start3A_77 = arith.constant 3 : i32
    %dma_start3A_78 = arith.constant 3 : i32
    %dma_start3A_79 = arith.constant 0 : i32
    %dma_start3A_80 = tpu.memref_slice %arg8[%dma_start3A_78, %dma_start3A_79] : memref<8x128xi32, #tpu.memory_space<vmem>> -> memref<1x128xi32, #tpu.memory_space<vmem>>
    %dma_start3A_81 = arith.constant 0 : i32
    %dma_start3A_82 = tpu.memref_slice %arg4[%add3A_76, %dma_start3A_81] : memref<2560x128xi32, #tpu.memory_space<hbm>> -> memref<1x128xi32, #tpu.memory_space<hbm>>
    %dma_start3A_83 = tpu.memref_slice %arg11[%dma_start3A_77] : memref<8x!tpu.dma_semaphore, #tpu.memory_space<semaphore_mem>> -> memref<1x!tpu.dma_semaphore, #tpu.memory_space<semaphore_mem>>
    %dma_start3A_84 = tpu.memref_squeeze %dma_start3A_83 : memref<1x!tpu.dma_semaphore, #tpu.memory_space<semaphore_mem>> -> memref<!tpu.dma_semaphore, #tpu.memory_space<semaphore_mem>>
    %dma_start3A_85 = arith.constant 3 : i32
    %dma_start3A_86 = arith.constant 0 : i32
    %dma_start3A_87 = tpu.memref_slice %arg8[%dma_start3A_85, %dma_start3A_86] : memref<8x128xi32, #tpu.memory_space<vmem>> -> memref<1x128xi32, #tpu.memory_space<vmem>>
    %dma_start3A_88 = arith.constant 0 : i32
    %dma_start3A_89 = tpu.memref_slice %arg4[%add3A_76, %dma_start3A_88] : memref<2560x128xi32, #tpu.memory_space<hbm>> -> memref<1x128xi32, #tpu.memory_space<hbm>>
    tpu.enqueue_dma source(%dma_start3A_89 : memref<1x128xi32, #tpu.memory_space<hbm>>) target(%dma_start3A_87 : memref<1x128xi32, #tpu.memory_space<vmem>>) target_semaphore(%dma_start3A_84 : memref<!tpu.dma_semaphore, #tpu.memory_space<semaphore_mem>>)
    %mul3A_90 = arith.constant 80 : i32
    %mul3A_91 = arith.muli %add3A, %mul3A_90 : i32
    %add3A_92 = arith.constant 4 : i32
    %add3A_93 = arith.addi %mul3A_91, %add3A_92 : i32
    %dma_start3A_94 = arith.constant 4 : i32
    %dma_start3A_95 = arith.constant 4 : i32
    %dma_start3A_96 = arith.constant 0 : i32
    %dma_start3A_97 = tpu.memref_slice %arg8[%dma_start3A_95, %dma_start3A_96] : memref<8x128xi32, #tpu.memory_space<vmem>> -> memref<1x128xi32, #tpu.memory_space<vmem>>
    %dma_start3A_98 = arith.constant 0 : i32
    %dma_start3A_99 = tpu.memref_slice %arg4[%add3A_93, %dma_start3A_98] : memref<2560x128xi32, #tpu.memory_space<hbm>> -> memref<1x128xi32, #tpu.memory_space<hbm>>
    %dma_start3A_100 = tpu.memref_slice %arg11[%dma_start3A_94] : memref<8x!tpu.dma_semaphore, #tpu.memory_space<semaphore_mem>> -> memref<1x!tpu.dma_semaphore, #tpu.memory_space<semaphore_mem>>
    %dma_start3A_101 = tpu.memref_squeeze %dma_start3A_100 : memref<1x!tpu.dma_semaphore, #tpu.memory_space<semaphore_mem>> -> memref<!tpu.dma_semaphore, #tpu.memory_space<semaphore_mem>>
    %dma_start3A_102 = arith.constant 4 : i32
    %dma_start3A_103 = arith.constant 0 : i32
    %dma_start3A_104 = tpu.memref_slice %arg8[%dma_start3A_102, %dma_start3A_103] : memref<8x128xi32, #tpu.memory_space<vmem>> -> memref<1x128xi32, #tpu.memory_space<vmem>>
    %dma_start3A_105 = arith.constant 0 : i32
    %dma_start3A_106 = tpu.memref_slice %arg4[%add3A_93, %dma_start3A_105] : memref<2560x128xi32, #tpu.memory_space<hbm>> -> memref<1x128xi32, #tpu.memory_space<hbm>>
    tpu.enqueue_dma source(%dma_start3A_106 : memref<1x128xi32, #tpu.memory_space<hbm>>) target(%dma_start3A_104 : memref<1x128xi32, #tpu.memory_space<vmem>>) target_semaphore(%dma_start3A_101 : memref<!tpu.dma_semaphore, #tpu.memory_space<semaphore_mem>>)
    %mul3A_107 = arith.constant 80 : i32
    %mul3A_108 = arith.muli %add3A, %mul3A_107 : i32
    %add3A_109 = arith.constant 5 : i32
    %add3A_110 = arith.addi %mul3A_108, %add3A_109 : i32
    %dma_start3A_111 = arith.constant 5 : i32
    %dma_start3A_112 = arith.constant 5 : i32
    %dma_start3A_113 = arith.constant 0 : i32
    %dma_start3A_114 = tpu.memref_slice %arg8[%dma_start3A_112, %dma_start3A_113] : memref<8x128xi32, #tpu.memory_space<vmem>> -> memref<1x128xi32, #tpu.memory_space<vmem>>
    %dma_start3A_115 = arith.constant 0 : i32
    %dma_start3A_116 = tpu.memref_slice %arg4[%add3A_110, %dma_start3A_115] : memref<2560x128xi32, #tpu.memory_space<hbm>> -> memref<1x128xi32, #tpu.memory_space<hbm>>
    %dma_start3A_117 = tpu.memref_slice %arg11[%dma_start3A_111] : memref<8x!tpu.dma_semaphore, #tpu.memory_space<semaphore_mem>> -> memref<1x!tpu.dma_semaphore, #tpu.memory_space<semaphore_mem>>
    %dma_start3A_118 = tpu.memref_squeeze %dma_start3A_117 : memref<1x!tpu.dma_semaphore, #tpu.memory_space<semaphore_mem>> -> memref<!tpu.dma_semaphore, #tpu.memory_space<semaphore_mem>>
    %dma_start3A_119 = arith.constant 5 : i32
    %dma_start3A_120 = arith.constant 0 : i32
    %dma_start3A_121 = tpu.memref_slice %arg8[%dma_start3A_119, %dma_start3A_120] : memref<8x128xi32, #tpu.memory_space<vmem>> -> memref<1x128xi32, #tpu.memory_space<vmem>>
    %dma_start3A_122 = arith.constant 0 : i32
    %dma_start3A_123 = tpu.memref_slice %arg4[%add3A_110, %dma_start3A_122] : memref<2560x128xi32, #tpu.memory_space<hbm>> -> memref<1x128xi32, #tpu.memory_space<hbm>>
    tpu.enqueue_dma source(%dma_start3A_123 : memref<1x128xi32, #tpu.memory_space<hbm>>) target(%dma_start3A_121 : memref<1x128xi32, #tpu.memory_space<vmem>>) target_semaphore(%dma_start3A_118 : memref<!tpu.dma_semaphore, #tpu.memory_space<semaphore_mem>>)
    %mul3A_124 = arith.constant 80 : i32
    %mul3A_125 = arith.muli %add3A, %mul3A_124 : i32
    %add3A_126 = arith.constant 6 : i32
    %add3A_127 = arith.addi %mul3A_125, %add3A_126 : i32
    %dma_start3A_128 = arith.constant 6 : i32
    %dma_start3A_129 = arith.constant 6 : i32
    %dma_start3A_130 = arith.constant 0 : i32
    %dma_start3A_131 = tpu.memref_slice %arg8[%dma_start3A_129, %dma_start3A_130] : memref<8x128xi32, #tpu.memory_space<vmem>> -> memref<1x128xi32, #tpu.memory_space<vmem>>
    %dma_start3A_132 = arith.constant 0 : i32
    %dma_start3A_133 = tpu.memref_slice %arg4[%add3A_127, %dma_start3A_132] : memref<2560x128xi32, #tpu.memory_space<hbm>> -> memref<1x128xi32, #tpu.memory_space<hbm>>
    %dma_start3A_134 = tpu.memref_slice %arg11[%dma_start3A_128] : memref<8x!tpu.dma_semaphore, #tpu.memory_space<semaphore_mem>> -> memref<1x!tpu.dma_semaphore, #tpu.memory_space<semaphore_mem>>
    %dma_start3A_135 = tpu.memref_squeeze %dma_start3A_134 : memref<1x!tpu.dma_semaphore, #tpu.memory_space<semaphore_mem>> -> memref<!tpu.dma_semaphore, #tpu.memory_space<semaphore_mem>>
    %dma_start3A_136 = arith.constant 6 : i32
    %dma_start3A_137 = arith.constant 0 : i32
    %dma_start3A_138 = tpu.memref_slice %arg8[%dma_start3A_136, %dma_start3A_137] : memref<8x128xi32, #tpu.memory_space<vmem>> -> memref<1x128xi32, #tpu.memory_space<vmem>>
    %dma_start3A_139 = arith.constant 0 : i32
    %dma_start3A_140 = tpu.memref_slice %arg4[%add3A_127, %dma_start3A_139] : memref<2560x128xi32, #tpu.memory_space<hbm>> -> memref<1x128xi32, #tpu.memory_space<hbm>>
    tpu.enqueue_dma source(%dma_start3A_140 : memref<1x128xi32, #tpu.memory_space<hbm>>) target(%dma_start3A_138 : memref<1x128xi32, #tpu.memory_space<vmem>>) target_semaphore(%dma_start3A_135 : memref<!tpu.dma_semaphore, #tpu.memory_space<semaphore_mem>>)
    %mul3A_141 = arith.constant 80 : i32
    %mul3A_142 = arith.muli %add3A, %mul3A_141 : i32
    %add3A_143 = arith.constant 7 : i32
    %add3A_144 = arith.addi %mul3A_142, %add3A_143 : i32
    %dma_start3A_145 = arith.constant 7 : i32
    %dma_start3A_146 = arith.constant 7 : i32
    %dma_start3A_147 = arith.constant 0 : i32
    %dma_start3A_148 = tpu.memref_slice %arg8[%dma_start3A_146, %dma_start3A_147] : memref<8x128xi32, #tpu.memory_space<vmem>> -> memref<1x128xi32, #tpu.memory_space<vmem>>
    %dma_start3A_149 = arith.constant 0 : i32
    %dma_start3A_150 = tpu.memref_slice %arg4[%add3A_144, %dma_start3A_149] : memref<2560x128xi32, #tpu.memory_space<hbm>> -> memref<1x128xi32, #tpu.memory_space<hbm>>
    %dma_start3A_151 = tpu.memref_slice %arg11[%dma_start3A_145] : memref<8x!tpu.dma_semaphore, #tpu.memory_space<semaphore_mem>> -> memref<1x!tpu.dma_semaphore, #tpu.memory_space<semaphore_mem>>
    %dma_start3A_152 = tpu.memref_squeeze %dma_start3A_151 : memref<1x!tpu.dma_semaphore, #tpu.memory_space<semaphore_mem>> -> memref<!tpu.dma_semaphore, #tpu.memory_space<semaphore_mem>>
    %dma_start3A_153 = arith.constant 7 : i32
    %dma_start3A_154 = arith.constant 0 : i32
    %dma_start3A_155 = tpu.memref_slice %arg8[%dma_start3A_153, %dma_start3A_154] : memref<8x128xi32, #tpu.memory_space<vmem>> -> memref<1x128xi32, #tpu.memory_space<vmem>>
    %dma_start3A_156 = arith.constant 0 : i32
    %dma_start3A_157 = tpu.memref_slice %arg4[%add3A_144, %dma_start3A_156] : memref<2560x128xi32, #tpu.memory_space<hbm>> -> memref<1x128xi32, #tpu.memory_space<hbm>>
    tpu.enqueue_dma source(%dma_start3A_157 : memref<1x128xi32, #tpu.memory_space<hbm>>) target(%dma_start3A_155 : memref<1x128xi32, #tpu.memory_space<vmem>>) target_semaphore(%dma_start3A_152 : memref<!tpu.dma_semaphore, #tpu.memory_space<semaphore_mem>>)
    %barrier3A = arith.constant 0 : index
    tpu.barrier barrier_id(%barrier3A)
    %dma_start3A_158 = arith.constant 0 : i32
    %dma_start3A_159 = arith.constant 0 : i32
    %dma_start3A_160 = arith.constant 0 : i32
    %dma_start3A_161 = arith.constant 0 : i32
    %dma_start3A_162 = arith.constant 0 : i32
    %dma_start3A_163 = tpu.memref_slice %arg9[%dma_start3A_159, %dma_start3A_161, %dma_start3A_162] : memref<2x128x128xf32, #tpu.memory_space<vmem>> -> memref<1x128x128xf32, #tpu.memory_space<vmem>>
    %dma_start3A_164 = tpu.memref_squeeze %dma_start3A_163 : memref<1x128x128xf32, #tpu.memory_space<vmem>> -> memref<128x128xf32, #tpu.memory_space<vmem>>
    %dma_start3A_165 = arith.constant 0 : i32
    %dma_start3A_166 = tpu.memref_slice %arg7[%dma_start3A_158, %dma_start3A_165] : memref<80x128xi32, #tpu.memory_space<vmem>> -> memref<1x128xi32, #tpu.memory_space<vmem>>
    %dma_start3A_167 = tpu.memref_squeeze %dma_start3A_166 : memref<1x128xi32, #tpu.memory_space<vmem>> -> memref<128xi32, #tpu.memory_space<vmem>>
    %dma_start3A_168 = arith.constant 0 : i32
    %dma_start3A_169 = arith.constant 0 : i32
    %dma_start3A_170 = tpu.memref_slice %arg2[%dma_start3A_168, %dma_start3A_169] : memref<10000x128xf32, #tpu.memory_space<hbm>> -> memref<10000x128xf32, #tpu.memory_space<hbm>>
    %dma_start3A_171 = tpu.memref_slice %arg12[%dma_start3A_160] : memref<2x!tpu.dma_semaphore, #tpu.memory_space<semaphore_mem>> -> memref<1x!tpu.dma_semaphore, #tpu.memory_space<semaphore_mem>>
    %dma_start3A_172 = tpu.memref_squeeze %dma_start3A_171 : memref<1x!tpu.dma_semaphore, #tpu.memory_space<semaphore_mem>> -> memref<!tpu.dma_semaphore, #tpu.memory_space<semaphore_mem>>
    tpu.enqueue_indirect_dma source(%dma_start3A_170 : memref<10000x128xf32, #tpu.memory_space<hbm>>) target(%dma_start3A_164 : memref<128x128xf32, #tpu.memory_space<vmem>>) offsets(%dma_start3A_167 : memref<128xi32, #tpu.memory_space<vmem>>) semaphore(%dma_start3A_172 : memref<!tpu.dma_semaphore, #tpu.memory_space<semaphore_mem>>)
    %scan3A = arith.constant 0 : i32
    %scan3A_173 = arith.constant 0 : i32
    %scan3A_174 = arith.constant 10 : i32
    %scan3A_175 = arith.addi %scan3A_173, %scan3A_174 : i32
    %scan3A_176 = arith.constant 1 : i32
    scf.for %scan3A_197 = %scan3A_173 to %scan3A_175 step %scan3A_176  : i32 {
      %mul3A_198 = arith.constant 8 : i32
      %mul3A_199 = arith.muli %scan3A_197, %mul3A_198 : i32
      %add3A_200 = arith.constant 0 : i32
      %add3A_201 = arith.addi %mul3A_199, %add3A_200 : i32
      %dma_wait3A_202 = arith.constant 0 : i32
      %dma_wait3A_203 = arith.constant 0 : i32
      %dma_wait3A_204 = arith.constant 0 : i32
      %dma_wait3A_205 = arith.constant 0 : i32
      %dma_wait3A_206 = arith.constant 0 : i32
      %dma_wait3A_207 = tpu.memref_slice %arg9[%dma_wait3A_203, %dma_wait3A_205, %dma_wait3A_206] : memref<2x128x128xf32, #tpu.memory_space<vmem>> -> memref<1x128x128xf32, #tpu.memory_space<vmem>>
      %dma_wait3A_208 = tpu.memref_squeeze %dma_wait3A_207 : memref<1x128x128xf32, #tpu.memory_space<vmem>> -> memref<128x128xf32, #tpu.memory_space<vmem>>
      %dma_wait3A_209 = arith.constant 0 : i32
      %dma_wait3A_210 = tpu.memref_slice %arg7[%dma_wait3A_202, %dma_wait3A_209] : memref<80x128xi32, #tpu.memory_space<vmem>> -> memref<1x128xi32, #tpu.memory_space<vmem>>
      %dma_wait3A_211 = tpu.memref_squeeze %dma_wait3A_210 : memref<1x128xi32, #tpu.memory_space<vmem>> -> memref<128xi32, #tpu.memory_space<vmem>>
      %dma_wait3A_212 = arith.constant 0 : i32
      %dma_wait3A_213 = arith.constant 0 : i32
      %dma_wait3A_214 = tpu.memref_slice %arg2[%dma_wait3A_212, %dma_wait3A_213] : memref<10000x128xf32, #tpu.memory_space<hbm>> -> memref<10000x128xf32, #tpu.memory_space<hbm>>
      %dma_wait3A_215 = tpu.memref_slice %arg12[%dma_wait3A_204] : memref<2x!tpu.dma_semaphore, #tpu.memory_space<semaphore_mem>> -> memref<1x!tpu.dma_semaphore, #tpu.memory_space<semaphore_mem>>
      %dma_wait3A_216 = tpu.memref_squeeze %dma_wait3A_215 : memref<1x!tpu.dma_semaphore, #tpu.memory_space<semaphore_mem>> -> memref<!tpu.dma_semaphore, #tpu.memory_space<semaphore_mem>>
      tpu.wait_indirect_dma semaphore(%dma_wait3A_216 : memref<!tpu.dma_semaphore, #tpu.memory_space<semaphore_mem>>) src(%dma_wait3A_214 : memref<10000x128xf32, #tpu.memory_space<hbm>>) dst(%dma_wait3A_208 : memref<128x128xf32, #tpu.memory_space<vmem>>)
      %ge3A = arith.constant 1 : i32
      %ge3A_217 = arith.cmpi sge, %add3A_201, %ge3A : i32
      %convert_element_type3A = arith.extui %ge3A_217 : i1 to i32
      %cond3A = arith.constant 0 : i32
      %cond3A_218 = arith.cmpi ne, %convert_element_type3A, %cond3A : i32
      scf.if %cond3A_218 {
        %dma_wait3A_682 = arith.constant 1 : i32
        %dma_wait3A_683 = arith.constant 0 : i32
        %dma_wait3A_684 = arith.constant 1 : i32
        %dma_wait3A_685 = arith.constant 0 : i32
        %dma_wait3A_686 = arith.constant 0 : i32
        %dma_wait3A_687 = tpu.memref_slice %arg9[%dma_wait3A_682, %dma_wait3A_685, %dma_wait3A_686] : memref<2x128x128xf32, #tpu.memory_space<vmem>> -> memref<1x128x128xf32, #tpu.memory_space<vmem>>
        %dma_wait3A_688 = tpu.memref_squeeze %dma_wait3A_687 : memref<1x128x128xf32, #tpu.memory_space<vmem>> -> memref<128x128xf32, #tpu.memory_space<vmem>>
        %dma_wait3A_689 = arith.constant 0 : i32
        %dma_wait3A_690 = tpu.memref_slice %arg8[%dma_wait3A_683, %dma_wait3A_689] : memref<8x128xi32, #tpu.memory_space<vmem>> -> memref<1x128xi32, #tpu.memory_space<vmem>>
        %dma_wait3A_691 = tpu.memref_squeeze %dma_wait3A_690 : memref<1x128xi32, #tpu.memory_space<vmem>> -> memref<128xi32, #tpu.memory_space<vmem>>
        %dma_wait3A_692 = arith.constant 0 : i32
        %dma_wait3A_693 = arith.constant 0 : i32
        %dma_wait3A_694 = tpu.memref_slice %arg10[%dma_wait3A_692, %dma_wait3A_693] : memref<10240x128xf32, #tpu.memory_space<vmem_shared>> -> memref<10240x128xf32, #tpu.memory_space<vmem_shared>>
        %dma_wait3A_695 = tpu.memref_slice %arg13[%dma_wait3A_684] : memref<2x!tpu.dma_semaphore, #tpu.memory_space<semaphore_mem>> -> memref<1x!tpu.dma_semaphore, #tpu.memory_space<semaphore_mem>>
        %dma_wait3A_696 = tpu.memref_squeeze %dma_wait3A_695 : memref<1x!tpu.dma_semaphore, #tpu.memory_space<semaphore_mem>> -> memref<!tpu.dma_semaphore, #tpu.memory_space<semaphore_mem>>
        tpu.wait_indirect_dma semaphore(%dma_wait3A_696 : memref<!tpu.dma_semaphore, #tpu.memory_space<semaphore_mem>>) src(%dma_wait3A_688 : memref<128x128xf32, #tpu.memory_space<vmem>>) dst(%dma_wait3A_694 : memref<10240x128xf32, #tpu.memory_space<vmem_shared>>)
        %add3A_697 = arith.constant 8 : i32
        %add3A_698 = arith.addi %add3A_201, %add3A_697 : i32
        %sub3A = arith.constant 1 : i32
        %sub3A_699 = arith.subi %add3A_698, %sub3A : i32
        %lt3A_700 = arith.constant 80 : i32
        %lt3A_701 = arith.cmpi slt, %sub3A_699, %lt3A_700 : i32
        %convert_element_type3A_702 = arith.extui %lt3A_701 : i1 to i32
        %cond3A_703 = arith.constant 0 : i32
        %cond3A_704 = arith.cmpi ne, %convert_element_type3A_702, %cond3A_703 : i32
        scf.if %cond3A_704 {
          %mul3A_705 = arith.constant 80 : i32
          %mul3A_706 = arith.muli %add3A, %mul3A_705 : i32
          %add3A_707 = arith.addi %mul3A_706, %sub3A_699 : i32
          %dma_start3A_708 = arith.constant 7 : i32
          %dma_start3A_709 = arith.constant 7 : i32
          %dma_start3A_710 = arith.constant 0 : i32
          %dma_start3A_711 = tpu.memref_slice %arg8[%dma_start3A_709, %dma_start3A_710] : memref<8x128xi32, #tpu.memory_space<vmem>> -> memref<1x128xi32, #tpu.memory_space<vmem>>
          %dma_start3A_712 = arith.constant 0 : i32
          %dma_start3A_713 = tpu.memref_slice %arg4[%add3A_707, %dma_start3A_712] : memref<2560x128xi32, #tpu.memory_space<hbm>> -> memref<1x128xi32, #tpu.memory_space<hbm>>
          %dma_start3A_714 = tpu.memref_slice %arg11[%dma_start3A_708] : memref<8x!tpu.dma_semaphore, #tpu.memory_space<semaphore_mem>> -> memref<1x!tpu.dma_semaphore, #tpu.memory_space<semaphore_mem>>
          %dma_start3A_715 = tpu.memref_squeeze %dma_start3A_714 : memref<1x!tpu.dma_semaphore, #tpu.memory_space<semaphore_mem>> -> memref<!tpu.dma_semaphore, #tpu.memory_space<semaphore_mem>>
          %dma_start3A_716 = arith.constant 7 : i32
          %dma_start3A_717 = arith.constant 0 : i32
          %dma_start3A_718 = tpu.memref_slice %arg8[%dma_start3A_716, %dma_start3A_717] : memref<8x128xi32, #tpu.memory_space<vmem>> -> memref<1x128xi32, #tpu.memory_space<vmem>>
          %dma_start3A_719 = arith.constant 0 : i32
          %dma_start3A_720 = tpu.memref_slice %arg4[%add3A_707, %dma_start3A_719] : memref<2560x128xi32, #tpu.memory_space<hbm>> -> memref<1x128xi32, #tpu.memory_space<hbm>>
          tpu.enqueue_dma source(%dma_start3A_720 : memref<1x128xi32, #tpu.memory_space<hbm>>) target(%dma_start3A_718 : memref<1x128xi32, #tpu.memory_space<vmem>>) target_semaphore(%dma_start3A_715 : memref<!tpu.dma_semaphore, #tpu.memory_space<semaphore_mem>>)
        } else {
        }
      } else {
      }
      %add3A_219 = arith.constant 1 : i32
      %add3A_220 = arith.addi %add3A_201, %add3A_219 : i32
      %lt3A = arith.constant 80 : i32
      %lt3A_221 = arith.cmpi slt, %add3A_220, %lt3A : i32
      %convert_element_type3A_222 = arith.extui %lt3A_221 : i1 to i32
      %cond3A_223 = arith.constant 0 : i32
      %cond3A_224 = arith.cmpi ne, %convert_element_type3A_222, %cond3A_223 : i32
      scf.if %cond3A_224 {
        %add3A_682 = arith.constant 1 : i32
        %add3A_683 = arith.addi %add3A_201, %add3A_682 : i32
        %dma_start3A_684 = arith.constant 1 : i32
        %dma_start3A_685 = arith.constant 1 : i32
        %dma_start3A_686 = arith.constant 0 : i32
        %dma_start3A_687 = arith.constant 0 : i32
        %dma_start3A_688 = tpu.memref_slice %arg9[%dma_start3A_684, %dma_start3A_686, %dma_start3A_687] : memref<2x128x128xf32, #tpu.memory_space<vmem>> -> memref<1x128x128xf32, #tpu.memory_space<vmem>>
        %dma_start3A_689 = tpu.memref_squeeze %dma_start3A_688 : memref<1x128x128xf32, #tpu.memory_space<vmem>> -> memref<128x128xf32, #tpu.memory_space<vmem>>
        %dma_start3A_690 = arith.constant 0 : i32
        %dma_start3A_691 = tpu.memref_slice %arg7[%add3A_683, %dma_start3A_690] : memref<80x128xi32, #tpu.memory_space<vmem>> -> memref<1x128xi32, #tpu.memory_space<vmem>>
        %dma_start3A_692 = tpu.memref_squeeze %dma_start3A_691 : memref<1x128xi32, #tpu.memory_space<vmem>> -> memref<128xi32, #tpu.memory_space<vmem>>
        %dma_start3A_693 = arith.constant 0 : i32
        %dma_start3A_694 = arith.constant 0 : i32
        %dma_start3A_695 = tpu.memref_slice %arg2[%dma_start3A_693, %dma_start3A_694] : memref<10000x128xf32, #tpu.memory_space<hbm>> -> memref<10000x128xf32, #tpu.memory_space<hbm>>
        %dma_start3A_696 = tpu.memref_slice %arg12[%dma_start3A_685] : memref<2x!tpu.dma_semaphore, #tpu.memory_space<semaphore_mem>> -> memref<1x!tpu.dma_semaphore, #tpu.memory_space<semaphore_mem>>
        %dma_start3A_697 = tpu.memref_squeeze %dma_start3A_696 : memref<1x!tpu.dma_semaphore, #tpu.memory_space<semaphore_mem>> -> memref<!tpu.dma_semaphore, #tpu.memory_space<semaphore_mem>>
        tpu.enqueue_indirect_dma source(%dma_start3A_695 : memref<10000x128xf32, #tpu.memory_space<hbm>>) target(%dma_start3A_689 : memref<128x128xf32, #tpu.memory_space<vmem>>) offsets(%dma_start3A_692 : memref<128xi32, #tpu.memory_space<vmem>>) semaphore(%dma_start3A_697 : memref<!tpu.dma_semaphore, #tpu.memory_space<semaphore_mem>>)
      } else {
      }
      %dma_wait3A_225 = arith.constant 0 : i32
      %dma_wait3A_226 = arith.constant 0 : i32
      %dma_wait3A_227 = arith.constant 0 : i32
      %dma_wait3A_228 = tpu.memref_slice %arg8[%dma_wait3A_226, %dma_wait3A_227] : memref<8x128xi32, #tpu.memory_space<vmem>> -> memref<1x128xi32, #tpu.memory_space<vmem>>
      %dma_wait3A_229 = arith.constant 0 : i32
      %dma_wait3A_230 = arith.constant 0 : i32
      %dma_wait3A_231 = tpu.memref_slice %arg4[%dma_wait3A_229, %dma_wait3A_230] : memref<2560x128xi32, #tpu.memory_space<hbm>> -> memref<1x128xi32, #tpu.memory_space<hbm>>
      %dma_wait3A_232 = tpu.memref_slice %arg11[%dma_wait3A_225] : memref<8x!tpu.dma_semaphore, #tpu.memory_space<semaphore_mem>> -> memref<1x!tpu.dma_semaphore, #tpu.memory_space<semaphore_mem>>
      %dma_wait3A_233 = tpu.memref_squeeze %dma_wait3A_232 : memref<1x!tpu.dma_semaphore, #tpu.memory_space<semaphore_mem>> -> memref<!tpu.dma_semaphore, #tpu.memory_space<semaphore_mem>>
      %dma_wait3A_234 = arith.constant 0 : i32
      %dma_wait3A_235 = arith.constant 0 : i32
      %dma_wait3A_236 = tpu.memref_slice %arg8[%dma_wait3A_234, %dma_wait3A_235] : memref<8x128xi32, #tpu.memory_space<vmem>> -> memref<1x128xi32, #tpu.memory_space<vmem>>
      %dma_wait3A_237 = arith.constant 0 : i32
      %dma_wait3A_238 = arith.constant 0 : i32
      %dma_wait3A_239 = tpu.memref_slice %arg4[%dma_wait3A_237, %dma_wait3A_238] : memref<2560x128xi32, #tpu.memory_space<hbm>> -> memref<1x128xi32, #tpu.memory_space<hbm>>
      tpu.wait_dma2 semaphore(%dma_wait3A_233 : memref<!tpu.dma_semaphore, #tpu.memory_space<semaphore_mem>>) src(%dma_wait3A_239 : memref<1x128xi32, #tpu.memory_space<hbm>>) dst(%dma_wait3A_236 : memref<1x128xi32, #tpu.memory_space<vmem>>)
      %dma_start3A_240 = arith.constant 0 : i32
      %dma_start3A_241 = arith.constant 0 : i32
      %dma_start3A_242 = arith.constant 0 : i32
      %dma_start3A_243 = arith.constant 0 : i32
      %dma_start3A_244 = arith.constant 0 : i32
      %dma_start3A_245 = tpu.memref_slice %arg9[%dma_start3A_240, %dma_start3A_243, %dma_start3A_244] : memref<2x128x128xf32, #tpu.memory_space<vmem>> -> memref<1x128x128xf32, #tpu.memory_space<vmem>>
      %dma_start3A_246 = tpu.memref_squeeze %dma_start3A_245 : memref<1x128x128xf32, #tpu.memory_space<vmem>> -> memref<128x128xf32, #tpu.memory_space<vmem>>
      %dma_start3A_247 = arith.constant 0 : i32
      %dma_start3A_248 = tpu.memref_slice %arg8[%dma_start3A_241, %dma_start3A_247] : memref<8x128xi32, #tpu.memory_space<vmem>> -> memref<1x128xi32, #tpu.memory_space<vmem>>
      %dma_start3A_249 = tpu.memref_squeeze %dma_start3A_248 : memref<1x128xi32, #tpu.memory_space<vmem>> -> memref<128xi32, #tpu.memory_space<vmem>>
      %dma_start3A_250 = arith.constant 0 : i32
      %dma_start3A_251 = arith.constant 0 : i32
      %dma_start3A_252 = tpu.memref_slice %arg10[%dma_start3A_250, %dma_start3A_251] : memref<10240x128xf32, #tpu.memory_space<vmem_shared>> -> memref<10240x128xf32, #tpu.memory_space<vmem_shared>>
      %dma_start3A_253 = tpu.memref_slice %arg13[%dma_start3A_242] : memref<2x!tpu.dma_semaphore, #tpu.memory_space<semaphore_mem>> -> memref<1x!tpu.dma_semaphore, #tpu.memory_space<semaphore_mem>>
      %dma_start3A_254 = tpu.memref_squeeze %dma_start3A_253 : memref<1x!tpu.dma_semaphore, #tpu.memory_space<semaphore_mem>> -> memref<!tpu.dma_semaphore, #tpu.memory_space<semaphore_mem>>
      tpu.enqueue_indirect_dma source(%dma_start3A_246 : memref<128x128xf32, #tpu.memory_space<vmem>>) target(%dma_start3A_252 : memref<10240x128xf32, #tpu.memory_space<vmem_shared>>) offsets(%dma_start3A_249 : memref<128xi32, #tpu.memory_space<vmem>>) semaphore(%dma_start3A_254 : memref<!tpu.dma_semaphore, #tpu.memory_space<semaphore_mem>>) {add = true}
      %mul3A_255 = arith.constant 8 : i32
      %mul3A_256 = arith.muli %scan3A_197, %mul3A_255 : i32
      %add3A_257 = arith.constant 1 : i32
      %add3A_258 = arith.addi %mul3A_256, %add3A_257 : i32
      %dma_wait3A_259 = arith.constant 0 : i32
      %dma_wait3A_260 = arith.constant 1 : i32
      %dma_wait3A_261 = arith.constant 1 : i32
      %dma_wait3A_262 = arith.constant 0 : i32
      %dma_wait3A_263 = arith.constant 0 : i32
      %dma_wait3A_264 = tpu.memref_slice %arg9[%dma_wait3A_260, %dma_wait3A_262, %dma_wait3A_263] : memref<2x128x128xf32, #tpu.memory_space<vmem>> -> memref<1x128x128xf32, #tpu.memory_space<vmem>>
      %dma_wait3A_265 = tpu.memref_squeeze %dma_wait3A_264 : memref<1x128x128xf32, #tpu.memory_space<vmem>> -> memref<128x128xf32, #tpu.memory_space<vmem>>
      %dma_wait3A_266 = arith.constant 0 : i32
      %dma_wait3A_267 = tpu.memref_slice %arg7[%dma_wait3A_259, %dma_wait3A_266] : memref<80x128xi32, #tpu.memory_space<vmem>> -> memref<1x128xi32, #tpu.memory_space<vmem>>
      %dma_wait3A_268 = tpu.memref_squeeze %dma_wait3A_267 : memref<1x128xi32, #tpu.memory_space<vmem>> -> memref<128xi32, #tpu.memory_space<vmem>>
      %dma_wait3A_269 = arith.constant 0 : i32
      %dma_wait3A_270 = arith.constant 0 : i32
      %dma_wait3A_271 = tpu.memref_slice %arg2[%dma_wait3A_269, %dma_wait3A_270] : memref<10000x128xf32, #tpu.memory_space<hbm>> -> memref<10000x128xf32, #tpu.memory_space<hbm>>
      %dma_wait3A_272 = tpu.memref_slice %arg12[%dma_wait3A_261] : memref<2x!tpu.dma_semaphore, #tpu.memory_space<semaphore_mem>> -> memref<1x!tpu.dma_semaphore, #tpu.memory_space<semaphore_mem>>
      %dma_wait3A_273 = tpu.memref_squeeze %dma_wait3A_272 : memref<1x!tpu.dma_semaphore, #tpu.memory_space<semaphore_mem>> -> memref<!tpu.dma_semaphore, #tpu.memory_space<semaphore_mem>>
      tpu.wait_indirect_dma semaphore(%dma_wait3A_273 : memref<!tpu.dma_semaphore, #tpu.memory_space<semaphore_mem>>) src(%dma_wait3A_271 : memref<10000x128xf32, #tpu.memory_space<hbm>>) dst(%dma_wait3A_265 : memref<128x128xf32, #tpu.memory_space<vmem>>)
      %ge3A_274 = arith.constant 1 : i32
      %ge3A_275 = arith.cmpi sge, %add3A_258, %ge3A_274 : i32
      %convert_element_type3A_276 = arith.extui %ge3A_275 : i1 to i32
      %cond3A_277 = arith.constant 0 : i32
      %cond3A_278 = arith.cmpi ne, %convert_element_type3A_276, %cond3A_277 : i32
      scf.if %cond3A_278 {
        %dma_wait3A_682 = arith.constant 0 : i32
        %dma_wait3A_683 = arith.constant 0 : i32
        %dma_wait3A_684 = arith.constant 0 : i32
        %dma_wait3A_685 = arith.constant 0 : i32
        %dma_wait3A_686 = arith.constant 0 : i32
        %dma_wait3A_687 = tpu.memref_slice %arg9[%dma_wait3A_682, %dma_wait3A_685, %dma_wait3A_686] : memref<2x128x128xf32, #tpu.memory_space<vmem>> -> memref<1x128x128xf32, #tpu.memory_space<vmem>>
        %dma_wait3A_688 = tpu.memref_squeeze %dma_wait3A_687 : memref<1x128x128xf32, #tpu.memory_space<vmem>> -> memref<128x128xf32, #tpu.memory_space<vmem>>
        %dma_wait3A_689 = arith.constant 0 : i32
        %dma_wait3A_690 = tpu.memref_slice %arg8[%dma_wait3A_683, %dma_wait3A_689] : memref<8x128xi32, #tpu.memory_space<vmem>> -> memref<1x128xi32, #tpu.memory_space<vmem>>
        %dma_wait3A_691 = tpu.memref_squeeze %dma_wait3A_690 : memref<1x128xi32, #tpu.memory_space<vmem>> -> memref<128xi32, #tpu.memory_space<vmem>>
        %dma_wait3A_692 = arith.constant 0 : i32
        %dma_wait3A_693 = arith.constant 0 : i32
        %dma_wait3A_694 = tpu.memref_slice %arg10[%dma_wait3A_692, %dma_wait3A_693] : memref<10240x128xf32, #tpu.memory_space<vmem_shared>> -> memref<10240x128xf32, #tpu.memory_space<vmem_shared>>
        %dma_wait3A_695 = tpu.memref_slice %arg13[%dma_wait3A_684] : memref<2x!tpu.dma_semaphore, #tpu.memory_space<semaphore_mem>> -> memref<1x!tpu.dma_semaphore, #tpu.memory_space<semaphore_mem>>
        %dma_wait3A_696 = tpu.memref_squeeze %dma_wait3A_695 : memref<1x!tpu.dma_semaphore, #tpu.memory_space<semaphore_mem>> -> memref<!tpu.dma_semaphore, #tpu.memory_space<semaphore_mem>>
        tpu.wait_indirect_dma semaphore(%dma_wait3A_696 : memref<!tpu.dma_semaphore, #tpu.memory_space<semaphore_mem>>) src(%dma_wait3A_688 : memref<128x128xf32, #tpu.memory_space<vmem>>) dst(%dma_wait3A_694 : memref<10240x128xf32, #tpu.memory_space<vmem_shared>>)
        %add3A_697 = arith.constant 8 : i32
        %add3A_698 = arith.addi %add3A_258, %add3A_697 : i32
        %sub3A = arith.constant 1 : i32
        %sub3A_699 = arith.subi %add3A_698, %sub3A : i32
        %lt3A_700 = arith.constant 80 : i32
        %lt3A_701 = arith.cmpi slt, %sub3A_699, %lt3A_700 : i32
        %convert_element_type3A_702 = arith.extui %lt3A_701 : i1 to i32
        %cond3A_703 = arith.constant 0 : i32
        %cond3A_704 = arith.cmpi ne, %convert_element_type3A_702, %cond3A_703 : i32
        scf.if %cond3A_704 {
          %mul3A_705 = arith.constant 80 : i32
          %mul3A_706 = arith.muli %add3A, %mul3A_705 : i32
          %add3A_707 = arith.addi %mul3A_706, %sub3A_699 : i32
          %dma_start3A_708 = arith.constant 0 : i32
          %dma_start3A_709 = arith.constant 0 : i32
          %dma_start3A_710 = arith.constant 0 : i32
          %dma_start3A_711 = tpu.memref_slice %arg8[%dma_start3A_709, %dma_start3A_710] : memref<8x128xi32, #tpu.memory_space<vmem>> -> memref<1x128xi32, #tpu.memory_space<vmem>>
          %dma_start3A_712 = arith.constant 0 : i32
          %dma_start3A_713 = tpu.memref_slice %arg4[%add3A_707, %dma_start3A_712] : memref<2560x128xi32, #tpu.memory_space<hbm>> -> memref<1x128xi32, #tpu.memory_space<hbm>>
          %dma_start3A_714 = tpu.memref_slice %arg11[%dma_start3A_708] : memref<8x!tpu.dma_semaphore, #tpu.memory_space<semaphore_mem>> -> memref<1x!tpu.dma_semaphore, #tpu.memory_space<semaphore_mem>>
          %dma_start3A_715 = tpu.memref_squeeze %dma_start3A_714 : memref<1x!tpu.dma_semaphore, #tpu.memory_space<semaphore_mem>> -> memref<!tpu.dma_semaphore, #tpu.memory_space<semaphore_mem>>
          %dma_start3A_716 = arith.constant 0 : i32
          %dma_start3A_717 = arith.constant 0 : i32
          %dma_start3A_718 = tpu.memref_slice %arg8[%dma_start3A_716, %dma_start3A_717] : memref<8x128xi32, #tpu.memory_space<vmem>> -> memref<1x128xi32, #tpu.memory_space<vmem>>
          %dma_start3A_719 = arith.constant 0 : i32
          %dma_start3A_720 = tpu.memref_slice %arg4[%add3A_707, %dma_start3A_719] : memref<2560x128xi32, #tpu.memory_space<hbm>> -> memref<1x128xi32, #tpu.memory_space<hbm>>
          tpu.enqueue_dma source(%dma_start3A_720 : memref<1x128xi32, #tpu.memory_space<hbm>>) target(%dma_start3A_718 : memref<1x128xi32, #tpu.memory_space<vmem>>) target_semaphore(%dma_start3A_715 : memref<!tpu.dma_semaphore, #tpu.memory_space<semaphore_mem>>)
        } else {
        }
      } else {
      }
      %add3A_279 = arith.constant 1 : i32
      %add3A_280 = arith.addi %add3A_258, %add3A_279 : i32
      %lt3A_281 = arith.constant 80 : i32
      %lt3A_282 = arith.cmpi slt, %add3A_280, %lt3A_281 : i32
      %convert_element_type3A_283 = arith.extui %lt3A_282 : i1 to i32
      %cond3A_284 = arith.constant 0 : i32
      %cond3A_285 = arith.cmpi ne, %convert_element_type3A_283, %cond3A_284 : i32
      scf.if %cond3A_285 {
        %add3A_682 = arith.constant 1 : i32
        %add3A_683 = arith.addi %add3A_258, %add3A_682 : i32
        %dma_start3A_684 = arith.constant 0 : i32
        %dma_start3A_685 = arith.constant 0 : i32
        %dma_start3A_686 = arith.constant 0 : i32
        %dma_start3A_687 = arith.constant 0 : i32
        %dma_start3A_688 = tpu.memref_slice %arg9[%dma_start3A_684, %dma_start3A_686, %dma_start3A_687] : memref<2x128x128xf32, #tpu.memory_space<vmem>> -> memref<1x128x128xf32, #tpu.memory_space<vmem>>
        %dma_start3A_689 = tpu.memref_squeeze %dma_start3A_688 : memref<1x128x128xf32, #tpu.memory_space<vmem>> -> memref<128x128xf32, #tpu.memory_space<vmem>>
        %dma_start3A_690 = arith.constant 0 : i32
        %dma_start3A_691 = tpu.memref_slice %arg7[%add3A_683, %dma_start3A_690] : memref<80x128xi32, #tpu.memory_space<vmem>> -> memref<1x128xi32, #tpu.memory_space<vmem>>
        %dma_start3A_692 = tpu.memref_squeeze %dma_start3A_691 : memref<1x128xi32, #tpu.memory_space<vmem>> -> memref<128xi32, #tpu.memory_space<vmem>>
        %dma_start3A_693 = arith.constant 0 : i32
        %dma_start3A_694 = arith.constant 0 : i32
        %dma_start3A_695 = tpu.memref_slice %arg2[%dma_start3A_693, %dma_start3A_694] : memref<10000x128xf32, #tpu.memory_space<hbm>> -> memref<10000x128xf32, #tpu.memory_space<hbm>>
        %dma_start3A_696 = tpu.memref_slice %arg12[%dma_start3A_685] : memref<2x!tpu.dma_semaphore, #tpu.memory_space<semaphore_mem>> -> memref<1x!tpu.dma_semaphore, #tpu.memory_space<semaphore_mem>>
        %dma_start3A_697 = tpu.memref_squeeze %dma_start3A_696 : memref<1x!tpu.dma_semaphore, #tpu.memory_space<semaphore_mem>> -> memref<!tpu.dma_semaphore, #tpu.memory_space<semaphore_mem>>
        tpu.enqueue_indirect_dma source(%dma_start3A_695 : memref<10000x128xf32, #tpu.memory_space<hbm>>) target(%dma_start3A_689 : memref<128x128xf32, #tpu.memory_space<vmem>>) offsets(%dma_start3A_692 : memref<128xi32, #tpu.memory_space<vmem>>) semaphore(%dma_start3A_697 : memref<!tpu.dma_semaphore, #tpu.memory_space<semaphore_mem>>)
      } else {
      }
      %dma_wait3A_286 = arith.constant 1 : i32
      %dma_wait3A_287 = arith.constant 1 : i32
      %dma_wait3A_288 = arith.constant 0 : i32
      %dma_wait3A_289 = tpu.memref_slice %arg8[%dma_wait3A_287, %dma_wait3A_288] : memref<8x128xi32, #tpu.memory_space<vmem>> -> memref<1x128xi32, #tpu.memory_space<vmem>>
      %dma_wait3A_290 = arith.constant 0 : i32
      %dma_wait3A_291 = arith.constant 0 : i32
      %dma_wait3A_292 = tpu.memref_slice %arg4[%dma_wait3A_290, %dma_wait3A_291] : memref<2560x128xi32, #tpu.memory_space<hbm>> -> memref<1x128xi32, #tpu.memory_space<hbm>>
      %dma_wait3A_293 = tpu.memref_slice %arg11[%dma_wait3A_286] : memref<8x!tpu.dma_semaphore, #tpu.memory_space<semaphore_mem>> -> memref<1x!tpu.dma_semaphore, #tpu.memory_space<semaphore_mem>>
      %dma_wait3A_294 = tpu.memref_squeeze %dma_wait3A_293 : memref<1x!tpu.dma_semaphore, #tpu.memory_space<semaphore_mem>> -> memref<!tpu.dma_semaphore, #tpu.memory_space<semaphore_mem>>
      %dma_wait3A_295 = arith.constant 1 : i32
      %dma_wait3A_296 = arith.constant 0 : i32
      %dma_wait3A_297 = tpu.memref_slice %arg8[%dma_wait3A_295, %dma_wait3A_296] : memref<8x128xi32, #tpu.memory_space<vmem>> -> memref<1x128xi32, #tpu.memory_space<vmem>>
      %dma_wait3A_298 = arith.constant 0 : i32
      %dma_wait3A_299 = arith.constant 0 : i32
      %dma_wait3A_300 = tpu.memref_slice %arg4[%dma_wait3A_298, %dma_wait3A_299] : memref<2560x128xi32, #tpu.memory_space<hbm>> -> memref<1x128xi32, #tpu.memory_space<hbm>>
      tpu.wait_dma2 semaphore(%dma_wait3A_294 : memref<!tpu.dma_semaphore, #tpu.memory_space<semaphore_mem>>) src(%dma_wait3A_300 : memref<1x128xi32, #tpu.memory_space<hbm>>) dst(%dma_wait3A_297 : memref<1x128xi32, #tpu.memory_space<vmem>>)
      %dma_start3A_301 = arith.constant 1 : i32
      %dma_start3A_302 = arith.constant 1 : i32
      %dma_start3A_303 = arith.constant 1 : i32
      %dma_start3A_304 = arith.constant 0 : i32
      %dma_start3A_305 = arith.constant 0 : i32
      %dma_start3A_306 = tpu.memref_slice %arg9[%dma_start3A_301, %dma_start3A_304, %dma_start3A_305] : memref<2x128x128xf32, #tpu.memory_space<vmem>> -> memref<1x128x128xf32, #tpu.memory_space<vmem>>
      %dma_start3A_307 = tpu.memref_squeeze %dma_start3A_306 : memref<1x128x128xf32, #tpu.memory_space<vmem>> -> memref<128x128xf32, #tpu.memory_space<vmem>>
      %dma_start3A_308 = arith.constant 0 : i32
      %dma_start3A_309 = tpu.memref_slice %arg8[%dma_start3A_302, %dma_start3A_308] : memref<8x128xi32, #tpu.memory_space<vmem>> -> memref<1x128xi32, #tpu.memory_space<vmem>>
      %dma_start3A_310 = tpu.memref_squeeze %dma_start3A_309 : memref<1x128xi32, #tpu.memory_space<vmem>> -> memref<128xi32, #tpu.memory_space<vmem>>
      %dma_start3A_311 = arith.constant 0 : i32
      %dma_start3A_312 = arith.constant 0 : i32
      %dma_start3A_313 = tpu.memref_slice %arg10[%dma_start3A_311, %dma_start3A_312] : memref<10240x128xf32, #tpu.memory_space<vmem_shared>> -> memref<10240x128xf32, #tpu.memory_space<vmem_shared>>
      %dma_start3A_314 = tpu.memref_slice %arg13[%dma_start3A_303] : memref<2x!tpu.dma_semaphore, #tpu.memory_space<semaphore_mem>> -> memref<1x!tpu.dma_semaphore, #tpu.memory_space<semaphore_mem>>
      %dma_start3A_315 = tpu.memref_squeeze %dma_start3A_314 : memref<1x!tpu.dma_semaphore, #tpu.memory_space<semaphore_mem>> -> memref<!tpu.dma_semaphore, #tpu.memory_space<semaphore_mem>>
      tpu.enqueue_indirect_dma source(%dma_start3A_307 : memref<128x128xf32, #tpu.memory_space<vmem>>) target(%dma_start3A_313 : memref<10240x128xf32, #tpu.memory_space<vmem_shared>>) offsets(%dma_start3A_310 : memref<128xi32, #tpu.memory_space<vmem>>) semaphore(%dma_start3A_315 : memref<!tpu.dma_semaphore, #tpu.memory_space<semaphore_mem>>) {add = true}
      %mul3A_316 = arith.constant 8 : i32
      %mul3A_317 = arith.muli %scan3A_197, %mul3A_316 : i32
      %add3A_318 = arith.constant 2 : i32
      %add3A_319 = arith.addi %mul3A_317, %add3A_318 : i32
      %dma_wait3A_320 = arith.constant 0 : i32
      %dma_wait3A_321 = arith.constant 0 : i32
      %dma_wait3A_322 = arith.constant 0 : i32
      %dma_wait3A_323 = arith.constant 0 : i32
      %dma_wait3A_324 = arith.constant 0 : i32
      %dma_wait3A_325 = tpu.memref_slice %arg9[%dma_wait3A_321, %dma_wait3A_323, %dma_wait3A_324] : memref<2x128x128xf32, #tpu.memory_space<vmem>> -> memref<1x128x128xf32, #tpu.memory_space<vmem>>
      %dma_wait3A_326 = tpu.memref_squeeze %dma_wait3A_325 : memref<1x128x128xf32, #tpu.memory_space<vmem>> -> memref<128x128xf32, #tpu.memory_space<vmem>>
      %dma_wait3A_327 = arith.constant 0 : i32
      %dma_wait3A_328 = tpu.memref_slice %arg7[%dma_wait3A_320, %dma_wait3A_327] : memref<80x128xi32, #tpu.memory_space<vmem>> -> memref<1x128xi32, #tpu.memory_space<vmem>>
      %dma_wait3A_329 = tpu.memref_squeeze %dma_wait3A_328 : memref<1x128xi32, #tpu.memory_space<vmem>> -> memref<128xi32, #tpu.memory_space<vmem>>
      %dma_wait3A_330 = arith.constant 0 : i32
      %dma_wait3A_331 = arith.constant 0 : i32
      %dma_wait3A_332 = tpu.memref_slice %arg2[%dma_wait3A_330, %dma_wait3A_331] : memref<10000x128xf32, #tpu.memory_space<hbm>> -> memref<10000x128xf32, #tpu.memory_space<hbm>>
      %dma_wait3A_333 = tpu.memref_slice %arg12[%dma_wait3A_322] : memref<2x!tpu.dma_semaphore, #tpu.memory_space<semaphore_mem>> -> memref<1x!tpu.dma_semaphore, #tpu.memory_space<semaphore_mem>>
      %dma_wait3A_334 = tpu.memref_squeeze %dma_wait3A_333 : memref<1x!tpu.dma_semaphore, #tpu.memory_space<semaphore_mem>> -> memref<!tpu.dma_semaphore, #tpu.memory_space<semaphore_mem>>
      tpu.wait_indirect_dma semaphore(%dma_wait3A_334 : memref<!tpu.dma_semaphore, #tpu.memory_space<semaphore_mem>>) src(%dma_wait3A_332 : memref<10000x128xf32, #tpu.memory_space<hbm>>) dst(%dma_wait3A_326 : memref<128x128xf32, #tpu.memory_space<vmem>>)
      %ge3A_335 = arith.constant 1 : i32
      %ge3A_336 = arith.cmpi sge, %add3A_319, %ge3A_335 : i32
      %convert_element_type3A_337 = arith.extui %ge3A_336 : i1 to i32
      %cond3A_338 = arith.constant 0 : i32
      %cond3A_339 = arith.cmpi ne, %convert_element_type3A_337, %cond3A_338 : i32
      scf.if %cond3A_339 {
        %dma_wait3A_682 = arith.constant 1 : i32
        %dma_wait3A_683 = arith.constant 0 : i32
        %dma_wait3A_684 = arith.constant 1 : i32
        %dma_wait3A_685 = arith.constant 0 : i32
        %dma_wait3A_686 = arith.constant 0 : i32
        %dma_wait3A_687 = tpu.memref_slice %arg9[%dma_wait3A_682, %dma_wait3A_685, %dma_wait3A_686] : memref<2x128x128xf32, #tpu.memory_space<vmem>> -> memref<1x128x128xf32, #tpu.memory_space<vmem>>
        %dma_wait3A_688 = tpu.memref_squeeze %dma_wait3A_687 : memref<1x128x128xf32, #tpu.memory_space<vmem>> -> memref<128x128xf32, #tpu.memory_space<vmem>>
        %dma_wait3A_689 = arith.constant 0 : i32
        %dma_wait3A_690 = tpu.memref_slice %arg8[%dma_wait3A_683, %dma_wait3A_689] : memref<8x128xi32, #tpu.memory_space<vmem>> -> memref<1x128xi32, #tpu.memory_space<vmem>>
        %dma_wait3A_691 = tpu.memref_squeeze %dma_wait3A_690 : memref<1x128xi32, #tpu.memory_space<vmem>> -> memref<128xi32, #tpu.memory_space<vmem>>
        %dma_wait3A_692 = arith.constant 0 : i32
        %dma_wait3A_693 = arith.constant 0 : i32
        %dma_wait3A_694 = tpu.memref_slice %arg10[%dma_wait3A_692, %dma_wait3A_693] : memref<10240x128xf32, #tpu.memory_space<vmem_shared>> -> memref<10240x128xf32, #tpu.memory_space<vmem_shared>>
        %dma_wait3A_695 = tpu.memref_slice %arg13[%dma_wait3A_684] : memref<2x!tpu.dma_semaphore, #tpu.memory_space<semaphore_mem>> -> memref<1x!tpu.dma_semaphore, #tpu.memory_space<semaphore_mem>>
        %dma_wait3A_696 = tpu.memref_squeeze %dma_wait3A_695 : memref<1x!tpu.dma_semaphore, #tpu.memory_space<semaphore_mem>> -> memref<!tpu.dma_semaphore, #tpu.memory_space<semaphore_mem>>
        tpu.wait_indirect_dma semaphore(%dma_wait3A_696 : memref<!tpu.dma_semaphore, #tpu.memory_space<semaphore_mem>>) src(%dma_wait3A_688 : memref<128x128xf32, #tpu.memory_space<vmem>>) dst(%dma_wait3A_694 : memref<10240x128xf32, #tpu.memory_space<vmem_shared>>)
        %add3A_697 = arith.constant 8 : i32
        %add3A_698 = arith.addi %add3A_319, %add3A_697 : i32
        %sub3A = arith.constant 1 : i32
        %sub3A_699 = arith.subi %add3A_698, %sub3A : i32
        %lt3A_700 = arith.constant 80 : i32
        %lt3A_701 = arith.cmpi slt, %sub3A_699, %lt3A_700 : i32
        %convert_element_type3A_702 = arith.extui %lt3A_701 : i1 to i32
        %cond3A_703 = arith.constant 0 : i32
        %cond3A_704 = arith.cmpi ne, %convert_element_type3A_702, %cond3A_703 : i32
        scf.if %cond3A_704 {
          %mul3A_705 = arith.constant 80 : i32
          %mul3A_706 = arith.muli %add3A, %mul3A_705 : i32
          %add3A_707 = arith.addi %mul3A_706, %sub3A_699 : i32
          %dma_start3A_708 = arith.constant 1 : i32
          %dma_start3A_709 = arith.constant 1 : i32
          %dma_start3A_710 = arith.constant 0 : i32
          %dma_start3A_711 = tpu.memref_slice %arg8[%dma_start3A_709, %dma_start3A_710] : memref<8x128xi32, #tpu.memory_space<vmem>> -> memref<1x128xi32, #tpu.memory_space<vmem>>
          %dma_start3A_712 = arith.constant 0 : i32
          %dma_start3A_713 = tpu.memref_slice %arg4[%add3A_707, %dma_start3A_712] : memref<2560x128xi32, #tpu.memory_space<hbm>> -> memref<1x128xi32, #tpu.memory_space<hbm>>
          %dma_start3A_714 = tpu.memref_slice %arg11[%dma_start3A_708] : memref<8x!tpu.dma_semaphore, #tpu.memory_space<semaphore_mem>> -> memref<1x!tpu.dma_semaphore, #tpu.memory_space<semaphore_mem>>
          %dma_start3A_715 = tpu.memref_squeeze %dma_start3A_714 : memref<1x!tpu.dma_semaphore, #tpu.memory_space<semaphore_mem>> -> memref<!tpu.dma_semaphore, #tpu.memory_space<semaphore_mem>>
          %dma_start3A_716 = arith.constant 1 : i32
          %dma_start3A_717 = arith.constant 0 : i32
          %dma_start3A_718 = tpu.memref_slice %arg8[%dma_start3A_716, %dma_start3A_717] : memref<8x128xi32, #tpu.memory_space<vmem>> -> memref<1x128xi32, #tpu.memory_space<vmem>>
          %dma_start3A_719 = arith.constant 0 : i32
          %dma_start3A_720 = tpu.memref_slice %arg4[%add3A_707, %dma_start3A_719] : memref<2560x128xi32, #tpu.memory_space<hbm>> -> memref<1x128xi32, #tpu.memory_space<hbm>>
          tpu.enqueue_dma source(%dma_start3A_720 : memref<1x128xi32, #tpu.memory_space<hbm>>) target(%dma_start3A_718 : memref<1x128xi32, #tpu.memory_space<vmem>>) target_semaphore(%dma_start3A_715 : memref<!tpu.dma_semaphore, #tpu.memory_space<semaphore_mem>>)
        } else {
        }
      } else {
      }
      %add3A_340 = arith.constant 1 : i32
      %add3A_341 = arith.addi %add3A_319, %add3A_340 : i32
      %lt3A_342 = arith.constant 80 : i32
      %lt3A_343 = arith.cmpi slt, %add3A_341, %lt3A_342 : i32
      %convert_element_type3A_344 = arith.extui %lt3A_343 : i1 to i32
      %cond3A_345 = arith.constant 0 : i32
      %cond3A_346 = arith.cmpi ne, %convert_element_type3A_344, %cond3A_345 : i32
      scf.if %cond3A_346 {
        %add3A_682 = arith.constant 1 : i32
        %add3A_683 = arith.addi %add3A_319, %add3A_682 : i32
        %dma_start3A_684 = arith.constant 1 : i32
        %dma_start3A_685 = arith.constant 1 : i32
        %dma_start3A_686 = arith.constant 0 : i32
        %dma_start3A_687 = arith.constant 0 : i32
        %dma_start3A_688 = tpu.memref_slice %arg9[%dma_start3A_684, %dma_start3A_686, %dma_start3A_687] : memref<2x128x128xf32, #tpu.memory_space<vmem>> -> memref<1x128x128xf32, #tpu.memory_space<vmem>>
        %dma_start3A_689 = tpu.memref_squeeze %dma_start3A_688 : memref<1x128x128xf32, #tpu.memory_space<vmem>> -> memref<128x128xf32, #tpu.memory_space<vmem>>
        %dma_start3A_690 = arith.constant 0 : i32
        %dma_start3A_691 = tpu.memref_slice %arg7[%add3A_683, %dma_start3A_690] : memref<80x128xi32, #tpu.memory_space<vmem>> -> memref<1x128xi32, #tpu.memory_space<vmem>>
        %dma_start3A_692 = tpu.memref_squeeze %dma_start3A_691 : memref<1x128xi32, #tpu.memory_space<vmem>> -> memref<128xi32, #tpu.memory_space<vmem>>
        %dma_start3A_693 = arith.constant 0 : i32
        %dma_start3A_694 = arith.constant 0 : i32
        %dma_start3A_695 = tpu.memref_slice %arg2[%dma_start3A_693, %dma_start3A_694] : memref<10000x128xf32, #tpu.memory_space<hbm>> -> memref<10000x128xf32, #tpu.memory_space<hbm>>
        %dma_start3A_696 = tpu.memref_slice %arg12[%dma_start3A_685] : memref<2x!tpu.dma_semaphore, #tpu.memory_space<semaphore_mem>> -> memref<1x!tpu.dma_semaphore, #tpu.memory_space<semaphore_mem>>
        %dma_start3A_697 = tpu.memref_squeeze %dma_start3A_696 : memref<1x!tpu.dma_semaphore, #tpu.memory_space<semaphore_mem>> -> memref<!tpu.dma_semaphore, #tpu.memory_space<semaphore_mem>>
        tpu.enqueue_indirect_dma source(%dma_start3A_695 : memref<10000x128xf32, #tpu.memory_space<hbm>>) target(%dma_start3A_689 : memref<128x128xf32, #tpu.memory_space<vmem>>) offsets(%dma_start3A_692 : memref<128xi32, #tpu.memory_space<vmem>>) semaphore(%dma_start3A_697 : memref<!tpu.dma_semaphore, #tpu.memory_space<semaphore_mem>>)
      } else {
      }
      %dma_wait3A_347 = arith.constant 2 : i32
      %dma_wait3A_348 = arith.constant 2 : i32
      %dma_wait3A_349 = arith.constant 0 : i32
      %dma_wait3A_350 = tpu.memref_slice %arg8[%dma_wait3A_348, %dma_wait3A_349] : memref<8x128xi32, #tpu.memory_space<vmem>> -> memref<1x128xi32, #tpu.memory_space<vmem>>
      %dma_wait3A_351 = arith.constant 0 : i32
      %dma_wait3A_352 = arith.constant 0 : i32
      %dma_wait3A_353 = tpu.memref_slice %arg4[%dma_wait3A_351, %dma_wait3A_352] : memref<2560x128xi32, #tpu.memory_space<hbm>> -> memref<1x128xi32, #tpu.memory_space<hbm>>
      %dma_wait3A_354 = tpu.memref_slice %arg11[%dma_wait3A_347] : memref<8x!tpu.dma_semaphore, #tpu.memory_space<semaphore_mem>> -> memref<1x!tpu.dma_semaphore, #tpu.memory_space<semaphore_mem>>
      %dma_wait3A_355 = tpu.memref_squeeze %dma_wait3A_354 : memref<1x!tpu.dma_semaphore, #tpu.memory_space<semaphore_mem>> -> memref<!tpu.dma_semaphore, #tpu.memory_space<semaphore_mem>>
      %dma_wait3A_356 = arith.constant 2 : i32
      %dma_wait3A_357 = arith.constant 0 : i32
      %dma_wait3A_358 = tpu.memref_slice %arg8[%dma_wait3A_356, %dma_wait3A_357] : memref<8x128xi32, #tpu.memory_space<vmem>> -> memref<1x128xi32, #tpu.memory_space<vmem>>
      %dma_wait3A_359 = arith.constant 0 : i32
      %dma_wait3A_360 = arith.constant 0 : i32
      %dma_wait3A_361 = tpu.memref_slice %arg4[%dma_wait3A_359, %dma_wait3A_360] : memref<2560x128xi32, #tpu.memory_space<hbm>> -> memref<1x128xi32, #tpu.memory_space<hbm>>
      tpu.wait_dma2 semaphore(%dma_wait3A_355 : memref<!tpu.dma_semaphore, #tpu.memory_space<semaphore_mem>>) src(%dma_wait3A_361 : memref<1x128xi32, #tpu.memory_space<hbm>>) dst(%dma_wait3A_358 : memref<1x128xi32, #tpu.memory_space<vmem>>)
      %dma_start3A_362 = arith.constant 0 : i32
      %dma_start3A_363 = arith.constant 2 : i32
      %dma_start3A_364 = arith.constant 0 : i32
      %dma_start3A_365 = arith.constant 0 : i32
      %dma_start3A_366 = arith.constant 0 : i32
      %dma_start3A_367 = tpu.memref_slice %arg9[%dma_start3A_362, %dma_start3A_365, %dma_start3A_366] : memref<2x128x128xf32, #tpu.memory_space<vmem>> -> memref<1x128x128xf32, #tpu.memory_space<vmem>>
      %dma_start3A_368 = tpu.memref_squeeze %dma_start3A_367 : memref<1x128x128xf32, #tpu.memory_space<vmem>> -> memref<128x128xf32, #tpu.memory_space<vmem>>
      %dma_start3A_369 = arith.constant 0 : i32
      %dma_start3A_370 = tpu.memref_slice %arg8[%dma_start3A_363, %dma_start3A_369] : memref<8x128xi32, #tpu.memory_space<vmem>> -> memref<1x128xi32, #tpu.memory_space<vmem>>
      %dma_start3A_371 = tpu.memref_squeeze %dma_start3A_370 : memref<1x128xi32, #tpu.memory_space<vmem>> -> memref<128xi32, #tpu.memory_space<vmem>>
      %dma_start3A_372 = arith.constant 0 : i32
      %dma_start3A_373 = arith.constant 0 : i32
      %dma_start3A_374 = tpu.memref_slice %arg10[%dma_start3A_372, %dma_start3A_373] : memref<10240x128xf32, #tpu.memory_space<vmem_shared>> -> memref<10240x128xf32, #tpu.memory_space<vmem_shared>>
      %dma_start3A_375 = tpu.memref_slice %arg13[%dma_start3A_364] : memref<2x!tpu.dma_semaphore, #tpu.memory_space<semaphore_mem>> -> memref<1x!tpu.dma_semaphore, #tpu.memory_space<semaphore_mem>>
      %dma_start3A_376 = tpu.memref_squeeze %dma_start3A_375 : memref<1x!tpu.dma_semaphore, #tpu.memory_space<semaphore_mem>> -> memref<!tpu.dma_semaphore, #tpu.memory_space<semaphore_mem>>
      tpu.enqueue_indirect_dma source(%dma_start3A_368 : memref<128x128xf32, #tpu.memory_space<vmem>>) target(%dma_start3A_374 : memref<10240x128xf32, #tpu.memory_space<vmem_shared>>) offsets(%dma_start3A_371 : memref<128xi32, #tpu.memory_space<vmem>>) semaphore(%dma_start3A_376 : memref<!tpu.dma_semaphore, #tpu.memory_space<semaphore_mem>>) {add = true}
      %mul3A_377 = arith.constant 8 : i32
      %mul3A_378 = arith.muli %scan3A_197, %mul3A_377 : i32
      %add3A_379 = arith.constant 3 : i32
      %add3A_380 = arith.addi %mul3A_378, %add3A_379 : i32
      %dma_wait3A_381 = arith.constant 0 : i32
      %dma_wait3A_382 = arith.constant 1 : i32
      %dma_wait3A_383 = arith.constant 1 : i32
      %dma_wait3A_384 = arith.constant 0 : i32
      %dma_wait3A_385 = arith.constant 0 : i32
      %dma_wait3A_386 = tpu.memref_slice %arg9[%dma_wait3A_382, %dma_wait3A_384, %dma_wait3A_385] : memref<2x128x128xf32, #tpu.memory_space<vmem>> -> memref<1x128x128xf32, #tpu.memory_space<vmem>>
      %dma_wait3A_387 = tpu.memref_squeeze %dma_wait3A_386 : memref<1x128x128xf32, #tpu.memory_space<vmem>> -> memref<128x128xf32, #tpu.memory_space<vmem>>
      %dma_wait3A_388 = arith.constant 0 : i32
      %dma_wait3A_389 = tpu.memref_slice %arg7[%dma_wait3A_381, %dma_wait3A_388] : memref<80x128xi32, #tpu.memory_space<vmem>> -> memref<1x128xi32, #tpu.memory_space<vmem>>
      %dma_wait3A_390 = tpu.memref_squeeze %dma_wait3A_389 : memref<1x128xi32, #tpu.memory_space<vmem>> -> memref<128xi32, #tpu.memory_space<vmem>>
      %dma_wait3A_391 = arith.constant 0 : i32
      %dma_wait3A_392 = arith.constant 0 : i32
      %dma_wait3A_393 = tpu.memref_slice %arg2[%dma_wait3A_391, %dma_wait3A_392] : memref<10000x128xf32, #tpu.memory_space<hbm>> -> memref<10000x128xf32, #tpu.memory_space<hbm>>
      %dma_wait3A_394 = tpu.memref_slice %arg12[%dma_wait3A_383] : memref<2x!tpu.dma_semaphore, #tpu.memory_space<semaphore_mem>> -> memref<1x!tpu.dma_semaphore, #tpu.memory_space<semaphore_mem>>
      %dma_wait3A_395 = tpu.memref_squeeze %dma_wait3A_394 : memref<1x!tpu.dma_semaphore, #tpu.memory_space<semaphore_mem>> -> memref<!tpu.dma_semaphore, #tpu.memory_space<semaphore_mem>>
      tpu.wait_indirect_dma semaphore(%dma_wait3A_395 : memref<!tpu.dma_semaphore, #tpu.memory_space<semaphore_mem>>) src(%dma_wait3A_393 : memref<10000x128xf32, #tpu.memory_space<hbm>>) dst(%dma_wait3A_387 : memref<128x128xf32, #tpu.memory_space<vmem>>)
      %ge3A_396 = arith.constant 1 : i32
      %ge3A_397 = arith.cmpi sge, %add3A_380, %ge3A_396 : i32
      %convert_element_type3A_398 = arith.extui %ge3A_397 : i1 to i32
      %cond3A_399 = arith.constant 0 : i32
      %cond3A_400 = arith.cmpi ne, %convert_element_type3A_398, %cond3A_399 : i32
      scf.if %cond3A_400 {
        %dma_wait3A_682 = arith.constant 0 : i32
        %dma_wait3A_683 = arith.constant 0 : i32
        %dma_wait3A_684 = arith.constant 0 : i32
        %dma_wait3A_685 = arith.constant 0 : i32
        %dma_wait3A_686 = arith.constant 0 : i32
        %dma_wait3A_687 = tpu.memref_slice %arg9[%dma_wait3A_682, %dma_wait3A_685, %dma_wait3A_686] : memref<2x128x128xf32, #tpu.memory_space<vmem>> -> memref<1x128x128xf32, #tpu.memory_space<vmem>>
        %dma_wait3A_688 = tpu.memref_squeeze %dma_wait3A_687 : memref<1x128x128xf32, #tpu.memory_space<vmem>> -> memref<128x128xf32, #tpu.memory_space<vmem>>
        %dma_wait3A_689 = arith.constant 0 : i32
        %dma_wait3A_690 = tpu.memref_slice %arg8[%dma_wait3A_683, %dma_wait3A_689] : memref<8x128xi32, #tpu.memory_space<vmem>> -> memref<1x128xi32, #tpu.memory_space<vmem>>
        %dma_wait3A_691 = tpu.memref_squeeze %dma_wait3A_690 : memref<1x128xi32, #tpu.memory_space<vmem>> -> memref<128xi32, #tpu.memory_space<vmem>>
        %dma_wait3A_692 = arith.constant 0 : i32
        %dma_wait3A_693 = arith.constant 0 : i32
        %dma_wait3A_694 = tpu.memref_slice %arg10[%dma_wait3A_692, %dma_wait3A_693] : memref<10240x128xf32, #tpu.memory_space<vmem_shared>> -> memref<10240x128xf32, #tpu.memory_space<vmem_shared>>
        %dma_wait3A_695 = tpu.memref_slice %arg13[%dma_wait3A_684] : memref<2x!tpu.dma_semaphore, #tpu.memory_space<semaphore_mem>> -> memref<1x!tpu.dma_semaphore, #tpu.memory_space<semaphore_mem>>
        %dma_wait3A_696 = tpu.memref_squeeze %dma_wait3A_695 : memref<1x!tpu.dma_semaphore, #tpu.memory_space<semaphore_mem>> -> memref<!tpu.dma_semaphore, #tpu.memory_space<semaphore_mem>>
        tpu.wait_indirect_dma semaphore(%dma_wait3A_696 : memref<!tpu.dma_semaphore, #tpu.memory_space<semaphore_mem>>) src(%dma_wait3A_688 : memref<128x128xf32, #tpu.memory_space<vmem>>) dst(%dma_wait3A_694 : memref<10240x128xf32, #tpu.memory_space<vmem_shared>>)
        %add3A_697 = arith.constant 8 : i32
        %add3A_698 = arith.addi %add3A_380, %add3A_697 : i32
        %sub3A = arith.constant 1 : i32
        %sub3A_699 = arith.subi %add3A_698, %sub3A : i32
        %lt3A_700 = arith.constant 80 : i32
        %lt3A_701 = arith.cmpi slt, %sub3A_699, %lt3A_700 : i32
        %convert_element_type3A_702 = arith.extui %lt3A_701 : i1 to i32
        %cond3A_703 = arith.constant 0 : i32
        %cond3A_704 = arith.cmpi ne, %convert_element_type3A_702, %cond3A_703 : i32
        scf.if %cond3A_704 {
          %mul3A_705 = arith.constant 80 : i32
          %mul3A_706 = arith.muli %add3A, %mul3A_705 : i32
          %add3A_707 = arith.addi %mul3A_706, %sub3A_699 : i32
          %dma_start3A_708 = arith.constant 2 : i32
          %dma_start3A_709 = arith.constant 2 : i32
          %dma_start3A_710 = arith.constant 0 : i32
          %dma_start3A_711 = tpu.memref_slice %arg8[%dma_start3A_709, %dma_start3A_710] : memref<8x128xi32, #tpu.memory_space<vmem>> -> memref<1x128xi32, #tpu.memory_space<vmem>>
          %dma_start3A_712 = arith.constant 0 : i32
          %dma_start3A_713 = tpu.memref_slice %arg4[%add3A_707, %dma_start3A_712] : memref<2560x128xi32, #tpu.memory_space<hbm>> -> memref<1x128xi32, #tpu.memory_space<hbm>>
          %dma_start3A_714 = tpu.memref_slice %arg11[%dma_start3A_708] : memref<8x!tpu.dma_semaphore, #tpu.memory_space<semaphore_mem>> -> memref<1x!tpu.dma_semaphore, #tpu.memory_space<semaphore_mem>>
          %dma_start3A_715 = tpu.memref_squeeze %dma_start3A_714 : memref<1x!tpu.dma_semaphore, #tpu.memory_space<semaphore_mem>> -> memref<!tpu.dma_semaphore, #tpu.memory_space<semaphore_mem>>
          %dma_start3A_716 = arith.constant 2 : i32
          %dma_start3A_717 = arith.constant 0 : i32
          %dma_start3A_718 = tpu.memref_slice %arg8[%dma_start3A_716, %dma_start3A_717] : memref<8x128xi32, #tpu.memory_space<vmem>> -> memref<1x128xi32, #tpu.memory_space<vmem>>
          %dma_start3A_719 = arith.constant 0 : i32
          %dma_start3A_720 = tpu.memref_slice %arg4[%add3A_707, %dma_start3A_719] : memref<2560x128xi32, #tpu.memory_space<hbm>> -> memref<1x128xi32, #tpu.memory_space<hbm>>
          tpu.enqueue_dma source(%dma_start3A_720 : memref<1x128xi32, #tpu.memory_space<hbm>>) target(%dma_start3A_718 : memref<1x128xi32, #tpu.memory_space<vmem>>) target_semaphore(%dma_start3A_715 : memref<!tpu.dma_semaphore, #tpu.memory_space<semaphore_mem>>)
        } else {
        }
      } else {
      }
      %add3A_401 = arith.constant 1 : i32
      %add3A_402 = arith.addi %add3A_380, %add3A_401 : i32
      %lt3A_403 = arith.constant 80 : i32
      %lt3A_404 = arith.cmpi slt, %add3A_402, %lt3A_403 : i32
      %convert_element_type3A_405 = arith.extui %lt3A_404 : i1 to i32
      %cond3A_406 = arith.constant 0 : i32
      %cond3A_407 = arith.cmpi ne, %convert_element_type3A_405, %cond3A_406 : i32
      scf.if %cond3A_407 {
        %add3A_682 = arith.constant 1 : i32
        %add3A_683 = arith.addi %add3A_380, %add3A_682 : i32
        %dma_start3A_684 = arith.constant 0 : i32
        %dma_start3A_685 = arith.constant 0 : i32
        %dma_start3A_686 = arith.constant 0 : i32
        %dma_start3A_687 = arith.constant 0 : i32
        %dma_start3A_688 = tpu.memref_slice %arg9[%dma_start3A_684, %dma_start3A_686, %dma_start3A_687] : memref<2x128x128xf32, #tpu.memory_space<vmem>> -> memref<1x128x128xf32, #tpu.memory_space<vmem>>
        %dma_start3A_689 = tpu.memref_squeeze %dma_start3A_688 : memref<1x128x128xf32, #tpu.memory_space<vmem>> -> memref<128x128xf32, #tpu.memory_space<vmem>>
        %dma_start3A_690 = arith.constant 0 : i32
        %dma_start3A_691 = tpu.memref_slice %arg7[%add3A_683, %dma_start3A_690] : memref<80x128xi32, #tpu.memory_space<vmem>> -> memref<1x128xi32, #tpu.memory_space<vmem>>
        %dma_start3A_692 = tpu.memref_squeeze %dma_start3A_691 : memref<1x128xi32, #tpu.memory_space<vmem>> -> memref<128xi32, #tpu.memory_space<vmem>>
        %dma_start3A_693 = arith.constant 0 : i32
        %dma_start3A_694 = arith.constant 0 : i32
        %dma_start3A_695 = tpu.memref_slice %arg2[%dma_start3A_693, %dma_start3A_694] : memref<10000x128xf32, #tpu.memory_space<hbm>> -> memref<10000x128xf32, #tpu.memory_space<hbm>>
        %dma_start3A_696 = tpu.memref_slice %arg12[%dma_start3A_685] : memref<2x!tpu.dma_semaphore, #tpu.memory_space<semaphore_mem>> -> memref<1x!tpu.dma_semaphore, #tpu.memory_space<semaphore_mem>>
        %dma_start3A_697 = tpu.memref_squeeze %dma_start3A_696 : memref<1x!tpu.dma_semaphore, #tpu.memory_space<semaphore_mem>> -> memref<!tpu.dma_semaphore, #tpu.memory_space<semaphore_mem>>
        tpu.enqueue_indirect_dma source(%dma_start3A_695 : memref<10000x128xf32, #tpu.memory_space<hbm>>) target(%dma_start3A_689 : memref<128x128xf32, #tpu.memory_space<vmem>>) offsets(%dma_start3A_692 : memref<128xi32, #tpu.memory_space<vmem>>) semaphore(%dma_start3A_697 : memref<!tpu.dma_semaphore, #tpu.memory_space<semaphore_mem>>)
      } else {
      }
      %dma_wait3A_408 = arith.constant 3 : i32
      %dma_wait3A_409 = arith.constant 3 : i32
      %dma_wait3A_410 = arith.constant 0 : i32
      %dma_wait3A_411 = tpu.memref_slice %arg8[%dma_wait3A_409, %dma_wait3A_410] : memref<8x128xi32, #tpu.memory_space<vmem>> -> memref<1x128xi32, #tpu.memory_space<vmem>>
      %dma_wait3A_412 = arith.constant 0 : i32
      %dma_wait3A_413 = arith.constant 0 : i32
      %dma_wait3A_414 = tpu.memref_slice %arg4[%dma_wait3A_412, %dma_wait3A_413] : memref<2560x128xi32, #tpu.memory_space<hbm>> -> memref<1x128xi32, #tpu.memory_space<hbm>>
      %dma_wait3A_415 = tpu.memref_slice %arg11[%dma_wait3A_408] : memref<8x!tpu.dma_semaphore, #tpu.memory_space<semaphore_mem>> -> memref<1x!tpu.dma_semaphore, #tpu.memory_space<semaphore_mem>>
      %dma_wait3A_416 = tpu.memref_squeeze %dma_wait3A_415 : memref<1x!tpu.dma_semaphore, #tpu.memory_space<semaphore_mem>> -> memref<!tpu.dma_semaphore, #tpu.memory_space<semaphore_mem>>
      %dma_wait3A_417 = arith.constant 3 : i32
      %dma_wait3A_418 = arith.constant 0 : i32
      %dma_wait3A_419 = tpu.memref_slice %arg8[%dma_wait3A_417, %dma_wait3A_418] : memref<8x128xi32, #tpu.memory_space<vmem>> -> memref<1x128xi32, #tpu.memory_space<vmem>>
      %dma_wait3A_420 = arith.constant 0 : i32
      %dma_wait3A_421 = arith.constant 0 : i32
      %dma_wait3A_422 = tpu.memref_slice %arg4[%dma_wait3A_420, %dma_wait3A_421] : memref<2560x128xi32, #tpu.memory_space<hbm>> -> memref<1x128xi32, #tpu.memory_space<hbm>>
      tpu.wait_dma2 semaphore(%dma_wait3A_416 : memref<!tpu.dma_semaphore, #tpu.memory_space<semaphore_mem>>) src(%dma_wait3A_422 : memref<1x128xi32, #tpu.memory_space<hbm>>) dst(%dma_wait3A_419 : memref<1x128xi32, #tpu.memory_space<vmem>>)
      %dma_start3A_423 = arith.constant 1 : i32
      %dma_start3A_424 = arith.constant 3 : i32
      %dma_start3A_425 = arith.constant 1 : i32
      %dma_start3A_426 = arith.constant 0 : i32
      %dma_start3A_427 = arith.constant 0 : i32
      %dma_start3A_428 = tpu.memref_slice %arg9[%dma_start3A_423, %dma_start3A_426, %dma_start3A_427] : memref<2x128x128xf32, #tpu.memory_space<vmem>> -> memref<1x128x128xf32, #tpu.memory_space<vmem>>
      %dma_start3A_429 = tpu.memref_squeeze %dma_start3A_428 : memref<1x128x128xf32, #tpu.memory_space<vmem>> -> memref<128x128xf32, #tpu.memory_space<vmem>>
      %dma_start3A_430 = arith.constant 0 : i32
      %dma_start3A_431 = tpu.memref_slice %arg8[%dma_start3A_424, %dma_start3A_430] : memref<8x128xi32, #tpu.memory_space<vmem>> -> memref<1x128xi32, #tpu.memory_space<vmem>>
      %dma_start3A_432 = tpu.memref_squeeze %dma_start3A_431 : memref<1x128xi32, #tpu.memory_space<vmem>> -> memref<128xi32, #tpu.memory_space<vmem>>
      %dma_start3A_433 = arith.constant 0 : i32
      %dma_start3A_434 = arith.constant 0 : i32
      %dma_start3A_435 = tpu.memref_slice %arg10[%dma_start3A_433, %dma_start3A_434] : memref<10240x128xf32, #tpu.memory_space<vmem_shared>> -> memref<10240x128xf32, #tpu.memory_space<vmem_shared>>
      %dma_start3A_436 = tpu.memref_slice %arg13[%dma_start3A_425] : memref<2x!tpu.dma_semaphore, #tpu.memory_space<semaphore_mem>> -> memref<1x!tpu.dma_semaphore, #tpu.memory_space<semaphore_mem>>
      %dma_start3A_437 = tpu.memref_squeeze %dma_start3A_436 : memref<1x!tpu.dma_semaphore, #tpu.memory_space<semaphore_mem>> -> memref<!tpu.dma_semaphore, #tpu.memory_space<semaphore_mem>>
      tpu.enqueue_indirect_dma source(%dma_start3A_429 : memref<128x128xf32, #tpu.memory_space<vmem>>) target(%dma_start3A_435 : memref<10240x128xf32, #tpu.memory_space<vmem_shared>>) offsets(%dma_start3A_432 : memref<128xi32, #tpu.memory_space<vmem>>) semaphore(%dma_start3A_437 : memref<!tpu.dma_semaphore, #tpu.memory_space<semaphore_mem>>) {add = true}
      %mul3A_438 = arith.constant 8 : i32
      %mul3A_439 = arith.muli %scan3A_197, %mul3A_438 : i32
      %add3A_440 = arith.constant 4 : i32
      %add3A_441 = arith.addi %mul3A_439, %add3A_440 : i32
      %dma_wait3A_442 = arith.constant 0 : i32
      %dma_wait3A_443 = arith.constant 0 : i32
      %dma_wait3A_444 = arith.constant 0 : i32
      %dma_wait3A_445 = arith.constant 0 : i32
      %dma_wait3A_446 = arith.constant 0 : i32
      %dma_wait3A_447 = tpu.memref_slice %arg9[%dma_wait3A_443, %dma_wait3A_445, %dma_wait3A_446] : memref<2x128x128xf32, #tpu.memory_space<vmem>> -> memref<1x128x128xf32, #tpu.memory_space<vmem>>
      %dma_wait3A_448 = tpu.memref_squeeze %dma_wait3A_447 : memref<1x128x128xf32, #tpu.memory_space<vmem>> -> memref<128x128xf32, #tpu.memory_space<vmem>>
      %dma_wait3A_449 = arith.constant 0 : i32
      %dma_wait3A_450 = tpu.memref_slice %arg7[%dma_wait3A_442, %dma_wait3A_449] : memref<80x128xi32, #tpu.memory_space<vmem>> -> memref<1x128xi32, #tpu.memory_space<vmem>>
      %dma_wait3A_451 = tpu.memref_squeeze %dma_wait3A_450 : memref<1x128xi32, #tpu.memory_space<vmem>> -> memref<128xi32, #tpu.memory_space<vmem>>
      %dma_wait3A_452 = arith.constant 0 : i32
      %dma_wait3A_453 = arith.constant 0 : i32
      %dma_wait3A_454 = tpu.memref_slice %arg2[%dma_wait3A_452, %dma_wait3A_453] : memref<10000x128xf32, #tpu.memory_space<hbm>> -> memref<10000x128xf32, #tpu.memory_space<hbm>>
      %dma_wait3A_455 = tpu.memref_slice %arg12[%dma_wait3A_444] : memref<2x!tpu.dma_semaphore, #tpu.memory_space<semaphore_mem>> -> memref<1x!tpu.dma_semaphore, #tpu.memory_space<semaphore_mem>>
      %dma_wait3A_456 = tpu.memref_squeeze %dma_wait3A_455 : memref<1x!tpu.dma_semaphore, #tpu.memory_space<semaphore_mem>> -> memref<!tpu.dma_semaphore, #tpu.memory_space<semaphore_mem>>
      tpu.wait_indirect_dma semaphore(%dma_wait3A_456 : memref<!tpu.dma_semaphore, #tpu.memory_space<semaphore_mem>>) src(%dma_wait3A_454 : memref<10000x128xf32, #tpu.memory_space<hbm>>) dst(%dma_wait3A_448 : memref<128x128xf32, #tpu.memory_space<vmem>>)
      %ge3A_457 = arith.constant 1 : i32
      %ge3A_458 = arith.cmpi sge, %add3A_441, %ge3A_457 : i32
      %convert_element_type3A_459 = arith.extui %ge3A_458 : i1 to i32
      %cond3A_460 = arith.constant 0 : i32
      %cond3A_461 = arith.cmpi ne, %convert_element_type3A_459, %cond3A_460 : i32
      scf.if %cond3A_461 {
        %dma_wait3A_682 = arith.constant 1 : i32
        %dma_wait3A_683 = arith.constant 0 : i32
        %dma_wait3A_684 = arith.constant 1 : i32
        %dma_wait3A_685 = arith.constant 0 : i32
        %dma_wait3A_686 = arith.constant 0 : i32
        %dma_wait3A_687 = tpu.memref_slice %arg9[%dma_wait3A_682, %dma_wait3A_685, %dma_wait3A_686] : memref<2x128x128xf32, #tpu.memory_space<vmem>> -> memref<1x128x128xf32, #tpu.memory_space<vmem>>
        %dma_wait3A_688 = tpu.memref_squeeze %dma_wait3A_687 : memref<1x128x128xf32, #tpu.memory_space<vmem>> -> memref<128x128xf32, #tpu.memory_space<vmem>>
        %dma_wait3A_689 = arith.constant 0 : i32
        %dma_wait3A_690 = tpu.memref_slice %arg8[%dma_wait3A_683, %dma_wait3A_689] : memref<8x128xi32, #tpu.memory_space<vmem>> -> memref<1x128xi32, #tpu.memory_space<vmem>>
        %dma_wait3A_691 = tpu.memref_squeeze %dma_wait3A_690 : memref<1x128xi32, #tpu.memory_space<vmem>> -> memref<128xi32, #tpu.memory_space<vmem>>
        %dma_wait3A_692 = arith.constant 0 : i32
        %dma_wait3A_693 = arith.constant 0 : i32
        %dma_wait3A_694 = tpu.memref_slice %arg10[%dma_wait3A_692, %dma_wait3A_693] : memref<10240x128xf32, #tpu.memory_space<vmem_shared>> -> memref<10240x128xf32, #tpu.memory_space<vmem_shared>>
        %dma_wait3A_695 = tpu.memref_slice %arg13[%dma_wait3A_684] : memref<2x!tpu.dma_semaphore, #tpu.memory_space<semaphore_mem>> -> memref<1x!tpu.dma_semaphore, #tpu.memory_space<semaphore_mem>>
        %dma_wait3A_696 = tpu.memref_squeeze %dma_wait3A_695 : memref<1x!tpu.dma_semaphore, #tpu.memory_space<semaphore_mem>> -> memref<!tpu.dma_semaphore, #tpu.memory_space<semaphore_mem>>
        tpu.wait_indirect_dma semaphore(%dma_wait3A_696 : memref<!tpu.dma_semaphore, #tpu.memory_space<semaphore_mem>>) src(%dma_wait3A_688 : memref<128x128xf32, #tpu.memory_space<vmem>>) dst(%dma_wait3A_694 : memref<10240x128xf32, #tpu.memory_space<vmem_shared>>)
        %add3A_697 = arith.constant 8 : i32
        %add3A_698 = arith.addi %add3A_441, %add3A_697 : i32
        %sub3A = arith.constant 1 : i32
        %sub3A_699 = arith.subi %add3A_698, %sub3A : i32
        %lt3A_700 = arith.constant 80 : i32
        %lt3A_701 = arith.cmpi slt, %sub3A_699, %lt3A_700 : i32
        %convert_element_type3A_702 = arith.extui %lt3A_701 : i1 to i32
        %cond3A_703 = arith.constant 0 : i32
        %cond3A_704 = arith.cmpi ne, %convert_element_type3A_702, %cond3A_703 : i32
        scf.if %cond3A_704 {
          %mul3A_705 = arith.constant 80 : i32
          %mul3A_706 = arith.muli %add3A, %mul3A_705 : i32
          %add3A_707 = arith.addi %mul3A_706, %sub3A_699 : i32
          %dma_start3A_708 = arith.constant 3 : i32
          %dma_start3A_709 = arith.constant 3 : i32
          %dma_start3A_710 = arith.constant 0 : i32
          %dma_start3A_711 = tpu.memref_slice %arg8[%dma_start3A_709, %dma_start3A_710] : memref<8x128xi32, #tpu.memory_space<vmem>> -> memref<1x128xi32, #tpu.memory_space<vmem>>
          %dma_start3A_712 = arith.constant 0 : i32
          %dma_start3A_713 = tpu.memref_slice %arg4[%add3A_707, %dma_start3A_712] : memref<2560x128xi32, #tpu.memory_space<hbm>> -> memref<1x128xi32, #tpu.memory_space<hbm>>
          %dma_start3A_714 = tpu.memref_slice %arg11[%dma_start3A_708] : memref<8x!tpu.dma_semaphore, #tpu.memory_space<semaphore_mem>> -> memref<1x!tpu.dma_semaphore, #tpu.memory_space<semaphore_mem>>
          %dma_start3A_715 = tpu.memref_squeeze %dma_start3A_714 : memref<1x!tpu.dma_semaphore, #tpu.memory_space<semaphore_mem>> -> memref<!tpu.dma_semaphore, #tpu.memory_space<semaphore_mem>>
          %dma_start3A_716 = arith.constant 3 : i32
          %dma_start3A_717 = arith.constant 0 : i32
          %dma_start3A_718 = tpu.memref_slice %arg8[%dma_start3A_716, %dma_start3A_717] : memref<8x128xi32, #tpu.memory_space<vmem>> -> memref<1x128xi32, #tpu.memory_space<vmem>>
          %dma_start3A_719 = arith.constant 0 : i32
          %dma_start3A_720 = tpu.memref_slice %arg4[%add3A_707, %dma_start3A_719] : memref<2560x128xi32, #tpu.memory_space<hbm>> -> memref<1x128xi32, #tpu.memory_space<hbm>>
          tpu.enqueue_dma source(%dma_start3A_720 : memref<1x128xi32, #tpu.memory_space<hbm>>) target(%dma_start3A_718 : memref<1x128xi32, #tpu.memory_space<vmem>>) target_semaphore(%dma_start3A_715 : memref<!tpu.dma_semaphore, #tpu.memory_space<semaphore_mem>>)
        } else {
        }
      } else {
      }
      %add3A_462 = arith.constant 1 : i32
      %add3A_463 = arith.addi %add3A_441, %add3A_462 : i32
      %lt3A_464 = arith.constant 80 : i32
      %lt3A_465 = arith.cmpi slt, %add3A_463, %lt3A_464 : i32
      %convert_element_type3A_466 = arith.extui %lt3A_465 : i1 to i32
      %cond3A_467 = arith.constant 0 : i32
      %cond3A_468 = arith.cmpi ne, %convert_element_type3A_466, %cond3A_467 : i32
      scf.if %cond3A_468 {
        %add3A_682 = arith.constant 1 : i32
        %add3A_683 = arith.addi %add3A_441, %add3A_682 : i32
        %dma_start3A_684 = arith.constant 1 : i32
        %dma_start3A_685 = arith.constant 1 : i32
        %dma_start3A_686 = arith.constant 0 : i32
        %dma_start3A_687 = arith.constant 0 : i32
        %dma_start3A_688 = tpu.memref_slice %arg9[%dma_start3A_684, %dma_start3A_686, %dma_start3A_687] : memref<2x128x128xf32, #tpu.memory_space<vmem>> -> memref<1x128x128xf32, #tpu.memory_space<vmem>>
        %dma_start3A_689 = tpu.memref_squeeze %dma_start3A_688 : memref<1x128x128xf32, #tpu.memory_space<vmem>> -> memref<128x128xf32, #tpu.memory_space<vmem>>
        %dma_start3A_690 = arith.constant 0 : i32
        %dma_start3A_691 = tpu.memref_slice %arg7[%add3A_683, %dma_start3A_690] : memref<80x128xi32, #tpu.memory_space<vmem>> -> memref<1x128xi32, #tpu.memory_space<vmem>>
        %dma_start3A_692 = tpu.memref_squeeze %dma_start3A_691 : memref<1x128xi32, #tpu.memory_space<vmem>> -> memref<128xi32, #tpu.memory_space<vmem>>
        %dma_start3A_693 = arith.constant 0 : i32
        %dma_start3A_694 = arith.constant 0 : i32
        %dma_start3A_695 = tpu.memref_slice %arg2[%dma_start3A_693, %dma_start3A_694] : memref<10000x128xf32, #tpu.memory_space<hbm>> -> memref<10000x128xf32, #tpu.memory_space<hbm>>
        %dma_start3A_696 = tpu.memref_slice %arg12[%dma_start3A_685] : memref<2x!tpu.dma_semaphore, #tpu.memory_space<semaphore_mem>> -> memref<1x!tpu.dma_semaphore, #tpu.memory_space<semaphore_mem>>
        %dma_start3A_697 = tpu.memref_squeeze %dma_start3A_696 : memref<1x!tpu.dma_semaphore, #tpu.memory_space<semaphore_mem>> -> memref<!tpu.dma_semaphore, #tpu.memory_space<semaphore_mem>>
        tpu.enqueue_indirect_dma source(%dma_start3A_695 : memref<10000x128xf32, #tpu.memory_space<hbm>>) target(%dma_start3A_689 : memref<128x128xf32, #tpu.memory_space<vmem>>) offsets(%dma_start3A_692 : memref<128xi32, #tpu.memory_space<vmem>>) semaphore(%dma_start3A_697 : memref<!tpu.dma_semaphore, #tpu.memory_space<semaphore_mem>>)
      } else {
      }
      %dma_wait3A_469 = arith.constant 4 : i32
      %dma_wait3A_470 = arith.constant 4 : i32
      %dma_wait3A_471 = arith.constant 0 : i32
      %dma_wait3A_472 = tpu.memref_slice %arg8[%dma_wait3A_470, %dma_wait3A_471] : memref<8x128xi32, #tpu.memory_space<vmem>> -> memref<1x128xi32, #tpu.memory_space<vmem>>
      %dma_wait3A_473 = arith.constant 0 : i32
      %dma_wait3A_474 = arith.constant 0 : i32
      %dma_wait3A_475 = tpu.memref_slice %arg4[%dma_wait3A_473, %dma_wait3A_474] : memref<2560x128xi32, #tpu.memory_space<hbm>> -> memref<1x128xi32, #tpu.memory_space<hbm>>
      %dma_wait3A_476 = tpu.memref_slice %arg11[%dma_wait3A_469] : memref<8x!tpu.dma_semaphore, #tpu.memory_space<semaphore_mem>> -> memref<1x!tpu.dma_semaphore, #tpu.memory_space<semaphore_mem>>
      %dma_wait3A_477 = tpu.memref_squeeze %dma_wait3A_476 : memref<1x!tpu.dma_semaphore, #tpu.memory_space<semaphore_mem>> -> memref<!tpu.dma_semaphore, #tpu.memory_space<semaphore_mem>>
      %dma_wait3A_478 = arith.constant 4 : i32
      %dma_wait3A_479 = arith.constant 0 : i32
      %dma_wait3A_480 = tpu.memref_slice %arg8[%dma_wait3A_478, %dma_wait3A_479] : memref<8x128xi32, #tpu.memory_space<vmem>> -> memref<1x128xi32, #tpu.memory_space<vmem>>
      %dma_wait3A_481 = arith.constant 0 : i32
      %dma_wait3A_482 = arith.constant 0 : i32
      %dma_wait3A_483 = tpu.memref_slice %arg4[%dma_wait3A_481, %dma_wait3A_482] : memref<2560x128xi32, #tpu.memory_space<hbm>> -> memref<1x128xi32, #tpu.memory_space<hbm>>
      tpu.wait_dma2 semaphore(%dma_wait3A_477 : memref<!tpu.dma_semaphore, #tpu.memory_space<semaphore_mem>>) src(%dma_wait3A_483 : memref<1x128xi32, #tpu.memory_space<hbm>>) dst(%dma_wait3A_480 : memref<1x128xi32, #tpu.memory_space<vmem>>)
      %dma_start3A_484 = arith.constant 0 : i32
      %dma_start3A_485 = arith.constant 4 : i32
      %dma_start3A_486 = arith.constant 0 : i32
      %dma_start3A_487 = arith.constant 0 : i32
      %dma_start3A_488 = arith.constant 0 : i32
      %dma_start3A_489 = tpu.memref_slice %arg9[%dma_start3A_484, %dma_start3A_487, %dma_start3A_488] : memref<2x128x128xf32, #tpu.memory_space<vmem>> -> memref<1x128x128xf32, #tpu.memory_space<vmem>>
      %dma_start3A_490 = tpu.memref_squeeze %dma_start3A_489 : memref<1x128x128xf32, #tpu.memory_space<vmem>> -> memref<128x128xf32, #tpu.memory_space<vmem>>
      %dma_start3A_491 = arith.constant 0 : i32
      %dma_start3A_492 = tpu.memref_slice %arg8[%dma_start3A_485, %dma_start3A_491] : memref<8x128xi32, #tpu.memory_space<vmem>> -> memref<1x128xi32, #tpu.memory_space<vmem>>
      %dma_start3A_493 = tpu.memref_squeeze %dma_start3A_492 : memref<1x128xi32, #tpu.memory_space<vmem>> -> memref<128xi32, #tpu.memory_space<vmem>>
      %dma_start3A_494 = arith.constant 0 : i32
      %dma_start3A_495 = arith.constant 0 : i32
      %dma_start3A_496 = tpu.memref_slice %arg10[%dma_start3A_494, %dma_start3A_495] : memref<10240x128xf32, #tpu.memory_space<vmem_shared>> -> memref<10240x128xf32, #tpu.memory_space<vmem_shared>>
      %dma_start3A_497 = tpu.memref_slice %arg13[%dma_start3A_486] : memref<2x!tpu.dma_semaphore, #tpu.memory_space<semaphore_mem>> -> memref<1x!tpu.dma_semaphore, #tpu.memory_space<semaphore_mem>>
      %dma_start3A_498 = tpu.memref_squeeze %dma_start3A_497 : memref<1x!tpu.dma_semaphore, #tpu.memory_space<semaphore_mem>> -> memref<!tpu.dma_semaphore, #tpu.memory_space<semaphore_mem>>
      tpu.enqueue_indirect_dma source(%dma_start3A_490 : memref<128x128xf32, #tpu.memory_space<vmem>>) target(%dma_start3A_496 : memref<10240x128xf32, #tpu.memory_space<vmem_shared>>) offsets(%dma_start3A_493 : memref<128xi32, #tpu.memory_space<vmem>>) semaphore(%dma_start3A_498 : memref<!tpu.dma_semaphore, #tpu.memory_space<semaphore_mem>>) {add = true}
      %mul3A_499 = arith.constant 8 : i32
      %mul3A_500 = arith.muli %scan3A_197, %mul3A_499 : i32
      %add3A_501 = arith.constant 5 : i32
      %add3A_502 = arith.addi %mul3A_500, %add3A_501 : i32
      %dma_wait3A_503 = arith.constant 0 : i32
      %dma_wait3A_504 = arith.constant 1 : i32
      %dma_wait3A_505 = arith.constant 1 : i32
      %dma_wait3A_506 = arith.constant 0 : i32
      %dma_wait3A_507 = arith.constant 0 : i32
      %dma_wait3A_508 = tpu.memref_slice %arg9[%dma_wait3A_504, %dma_wait3A_506, %dma_wait3A_507] : memref<2x128x128xf32, #tpu.memory_space<vmem>> -> memref<1x128x128xf32, #tpu.memory_space<vmem>>
      %dma_wait3A_509 = tpu.memref_squeeze %dma_wait3A_508 : memref<1x128x128xf32, #tpu.memory_space<vmem>> -> memref<128x128xf32, #tpu.memory_space<vmem>>
      %dma_wait3A_510 = arith.constant 0 : i32
      %dma_wait3A_511 = tpu.memref_slice %arg7[%dma_wait3A_503, %dma_wait3A_510] : memref<80x128xi32, #tpu.memory_space<vmem>> -> memref<1x128xi32, #tpu.memory_space<vmem>>
      %dma_wait3A_512 = tpu.memref_squeeze %dma_wait3A_511 : memref<1x128xi32, #tpu.memory_space<vmem>> -> memref<128xi32, #tpu.memory_space<vmem>>
      %dma_wait3A_513 = arith.constant 0 : i32
      %dma_wait3A_514 = arith.constant 0 : i32
      %dma_wait3A_515 = tpu.memref_slice %arg2[%dma_wait3A_513, %dma_wait3A_514] : memref<10000x128xf32, #tpu.memory_space<hbm>> -> memref<10000x128xf32, #tpu.memory_space<hbm>>
      %dma_wait3A_516 = tpu.memref_slice %arg12[%dma_wait3A_505] : memref<2x!tpu.dma_semaphore, #tpu.memory_space<semaphore_mem>> -> memref<1x!tpu.dma_semaphore, #tpu.memory_space<semaphore_mem>>
      %dma_wait3A_517 = tpu.memref_squeeze %dma_wait3A_516 : memref<1x!tpu.dma_semaphore, #tpu.memory_space<semaphore_mem>> -> memref<!tpu.dma_semaphore, #tpu.memory_space<semaphore_mem>>
      tpu.wait_indirect_dma semaphore(%dma_wait3A_517 : memref<!tpu.dma_semaphore, #tpu.memory_space<semaphore_mem>>) src(%dma_wait3A_515 : memref<10000x128xf32, #tpu.memory_space<hbm>>) dst(%dma_wait3A_509 : memref<128x128xf32, #tpu.memory_space<vmem>>)
      %ge3A_518 = arith.constant 1 : i32
      %ge3A_519 = arith.cmpi sge, %add3A_502, %ge3A_518 : i32
      %convert_element_type3A_520 = arith.extui %ge3A_519 : i1 to i32
      %cond3A_521 = arith.constant 0 : i32
      %cond3A_522 = arith.cmpi ne, %convert_element_type3A_520, %cond3A_521 : i32
      scf.if %cond3A_522 {
        %dma_wait3A_682 = arith.constant 0 : i32
        %dma_wait3A_683 = arith.constant 0 : i32
        %dma_wait3A_684 = arith.constant 0 : i32
        %dma_wait3A_685 = arith.constant 0 : i32
        %dma_wait3A_686 = arith.constant 0 : i32
        %dma_wait3A_687 = tpu.memref_slice %arg9[%dma_wait3A_682, %dma_wait3A_685, %dma_wait3A_686] : memref<2x128x128xf32, #tpu.memory_space<vmem>> -> memref<1x128x128xf32, #tpu.memory_space<vmem>>
        %dma_wait3A_688 = tpu.memref_squeeze %dma_wait3A_687 : memref<1x128x128xf32, #tpu.memory_space<vmem>> -> memref<128x128xf32, #tpu.memory_space<vmem>>
        %dma_wait3A_689 = arith.constant 0 : i32
        %dma_wait3A_690 = tpu.memref_slice %arg8[%dma_wait3A_683, %dma_wait3A_689] : memref<8x128xi32, #tpu.memory_space<vmem>> -> memref<1x128xi32, #tpu.memory_space<vmem>>
        %dma_wait3A_691 = tpu.memref_squeeze %dma_wait3A_690 : memref<1x128xi32, #tpu.memory_space<vmem>> -> memref<128xi32, #tpu.memory_space<vmem>>
        %dma_wait3A_692 = arith.constant 0 : i32
        %dma_wait3A_693 = arith.constant 0 : i32
        %dma_wait3A_694 = tpu.memref_slice %arg10[%dma_wait3A_692, %dma_wait3A_693] : memref<10240x128xf32, #tpu.memory_space<vmem_shared>> -> memref<10240x128xf32, #tpu.memory_space<vmem_shared>>
        %dma_wait3A_695 = tpu.memref_slice %arg13[%dma_wait3A_684] : memref<2x!tpu.dma_semaphore, #tpu.memory_space<semaphore_mem>> -> memref<1x!tpu.dma_semaphore, #tpu.memory_space<semaphore_mem>>
        %dma_wait3A_696 = tpu.memref_squeeze %dma_wait3A_695 : memref<1x!tpu.dma_semaphore, #tpu.memory_space<semaphore_mem>> -> memref<!tpu.dma_semaphore, #tpu.memory_space<semaphore_mem>>
        tpu.wait_indirect_dma semaphore(%dma_wait3A_696 : memref<!tpu.dma_semaphore, #tpu.memory_space<semaphore_mem>>) src(%dma_wait3A_688 : memref<128x128xf32, #tpu.memory_space<vmem>>) dst(%dma_wait3A_694 : memref<10240x128xf32, #tpu.memory_space<vmem_shared>>)
        %add3A_697 = arith.constant 8 : i32
        %add3A_698 = arith.addi %add3A_502, %add3A_697 : i32
        %sub3A = arith.constant 1 : i32
        %sub3A_699 = arith.subi %add3A_698, %sub3A : i32
        %lt3A_700 = arith.constant 80 : i32
        %lt3A_701 = arith.cmpi slt, %sub3A_699, %lt3A_700 : i32
        %convert_element_type3A_702 = arith.extui %lt3A_701 : i1 to i32
        %cond3A_703 = arith.constant 0 : i32
        %cond3A_704 = arith.cmpi ne, %convert_element_type3A_702, %cond3A_703 : i32
        scf.if %cond3A_704 {
          %mul3A_705 = arith.constant 80 : i32
          %mul3A_706 = arith.muli %add3A, %mul3A_705 : i32
          %add3A_707 = arith.addi %mul3A_706, %sub3A_699 : i32
          %dma_start3A_708 = arith.constant 4 : i32
          %dma_start3A_709 = arith.constant 4 : i32
          %dma_start3A_710 = arith.constant 0 : i32
          %dma_start3A_711 = tpu.memref_slice %arg8[%dma_start3A_709, %dma_start3A_710] : memref<8x128xi32, #tpu.memory_space<vmem>> -> memref<1x128xi32, #tpu.memory_space<vmem>>
          %dma_start3A_712 = arith.constant 0 : i32
          %dma_start3A_713 = tpu.memref_slice %arg4[%add3A_707, %dma_start3A_712] : memref<2560x128xi32, #tpu.memory_space<hbm>> -> memref<1x128xi32, #tpu.memory_space<hbm>>
          %dma_start3A_714 = tpu.memref_slice %arg11[%dma_start3A_708] : memref<8x!tpu.dma_semaphore, #tpu.memory_space<semaphore_mem>> -> memref<1x!tpu.dma_semaphore, #tpu.memory_space<semaphore_mem>>
          %dma_start3A_715 = tpu.memref_squeeze %dma_start3A_714 : memref<1x!tpu.dma_semaphore, #tpu.memory_space<semaphore_mem>> -> memref<!tpu.dma_semaphore, #tpu.memory_space<semaphore_mem>>
          %dma_start3A_716 = arith.constant 4 : i32
          %dma_start3A_717 = arith.constant 0 : i32
          %dma_start3A_718 = tpu.memref_slice %arg8[%dma_start3A_716, %dma_start3A_717] : memref<8x128xi32, #tpu.memory_space<vmem>> -> memref<1x128xi32, #tpu.memory_space<vmem>>
          %dma_start3A_719 = arith.constant 0 : i32
          %dma_start3A_720 = tpu.memref_slice %arg4[%add3A_707, %dma_start3A_719] : memref<2560x128xi32, #tpu.memory_space<hbm>> -> memref<1x128xi32, #tpu.memory_space<hbm>>
          tpu.enqueue_dma source(%dma_start3A_720 : memref<1x128xi32, #tpu.memory_space<hbm>>) target(%dma_start3A_718 : memref<1x128xi32, #tpu.memory_space<vmem>>) target_semaphore(%dma_start3A_715 : memref<!tpu.dma_semaphore, #tpu.memory_space<semaphore_mem>>)
        } else {
        }
      } else {
      }
      %add3A_523 = arith.constant 1 : i32
      %add3A_524 = arith.addi %add3A_502, %add3A_523 : i32
      %lt3A_525 = arith.constant 80 : i32
      %lt3A_526 = arith.cmpi slt, %add3A_524, %lt3A_525 : i32
      %convert_element_type3A_527 = arith.extui %lt3A_526 : i1 to i32
      %cond3A_528 = arith.constant 0 : i32
      %cond3A_529 = arith.cmpi ne, %convert_element_type3A_527, %cond3A_528 : i32
      scf.if %cond3A_529 {
        %add3A_682 = arith.constant 1 : i32
        %add3A_683 = arith.addi %add3A_502, %add3A_682 : i32
        %dma_start3A_684 = arith.constant 0 : i32
        %dma_start3A_685 = arith.constant 0 : i32
        %dma_start3A_686 = arith.constant 0 : i32
        %dma_start3A_687 = arith.constant 0 : i32
        %dma_start3A_688 = tpu.memref_slice %arg9[%dma_start3A_684, %dma_start3A_686, %dma_start3A_687] : memref<2x128x128xf32, #tpu.memory_space<vmem>> -> memref<1x128x128xf32, #tpu.memory_space<vmem>>
        %dma_start3A_689 = tpu.memref_squeeze %dma_start3A_688 : memref<1x128x128xf32, #tpu.memory_space<vmem>> -> memref<128x128xf32, #tpu.memory_space<vmem>>
        %dma_start3A_690 = arith.constant 0 : i32
        %dma_start3A_691 = tpu.memref_slice %arg7[%add3A_683, %dma_start3A_690] : memref<80x128xi32, #tpu.memory_space<vmem>> -> memref<1x128xi32, #tpu.memory_space<vmem>>
        %dma_start3A_692 = tpu.memref_squeeze %dma_start3A_691 : memref<1x128xi32, #tpu.memory_space<vmem>> -> memref<128xi32, #tpu.memory_space<vmem>>
        %dma_start3A_693 = arith.constant 0 : i32
        %dma_start3A_694 = arith.constant 0 : i32
        %dma_start3A_695 = tpu.memref_slice %arg2[%dma_start3A_693, %dma_start3A_694] : memref<10000x128xf32, #tpu.memory_space<hbm>> -> memref<10000x128xf32, #tpu.memory_space<hbm>>
        %dma_start3A_696 = tpu.memref_slice %arg12[%dma_start3A_685] : memref<2x!tpu.dma_semaphore, #tpu.memory_space<semaphore_mem>> -> memref<1x!tpu.dma_semaphore, #tpu.memory_space<semaphore_mem>>
        %dma_start3A_697 = tpu.memref_squeeze %dma_start3A_696 : memref<1x!tpu.dma_semaphore, #tpu.memory_space<semaphore_mem>> -> memref<!tpu.dma_semaphore, #tpu.memory_space<semaphore_mem>>
        tpu.enqueue_indirect_dma source(%dma_start3A_695 : memref<10000x128xf32, #tpu.memory_space<hbm>>) target(%dma_start3A_689 : memref<128x128xf32, #tpu.memory_space<vmem>>) offsets(%dma_start3A_692 : memref<128xi32, #tpu.memory_space<vmem>>) semaphore(%dma_start3A_697 : memref<!tpu.dma_semaphore, #tpu.memory_space<semaphore_mem>>)
      } else {
      }
      %dma_wait3A_530 = arith.constant 5 : i32
      %dma_wait3A_531 = arith.constant 5 : i32
      %dma_wait3A_532 = arith.constant 0 : i32
      %dma_wait3A_533 = tpu.memref_slice %arg8[%dma_wait3A_531, %dma_wait3A_532] : memref<8x128xi32, #tpu.memory_space<vmem>> -> memref<1x128xi32, #tpu.memory_space<vmem>>
      %dma_wait3A_534 = arith.constant 0 : i32
      %dma_wait3A_535 = arith.constant 0 : i32
      %dma_wait3A_536 = tpu.memref_slice %arg4[%dma_wait3A_534, %dma_wait3A_535] : memref<2560x128xi32, #tpu.memory_space<hbm>> -> memref<1x128xi32, #tpu.memory_space<hbm>>
      %dma_wait3A_537 = tpu.memref_slice %arg11[%dma_wait3A_530] : memref<8x!tpu.dma_semaphore, #tpu.memory_space<semaphore_mem>> -> memref<1x!tpu.dma_semaphore, #tpu.memory_space<semaphore_mem>>
      %dma_wait3A_538 = tpu.memref_squeeze %dma_wait3A_537 : memref<1x!tpu.dma_semaphore, #tpu.memory_space<semaphore_mem>> -> memref<!tpu.dma_semaphore, #tpu.memory_space<semaphore_mem>>
      %dma_wait3A_539 = arith.constant 5 : i32
      %dma_wait3A_540 = arith.constant 0 : i32
      %dma_wait3A_541 = tpu.memref_slice %arg8[%dma_wait3A_539, %dma_wait3A_540] : memref<8x128xi32, #tpu.memory_space<vmem>> -> memref<1x128xi32, #tpu.memory_space<vmem>>
      %dma_wait3A_542 = arith.constant 0 : i32
      %dma_wait3A_543 = arith.constant 0 : i32
      %dma_wait3A_544 = tpu.memref_slice %arg4[%dma_wait3A_542, %dma_wait3A_543] : memref<2560x128xi32, #tpu.memory_space<hbm>> -> memref<1x128xi32, #tpu.memory_space<hbm>>
      tpu.wait_dma2 semaphore(%dma_wait3A_538 : memref<!tpu.dma_semaphore, #tpu.memory_space<semaphore_mem>>) src(%dma_wait3A_544 : memref<1x128xi32, #tpu.memory_space<hbm>>) dst(%dma_wait3A_541 : memref<1x128xi32, #tpu.memory_space<vmem>>)
      %dma_start3A_545 = arith.constant 1 : i32
      %dma_start3A_546 = arith.constant 5 : i32
      %dma_start3A_547 = arith.constant 1 : i32
      %dma_start3A_548 = arith.constant 0 : i32
      %dma_start3A_549 = arith.constant 0 : i32
      %dma_start3A_550 = tpu.memref_slice %arg9[%dma_start3A_545, %dma_start3A_548, %dma_start3A_549] : memref<2x128x128xf32, #tpu.memory_space<vmem>> -> memref<1x128x128xf32, #tpu.memory_space<vmem>>
      %dma_start3A_551 = tpu.memref_squeeze %dma_start3A_550 : memref<1x128x128xf32, #tpu.memory_space<vmem>> -> memref<128x128xf32, #tpu.memory_space<vmem>>
      %dma_start3A_552 = arith.constant 0 : i32
      %dma_start3A_553 = tpu.memref_slice %arg8[%dma_start3A_546, %dma_start3A_552] : memref<8x128xi32, #tpu.memory_space<vmem>> -> memref<1x128xi32, #tpu.memory_space<vmem>>
      %dma_start3A_554 = tpu.memref_squeeze %dma_start3A_553 : memref<1x128xi32, #tpu.memory_space<vmem>> -> memref<128xi32, #tpu.memory_space<vmem>>
      %dma_start3A_555 = arith.constant 0 : i32
      %dma_start3A_556 = arith.constant 0 : i32
      %dma_start3A_557 = tpu.memref_slice %arg10[%dma_start3A_555, %dma_start3A_556] : memref<10240x128xf32, #tpu.memory_space<vmem_shared>> -> memref<10240x128xf32, #tpu.memory_space<vmem_shared>>
      %dma_start3A_558 = tpu.memref_slice %arg13[%dma_start3A_547] : memref<2x!tpu.dma_semaphore, #tpu.memory_space<semaphore_mem>> -> memref<1x!tpu.dma_semaphore, #tpu.memory_space<semaphore_mem>>
      %dma_start3A_559 = tpu.memref_squeeze %dma_start3A_558 : memref<1x!tpu.dma_semaphore, #tpu.memory_space<semaphore_mem>> -> memref<!tpu.dma_semaphore, #tpu.memory_space<semaphore_mem>>
      tpu.enqueue_indirect_dma source(%dma_start3A_551 : memref<128x128xf32, #tpu.memory_space<vmem>>) target(%dma_start3A_557 : memref<10240x128xf32, #tpu.memory_space<vmem_shared>>) offsets(%dma_start3A_554 : memref<128xi32, #tpu.memory_space<vmem>>) semaphore(%dma_start3A_559 : memref<!tpu.dma_semaphore, #tpu.memory_space<semaphore_mem>>) {add = true}
      %mul3A_560 = arith.constant 8 : i32
      %mul3A_561 = arith.muli %scan3A_197, %mul3A_560 : i32
      %add3A_562 = arith.constant 6 : i32
      %add3A_563 = arith.addi %mul3A_561, %add3A_562 : i32
      %dma_wait3A_564 = arith.constant 0 : i32
      %dma_wait3A_565 = arith.constant 0 : i32
      %dma_wait3A_566 = arith.constant 0 : i32
      %dma_wait3A_567 = arith.constant 0 : i32
      %dma_wait3A_568 = arith.constant 0 : i32
      %dma_wait3A_569 = tpu.memref_slice %arg9[%dma_wait3A_565, %dma_wait3A_567, %dma_wait3A_568] : memref<2x128x128xf32, #tpu.memory_space<vmem>> -> memref<1x128x128xf32, #tpu.memory_space<vmem>>
      %dma_wait3A_570 = tpu.memref_squeeze %dma_wait3A_569 : memref<1x128x128xf32, #tpu.memory_space<vmem>> -> memref<128x128xf32, #tpu.memory_space<vmem>>
      %dma_wait3A_571 = arith.constant 0 : i32
      %dma_wait3A_572 = tpu.memref_slice %arg7[%dma_wait3A_564, %dma_wait3A_571] : memref<80x128xi32, #tpu.memory_space<vmem>> -> memref<1x128xi32, #tpu.memory_space<vmem>>
      %dma_wait3A_573 = tpu.memref_squeeze %dma_wait3A_572 : memref<1x128xi32, #tpu.memory_space<vmem>> -> memref<128xi32, #tpu.memory_space<vmem>>
      %dma_wait3A_574 = arith.constant 0 : i32
      %dma_wait3A_575 = arith.constant 0 : i32
      %dma_wait3A_576 = tpu.memref_slice %arg2[%dma_wait3A_574, %dma_wait3A_575] : memref<10000x128xf32, #tpu.memory_space<hbm>> -> memref<10000x128xf32, #tpu.memory_space<hbm>>
      %dma_wait3A_577 = tpu.memref_slice %arg12[%dma_wait3A_566] : memref<2x!tpu.dma_semaphore, #tpu.memory_space<semaphore_mem>> -> memref<1x!tpu.dma_semaphore, #tpu.memory_space<semaphore_mem>>
      %dma_wait3A_578 = tpu.memref_squeeze %dma_wait3A_577 : memref<1x!tpu.dma_semaphore, #tpu.memory_space<semaphore_mem>> -> memref<!tpu.dma_semaphore, #tpu.memory_space<semaphore_mem>>
      tpu.wait_indirect_dma semaphore(%dma_wait3A_578 : memref<!tpu.dma_semaphore, #tpu.memory_space<semaphore_mem>>) src(%dma_wait3A_576 : memref<10000x128xf32, #tpu.memory_space<hbm>>) dst(%dma_wait3A_570 : memref<128x128xf32, #tpu.memory_space<vmem>>)
      %ge3A_579 = arith.constant 1 : i32
      %ge3A_580 = arith.cmpi sge, %add3A_563, %ge3A_579 : i32
      %convert_element_type3A_581 = arith.extui %ge3A_580 : i1 to i32
      %cond3A_582 = arith.constant 0 : i32
      %cond3A_583 = arith.cmpi ne, %convert_element_type3A_581, %cond3A_582 : i32
      scf.if %cond3A_583 {
        %dma_wait3A_682 = arith.constant 1 : i32
        %dma_wait3A_683 = arith.constant 0 : i32
        %dma_wait3A_684 = arith.constant 1 : i32
        %dma_wait3A_685 = arith.constant 0 : i32
        %dma_wait3A_686 = arith.constant 0 : i32
        %dma_wait3A_687 = tpu.memref_slice %arg9[%dma_wait3A_682, %dma_wait3A_685, %dma_wait3A_686] : memref<2x128x128xf32, #tpu.memory_space<vmem>> -> memref<1x128x128xf32, #tpu.memory_space<vmem>>
        %dma_wait3A_688 = tpu.memref_squeeze %dma_wait3A_687 : memref<1x128x128xf32, #tpu.memory_space<vmem>> -> memref<128x128xf32, #tpu.memory_space<vmem>>
        %dma_wait3A_689 = arith.constant 0 : i32
        %dma_wait3A_690 = tpu.memref_slice %arg8[%dma_wait3A_683, %dma_wait3A_689] : memref<8x128xi32, #tpu.memory_space<vmem>> -> memref<1x128xi32, #tpu.memory_space<vmem>>
        %dma_wait3A_691 = tpu.memref_squeeze %dma_wait3A_690 : memref<1x128xi32, #tpu.memory_space<vmem>> -> memref<128xi32, #tpu.memory_space<vmem>>
        %dma_wait3A_692 = arith.constant 0 : i32
        %dma_wait3A_693 = arith.constant 0 : i32
        %dma_wait3A_694 = tpu.memref_slice %arg10[%dma_wait3A_692, %dma_wait3A_693] : memref<10240x128xf32, #tpu.memory_space<vmem_shared>> -> memref<10240x128xf32, #tpu.memory_space<vmem_shared>>
        %dma_wait3A_695 = tpu.memref_slice %arg13[%dma_wait3A_684] : memref<2x!tpu.dma_semaphore, #tpu.memory_space<semaphore_mem>> -> memref<1x!tpu.dma_semaphore, #tpu.memory_space<semaphore_mem>>
        %dma_wait3A_696 = tpu.memref_squeeze %dma_wait3A_695 : memref<1x!tpu.dma_semaphore, #tpu.memory_space<semaphore_mem>> -> memref<!tpu.dma_semaphore, #tpu.memory_space<semaphore_mem>>
        tpu.wait_indirect_dma semaphore(%dma_wait3A_696 : memref<!tpu.dma_semaphore, #tpu.memory_space<semaphore_mem>>) src(%dma_wait3A_688 : memref<128x128xf32, #tpu.memory_space<vmem>>) dst(%dma_wait3A_694 : memref<10240x128xf32, #tpu.memory_space<vmem_shared>>)
        %add3A_697 = arith.constant 8 : i32
        %add3A_698 = arith.addi %add3A_563, %add3A_697 : i32
        %sub3A = arith.constant 1 : i32
        %sub3A_699 = arith.subi %add3A_698, %sub3A : i32
        %lt3A_700 = arith.constant 80 : i32
        %lt3A_701 = arith.cmpi slt, %sub3A_699, %lt3A_700 : i32
        %convert_element_type3A_702 = arith.extui %lt3A_701 : i1 to i32
        %cond3A_703 = arith.constant 0 : i32
        %cond3A_704 = arith.cmpi ne, %convert_element_type3A_702, %cond3A_703 : i32
        scf.if %cond3A_704 {
          %mul3A_705 = arith.constant 80 : i32
          %mul3A_706 = arith.muli %add3A, %mul3A_705 : i32
          %add3A_707 = arith.addi %mul3A_706, %sub3A_699 : i32
          %dma_start3A_708 = arith.constant 5 : i32
          %dma_start3A_709 = arith.constant 5 : i32
          %dma_start3A_710 = arith.constant 0 : i32
          %dma_start3A_711 = tpu.memref_slice %arg8[%dma_start3A_709, %dma_start3A_710] : memref<8x128xi32, #tpu.memory_space<vmem>> -> memref<1x128xi32, #tpu.memory_space<vmem>>
          %dma_start3A_712 = arith.constant 0 : i32
          %dma_start3A_713 = tpu.memref_slice %arg4[%add3A_707, %dma_start3A_712] : memref<2560x128xi32, #tpu.memory_space<hbm>> -> memref<1x128xi32, #tpu.memory_space<hbm>>
          %dma_start3A_714 = tpu.memref_slice %arg11[%dma_start3A_708] : memref<8x!tpu.dma_semaphore, #tpu.memory_space<semaphore_mem>> -> memref<1x!tpu.dma_semaphore, #tpu.memory_space<semaphore_mem>>
          %dma_start3A_715 = tpu.memref_squeeze %dma_start3A_714 : memref<1x!tpu.dma_semaphore, #tpu.memory_space<semaphore_mem>> -> memref<!tpu.dma_semaphore, #tpu.memory_space<semaphore_mem>>
          %dma_start3A_716 = arith.constant 5 : i32
          %dma_start3A_717 = arith.constant 0 : i32
          %dma_start3A_718 = tpu.memref_slice %arg8[%dma_start3A_716, %dma_start3A_717] : memref<8x128xi32, #tpu.memory_space<vmem>> -> memref<1x128xi32, #tpu.memory_space<vmem>>
          %dma_start3A_719 = arith.constant 0 : i32
          %dma_start3A_720 = tpu.memref_slice %arg4[%add3A_707, %dma_start3A_719] : memref<2560x128xi32, #tpu.memory_space<hbm>> -> memref<1x128xi32, #tpu.memory_space<hbm>>
          tpu.enqueue_dma source(%dma_start3A_720 : memref<1x128xi32, #tpu.memory_space<hbm>>) target(%dma_start3A_718 : memref<1x128xi32, #tpu.memory_space<vmem>>) target_semaphore(%dma_start3A_715 : memref<!tpu.dma_semaphore, #tpu.memory_space<semaphore_mem>>)
        } else {
        }
      } else {
      }
      %add3A_584 = arith.constant 1 : i32
      %add3A_585 = arith.addi %add3A_563, %add3A_584 : i32
      %lt3A_586 = arith.constant 80 : i32
      %lt3A_587 = arith.cmpi slt, %add3A_585, %lt3A_586 : i32
      %convert_element_type3A_588 = arith.extui %lt3A_587 : i1 to i32
      %cond3A_589 = arith.constant 0 : i32
      %cond3A_590 = arith.cmpi ne, %convert_element_type3A_588, %cond3A_589 : i32
      scf.if %cond3A_590 {
        %add3A_682 = arith.constant 1 : i32
        %add3A_683 = arith.addi %add3A_563, %add3A_682 : i32
        %dma_start3A_684 = arith.constant 1 : i32
        %dma_start3A_685 = arith.constant 1 : i32
        %dma_start3A_686 = arith.constant 0 : i32
        %dma_start3A_687 = arith.constant 0 : i32
        %dma_start3A_688 = tpu.memref_slice %arg9[%dma_start3A_684, %dma_start3A_686, %dma_start3A_687] : memref<2x128x128xf32, #tpu.memory_space<vmem>> -> memref<1x128x128xf32, #tpu.memory_space<vmem>>
        %dma_start3A_689 = tpu.memref_squeeze %dma_start3A_688 : memref<1x128x128xf32, #tpu.memory_space<vmem>> -> memref<128x128xf32, #tpu.memory_space<vmem>>
        %dma_start3A_690 = arith.constant 0 : i32
        %dma_start3A_691 = tpu.memref_slice %arg7[%add3A_683, %dma_start3A_690] : memref<80x128xi32, #tpu.memory_space<vmem>> -> memref<1x128xi32, #tpu.memory_space<vmem>>
        %dma_start3A_692 = tpu.memref_squeeze %dma_start3A_691 : memref<1x128xi32, #tpu.memory_space<vmem>> -> memref<128xi32, #tpu.memory_space<vmem>>
        %dma_start3A_693 = arith.constant 0 : i32
        %dma_start3A_694 = arith.constant 0 : i32
        %dma_start3A_695 = tpu.memref_slice %arg2[%dma_start3A_693, %dma_start3A_694] : memref<10000x128xf32, #tpu.memory_space<hbm>> -> memref<10000x128xf32, #tpu.memory_space<hbm>>
        %dma_start3A_696 = tpu.memref_slice %arg12[%dma_start3A_685] : memref<2x!tpu.dma_semaphore, #tpu.memory_space<semaphore_mem>> -> memref<1x!tpu.dma_semaphore, #tpu.memory_space<semaphore_mem>>
        %dma_start3A_697 = tpu.memref_squeeze %dma_start3A_696 : memref<1x!tpu.dma_semaphore, #tpu.memory_space<semaphore_mem>> -> memref<!tpu.dma_semaphore, #tpu.memory_space<semaphore_mem>>
        tpu.enqueue_indirect_dma source(%dma_start3A_695 : memref<10000x128xf32, #tpu.memory_space<hbm>>) target(%dma_start3A_689 : memref<128x128xf32, #tpu.memory_space<vmem>>) offsets(%dma_start3A_692 : memref<128xi32, #tpu.memory_space<vmem>>) semaphore(%dma_start3A_697 : memref<!tpu.dma_semaphore, #tpu.memory_space<semaphore_mem>>)
      } else {
      }
      %dma_wait3A_591 = arith.constant 6 : i32
      %dma_wait3A_592 = arith.constant 6 : i32
      %dma_wait3A_593 = arith.constant 0 : i32
      %dma_wait3A_594 = tpu.memref_slice %arg8[%dma_wait3A_592, %dma_wait3A_593] : memref<8x128xi32, #tpu.memory_space<vmem>> -> memref<1x128xi32, #tpu.memory_space<vmem>>
      %dma_wait3A_595 = arith.constant 0 : i32
      %dma_wait3A_596 = arith.constant 0 : i32
      %dma_wait3A_597 = tpu.memref_slice %arg4[%dma_wait3A_595, %dma_wait3A_596] : memref<2560x128xi32, #tpu.memory_space<hbm>> -> memref<1x128xi32, #tpu.memory_space<hbm>>
      %dma_wait3A_598 = tpu.memref_slice %arg11[%dma_wait3A_591] : memref<8x!tpu.dma_semaphore, #tpu.memory_space<semaphore_mem>> -> memref<1x!tpu.dma_semaphore, #tpu.memory_space<semaphore_mem>>
      %dma_wait3A_599 = tpu.memref_squeeze %dma_wait3A_598 : memref<1x!tpu.dma_semaphore, #tpu.memory_space<semaphore_mem>> -> memref<!tpu.dma_semaphore, #tpu.memory_space<semaphore_mem>>
      %dma_wait3A_600 = arith.constant 6 : i32
      %dma_wait3A_601 = arith.constant 0 : i32
      %dma_wait3A_602 = tpu.memref_slice %arg8[%dma_wait3A_600, %dma_wait3A_601] : memref<8x128xi32, #tpu.memory_space<vmem>> -> memref<1x128xi32, #tpu.memory_space<vmem>>
      %dma_wait3A_603 = arith.constant 0 : i32
      %dma_wait3A_604 = arith.constant 0 : i32
      %dma_wait3A_605 = tpu.memref_slice %arg4[%dma_wait3A_603, %dma_wait3A_604] : memref<2560x128xi32, #tpu.memory_space<hbm>> -> memref<1x128xi32, #tpu.memory_space<hbm>>
      tpu.wait_dma2 semaphore(%dma_wait3A_599 : memref<!tpu.dma_semaphore, #tpu.memory_space<semaphore_mem>>) src(%dma_wait3A_605 : memref<1x128xi32, #tpu.memory_space<hbm>>) dst(%dma_wait3A_602 : memref<1x128xi32, #tpu.memory_space<vmem>>)
      %dma_start3A_606 = arith.constant 0 : i32
      %dma_start3A_607 = arith.constant 6 : i32
      %dma_start3A_608 = arith.constant 0 : i32
      %dma_start3A_609 = arith.constant 0 : i32
      %dma_start3A_610 = arith.constant 0 : i32
      %dma_start3A_611 = tpu.memref_slice %arg9[%dma_start3A_606, %dma_start3A_609, %dma_start3A_610] : memref<2x128x128xf32, #tpu.memory_space<vmem>> -> memref<1x128x128xf32, #tpu.memory_space<vmem>>
      %dma_start3A_612 = tpu.memref_squeeze %dma_start3A_611 : memref<1x128x128xf32, #tpu.memory_space<vmem>> -> memref<128x128xf32, #tpu.memory_space<vmem>>
      %dma_start3A_613 = arith.constant 0 : i32
      %dma_start3A_614 = tpu.memref_slice %arg8[%dma_start3A_607, %dma_start3A_613] : memref<8x128xi32, #tpu.memory_space<vmem>> -> memref<1x128xi32, #tpu.memory_space<vmem>>
      %dma_start3A_615 = tpu.memref_squeeze %dma_start3A_614 : memref<1x128xi32, #tpu.memory_space<vmem>> -> memref<128xi32, #tpu.memory_space<vmem>>
      %dma_start3A_616 = arith.constant 0 : i32
      %dma_start3A_617 = arith.constant 0 : i32
      %dma_start3A_618 = tpu.memref_slice %arg10[%dma_start3A_616, %dma_start3A_617] : memref<10240x128xf32, #tpu.memory_space<vmem_shared>> -> memref<10240x128xf32, #tpu.memory_space<vmem_shared>>
      %dma_start3A_619 = tpu.memref_slice %arg13[%dma_start3A_608] : memref<2x!tpu.dma_semaphore, #tpu.memory_space<semaphore_mem>> -> memref<1x!tpu.dma_semaphore, #tpu.memory_space<semaphore_mem>>
      %dma_start3A_620 = tpu.memref_squeeze %dma_start3A_619 : memref<1x!tpu.dma_semaphore, #tpu.memory_space<semaphore_mem>> -> memref<!tpu.dma_semaphore, #tpu.memory_space<semaphore_mem>>
      tpu.enqueue_indirect_dma source(%dma_start3A_612 : memref<128x128xf32, #tpu.memory_space<vmem>>) target(%dma_start3A_618 : memref<10240x128xf32, #tpu.memory_space<vmem_shared>>) offsets(%dma_start3A_615 : memref<128xi32, #tpu.memory_space<vmem>>) semaphore(%dma_start3A_620 : memref<!tpu.dma_semaphore, #tpu.memory_space<semaphore_mem>>) {add = true}
      %mul3A_621 = arith.constant 8 : i32
      %mul3A_622 = arith.muli %scan3A_197, %mul3A_621 : i32
      %add3A_623 = arith.constant 7 : i32
      %add3A_624 = arith.addi %mul3A_622, %add3A_623 : i32
      %dma_wait3A_625 = arith.constant 0 : i32
      %dma_wait3A_626 = arith.constant 1 : i32
      %dma_wait3A_627 = arith.constant 1 : i32
      %dma_wait3A_628 = arith.constant 0 : i32
      %dma_wait3A_629 = arith.constant 0 : i32
      %dma_wait3A_630 = tpu.memref_slice %arg9[%dma_wait3A_626, %dma_wait3A_628, %dma_wait3A_629] : memref<2x128x128xf32, #tpu.memory_space<vmem>> -> memref<1x128x128xf32, #tpu.memory_space<vmem>>
      %dma_wait3A_631 = tpu.memref_squeeze %dma_wait3A_630 : memref<1x128x128xf32, #tpu.memory_space<vmem>> -> memref<128x128xf32, #tpu.memory_space<vmem>>
      %dma_wait3A_632 = arith.constant 0 : i32
      %dma_wait3A_633 = tpu.memref_slice %arg7[%dma_wait3A_625, %dma_wait3A_632] : memref<80x128xi32, #tpu.memory_space<vmem>> -> memref<1x128xi32, #tpu.memory_space<vmem>>
      %dma_wait3A_634 = tpu.memref_squeeze %dma_wait3A_633 : memref<1x128xi32, #tpu.memory_space<vmem>> -> memref<128xi32, #tpu.memory_space<vmem>>
      %dma_wait3A_635 = arith.constant 0 : i32
      %dma_wait3A_636 = arith.constant 0 : i32
      %dma_wait3A_637 = tpu.memref_slice %arg2[%dma_wait3A_635, %dma_wait3A_636] : memref<10000x128xf32, #tpu.memory_space<hbm>> -> memref<10000x128xf32, #tpu.memory_space<hbm>>
      %dma_wait3A_638 = tpu.memref_slice %arg12[%dma_wait3A_627] : memref<2x!tpu.dma_semaphore, #tpu.memory_space<semaphore_mem>> -> memref<1x!tpu.dma_semaphore, #tpu.memory_space<semaphore_mem>>
      %dma_wait3A_639 = tpu.memref_squeeze %dma_wait3A_638 : memref<1x!tpu.dma_semaphore, #tpu.memory_space<semaphore_mem>> -> memref<!tpu.dma_semaphore, #tpu.memory_space<semaphore_mem>>
      tpu.wait_indirect_dma semaphore(%dma_wait3A_639 : memref<!tpu.dma_semaphore, #tpu.memory_space<semaphore_mem>>) src(%dma_wait3A_637 : memref<10000x128xf32, #tpu.memory_space<hbm>>) dst(%dma_wait3A_631 : memref<128x128xf32, #tpu.memory_space<vmem>>)
      %ge3A_640 = arith.constant 1 : i32
      %ge3A_641 = arith.cmpi sge, %add3A_624, %ge3A_640 : i32
      %convert_element_type3A_642 = arith.extui %ge3A_641 : i1 to i32
      %cond3A_643 = arith.constant 0 : i32
      %cond3A_644 = arith.cmpi ne, %convert_element_type3A_642, %cond3A_643 : i32
      scf.if %cond3A_644 {
        %dma_wait3A_682 = arith.constant 0 : i32
        %dma_wait3A_683 = arith.constant 0 : i32
        %dma_wait3A_684 = arith.constant 0 : i32
        %dma_wait3A_685 = arith.constant 0 : i32
        %dma_wait3A_686 = arith.constant 0 : i32
        %dma_wait3A_687 = tpu.memref_slice %arg9[%dma_wait3A_682, %dma_wait3A_685, %dma_wait3A_686] : memref<2x128x128xf32, #tpu.memory_space<vmem>> -> memref<1x128x128xf32, #tpu.memory_space<vmem>>
        %dma_wait3A_688 = tpu.memref_squeeze %dma_wait3A_687 : memref<1x128x128xf32, #tpu.memory_space<vmem>> -> memref<128x128xf32, #tpu.memory_space<vmem>>
        %dma_wait3A_689 = arith.constant 0 : i32
        %dma_wait3A_690 = tpu.memref_slice %arg8[%dma_wait3A_683, %dma_wait3A_689] : memref<8x128xi32, #tpu.memory_space<vmem>> -> memref<1x128xi32, #tpu.memory_space<vmem>>
        %dma_wait3A_691 = tpu.memref_squeeze %dma_wait3A_690 : memref<1x128xi32, #tpu.memory_space<vmem>> -> memref<128xi32, #tpu.memory_space<vmem>>
        %dma_wait3A_692 = arith.constant 0 : i32
        %dma_wait3A_693 = arith.constant 0 : i32
        %dma_wait3A_694 = tpu.memref_slice %arg10[%dma_wait3A_692, %dma_wait3A_693] : memref<10240x128xf32, #tpu.memory_space<vmem_shared>> -> memref<10240x128xf32, #tpu.memory_space<vmem_shared>>
        %dma_wait3A_695 = tpu.memref_slice %arg13[%dma_wait3A_684] : memref<2x!tpu.dma_semaphore, #tpu.memory_space<semaphore_mem>> -> memref<1x!tpu.dma_semaphore, #tpu.memory_space<semaphore_mem>>
        %dma_wait3A_696 = tpu.memref_squeeze %dma_wait3A_695 : memref<1x!tpu.dma_semaphore, #tpu.memory_space<semaphore_mem>> -> memref<!tpu.dma_semaphore, #tpu.memory_space<semaphore_mem>>
        tpu.wait_indirect_dma semaphore(%dma_wait3A_696 : memref<!tpu.dma_semaphore, #tpu.memory_space<semaphore_mem>>) src(%dma_wait3A_688 : memref<128x128xf32, #tpu.memory_space<vmem>>) dst(%dma_wait3A_694 : memref<10240x128xf32, #tpu.memory_space<vmem_shared>>)
        %add3A_697 = arith.constant 8 : i32
        %add3A_698 = arith.addi %add3A_624, %add3A_697 : i32
        %sub3A = arith.constant 1 : i32
        %sub3A_699 = arith.subi %add3A_698, %sub3A : i32
        %lt3A_700 = arith.constant 80 : i32
        %lt3A_701 = arith.cmpi slt, %sub3A_699, %lt3A_700 : i32
        %convert_element_type3A_702 = arith.extui %lt3A_701 : i1 to i32
        %cond3A_703 = arith.constant 0 : i32
        %cond3A_704 = arith.cmpi ne, %convert_element_type3A_702, %cond3A_703 : i32
        scf.if %cond3A_704 {
          %mul3A_705 = arith.constant 80 : i32
          %mul3A_706 = arith.muli %add3A, %mul3A_705 : i32
          %add3A_707 = arith.addi %mul3A_706, %sub3A_699 : i32
          %dma_start3A_708 = arith.constant 6 : i32
          %dma_start3A_709 = arith.constant 6 : i32
          %dma_start3A_710 = arith.constant 0 : i32
          %dma_start3A_711 = tpu.memref_slice %arg8[%dma_start3A_709, %dma_start3A_710] : memref<8x128xi32, #tpu.memory_space<vmem>> -> memref<1x128xi32, #tpu.memory_space<vmem>>
          %dma_start3A_712 = arith.constant 0 : i32
          %dma_start3A_713 = tpu.memref_slice %arg4[%add3A_707, %dma_start3A_712] : memref<2560x128xi32, #tpu.memory_space<hbm>> -> memref<1x128xi32, #tpu.memory_space<hbm>>
          %dma_start3A_714 = tpu.memref_slice %arg11[%dma_start3A_708] : memref<8x!tpu.dma_semaphore, #tpu.memory_space<semaphore_mem>> -> memref<1x!tpu.dma_semaphore, #tpu.memory_space<semaphore_mem>>
          %dma_start3A_715 = tpu.memref_squeeze %dma_start3A_714 : memref<1x!tpu.dma_semaphore, #tpu.memory_space<semaphore_mem>> -> memref<!tpu.dma_semaphore, #tpu.memory_space<semaphore_mem>>
          %dma_start3A_716 = arith.constant 6 : i32
          %dma_start3A_717 = arith.constant 0 : i32
          %dma_start3A_718 = tpu.memref_slice %arg8[%dma_start3A_716, %dma_start3A_717] : memref<8x128xi32, #tpu.memory_space<vmem>> -> memref<1x128xi32, #tpu.memory_space<vmem>>
          %dma_start3A_719 = arith.constant 0 : i32
          %dma_start3A_720 = tpu.memref_slice %arg4[%add3A_707, %dma_start3A_719] : memref<2560x128xi32, #tpu.memory_space<hbm>> -> memref<1x128xi32, #tpu.memory_space<hbm>>
          tpu.enqueue_dma source(%dma_start3A_720 : memref<1x128xi32, #tpu.memory_space<hbm>>) target(%dma_start3A_718 : memref<1x128xi32, #tpu.memory_space<vmem>>) target_semaphore(%dma_start3A_715 : memref<!tpu.dma_semaphore, #tpu.memory_space<semaphore_mem>>)
        } else {
        }
      } else {
      }
      %add3A_645 = arith.constant 1 : i32
      %add3A_646 = arith.addi %add3A_624, %add3A_645 : i32
      %lt3A_647 = arith.constant 80 : i32
      %lt3A_648 = arith.cmpi slt, %add3A_646, %lt3A_647 : i32
      %convert_element_type3A_649 = arith.extui %lt3A_648 : i1 to i32
      %cond3A_650 = arith.constant 0 : i32
      %cond3A_651 = arith.cmpi ne, %convert_element_type3A_649, %cond3A_650 : i32
      scf.if %cond3A_651 {
        %add3A_682 = arith.constant 1 : i32
        %add3A_683 = arith.addi %add3A_624, %add3A_682 : i32
        %dma_start3A_684 = arith.constant 0 : i32
        %dma_start3A_685 = arith.constant 0 : i32
        %dma_start3A_686 = arith.constant 0 : i32
        %dma_start3A_687 = arith.constant 0 : i32
        %dma_start3A_688 = tpu.memref_slice %arg9[%dma_start3A_684, %dma_start3A_686, %dma_start3A_687] : memref<2x128x128xf32, #tpu.memory_space<vmem>> -> memref<1x128x128xf32, #tpu.memory_space<vmem>>
        %dma_start3A_689 = tpu.memref_squeeze %dma_start3A_688 : memref<1x128x128xf32, #tpu.memory_space<vmem>> -> memref<128x128xf32, #tpu.memory_space<vmem>>
        %dma_start3A_690 = arith.constant 0 : i32
        %dma_start3A_691 = tpu.memref_slice %arg7[%add3A_683, %dma_start3A_690] : memref<80x128xi32, #tpu.memory_space<vmem>> -> memref<1x128xi32, #tpu.memory_space<vmem>>
        %dma_start3A_692 = tpu.memref_squeeze %dma_start3A_691 : memref<1x128xi32, #tpu.memory_space<vmem>> -> memref<128xi32, #tpu.memory_space<vmem>>
        %dma_start3A_693 = arith.constant 0 : i32
        %dma_start3A_694 = arith.constant 0 : i32
        %dma_start3A_695 = tpu.memref_slice %arg2[%dma_start3A_693, %dma_start3A_694] : memref<10000x128xf32, #tpu.memory_space<hbm>> -> memref<10000x128xf32, #tpu.memory_space<hbm>>
        %dma_start3A_696 = tpu.memref_slice %arg12[%dma_start3A_685] : memref<2x!tpu.dma_semaphore, #tpu.memory_space<semaphore_mem>> -> memref<1x!tpu.dma_semaphore, #tpu.memory_space<semaphore_mem>>
        %dma_start3A_697 = tpu.memref_squeeze %dma_start3A_696 : memref<1x!tpu.dma_semaphore, #tpu.memory_space<semaphore_mem>> -> memref<!tpu.dma_semaphore, #tpu.memory_space<semaphore_mem>>
        tpu.enqueue_indirect_dma source(%dma_start3A_695 : memref<10000x128xf32, #tpu.memory_space<hbm>>) target(%dma_start3A_689 : memref<128x128xf32, #tpu.memory_space<vmem>>) offsets(%dma_start3A_692 : memref<128xi32, #tpu.memory_space<vmem>>) semaphore(%dma_start3A_697 : memref<!tpu.dma_semaphore, #tpu.memory_space<semaphore_mem>>)
      } else {
      }
      %dma_wait3A_652 = arith.constant 7 : i32
      %dma_wait3A_653 = arith.constant 7 : i32
      %dma_wait3A_654 = arith.constant 0 : i32
      %dma_wait3A_655 = tpu.memref_slice %arg8[%dma_wait3A_653, %dma_wait3A_654] : memref<8x128xi32, #tpu.memory_space<vmem>> -> memref<1x128xi32, #tpu.memory_space<vmem>>
      %dma_wait3A_656 = arith.constant 0 : i32
      %dma_wait3A_657 = arith.constant 0 : i32
      %dma_wait3A_658 = tpu.memref_slice %arg4[%dma_wait3A_656, %dma_wait3A_657] : memref<2560x128xi32, #tpu.memory_space<hbm>> -> memref<1x128xi32, #tpu.memory_space<hbm>>
      %dma_wait3A_659 = tpu.memref_slice %arg11[%dma_wait3A_652] : memref<8x!tpu.dma_semaphore, #tpu.memory_space<semaphore_mem>> -> memref<1x!tpu.dma_semaphore, #tpu.memory_space<semaphore_mem>>
      %dma_wait3A_660 = tpu.memref_squeeze %dma_wait3A_659 : memref<1x!tpu.dma_semaphore, #tpu.memory_space<semaphore_mem>> -> memref<!tpu.dma_semaphore, #tpu.memory_space<semaphore_mem>>
      %dma_wait3A_661 = arith.constant 7 : i32
      %dma_wait3A_662 = arith.constant 0 : i32
      %dma_wait3A_663 = tpu.memref_slice %arg8[%dma_wait3A_661, %dma_wait3A_662] : memref<8x128xi32, #tpu.memory_space<vmem>> -> memref<1x128xi32, #tpu.memory_space<vmem>>
      %dma_wait3A_664 = arith.constant 0 : i32
      %dma_wait3A_665 = arith.constant 0 : i32
      %dma_wait3A_666 = tpu.memref_slice %arg4[%dma_wait3A_664, %dma_wait3A_665] : memref<2560x128xi32, #tpu.memory_space<hbm>> -> memref<1x128xi32, #tpu.memory_space<hbm>>
      tpu.wait_dma2 semaphore(%dma_wait3A_660 : memref<!tpu.dma_semaphore, #tpu.memory_space<semaphore_mem>>) src(%dma_wait3A_666 : memref<1x128xi32, #tpu.memory_space<hbm>>) dst(%dma_wait3A_663 : memref<1x128xi32, #tpu.memory_space<vmem>>)
      %dma_start3A_667 = arith.constant 1 : i32
      %dma_start3A_668 = arith.constant 7 : i32
      %dma_start3A_669 = arith.constant 1 : i32
      %dma_start3A_670 = arith.constant 0 : i32
      %dma_start3A_671 = arith.constant 0 : i32
      %dma_start3A_672 = tpu.memref_slice %arg9[%dma_start3A_667, %dma_start3A_670, %dma_start3A_671] : memref<2x128x128xf32, #tpu.memory_space<vmem>> -> memref<1x128x128xf32, #tpu.memory_space<vmem>>
      %dma_start3A_673 = tpu.memref_squeeze %dma_start3A_672 : memref<1x128x128xf32, #tpu.memory_space<vmem>> -> memref<128x128xf32, #tpu.memory_space<vmem>>
      %dma_start3A_674 = arith.constant 0 : i32
      %dma_start3A_675 = tpu.memref_slice %arg8[%dma_start3A_668, %dma_start3A_674] : memref<8x128xi32, #tpu.memory_space<vmem>> -> memref<1x128xi32, #tpu.memory_space<vmem>>
      %dma_start3A_676 = tpu.memref_squeeze %dma_start3A_675 : memref<1x128xi32, #tpu.memory_space<vmem>> -> memref<128xi32, #tpu.memory_space<vmem>>
      %dma_start3A_677 = arith.constant 0 : i32
      %dma_start3A_678 = arith.constant 0 : i32
      %dma_start3A_679 = tpu.memref_slice %arg10[%dma_start3A_677, %dma_start3A_678] : memref<10240x128xf32, #tpu.memory_space<vmem_shared>> -> memref<10240x128xf32, #tpu.memory_space<vmem_shared>>
      %dma_start3A_680 = tpu.memref_slice %arg13[%dma_start3A_669] : memref<2x!tpu.dma_semaphore, #tpu.memory_space<semaphore_mem>> -> memref<1x!tpu.dma_semaphore, #tpu.memory_space<semaphore_mem>>
      %dma_start3A_681 = tpu.memref_squeeze %dma_start3A_680 : memref<1x!tpu.dma_semaphore, #tpu.memory_space<semaphore_mem>> -> memref<!tpu.dma_semaphore, #tpu.memory_space<semaphore_mem>>
      tpu.enqueue_indirect_dma source(%dma_start3A_673 : memref<128x128xf32, #tpu.memory_space<vmem>>) target(%dma_start3A_679 : memref<10240x128xf32, #tpu.memory_space<vmem_shared>>) offsets(%dma_start3A_676 : memref<128xi32, #tpu.memory_space<vmem>>) semaphore(%dma_start3A_681 : memref<!tpu.dma_semaphore, #tpu.memory_space<semaphore_mem>>) {add = true}
    }
    %scan3A_177 = arith.constant 10 : i32
    %dma_wait3A = arith.constant 1 : i32
    %dma_wait3A_178 = arith.constant 0 : i32
    %dma_wait3A_179 = arith.constant 1 : i32
    %dma_wait3A_180 = arith.constant 0 : i32
    %dma_wait3A_181 = arith.constant 0 : i32
    %dma_wait3A_182 = tpu.memref_slice %arg9[%dma_wait3A, %dma_wait3A_180, %dma_wait3A_181] : memref<2x128x128xf32, #tpu.memory_space<vmem>> -> memref<1x128x128xf32, #tpu.memory_space<vmem>>
    %dma_wait3A_183 = tpu.memref_squeeze %dma_wait3A_182 : memref<1x128x128xf32, #tpu.memory_space<vmem>> -> memref<128x128xf32, #tpu.memory_space<vmem>>
    %dma_wait3A_184 = arith.constant 0 : i32
    %dma_wait3A_185 = tpu.memref_slice %arg8[%dma_wait3A_178, %dma_wait3A_184] : memref<8x128xi32, #tpu.memory_space<vmem>> -> memref<1x128xi32, #tpu.memory_space<vmem>>
    %dma_wait3A_186 = tpu.memref_squeeze %dma_wait3A_185 : memref<1x128xi32, #tpu.memory_space<vmem>> -> memref<128xi32, #tpu.memory_space<vmem>>
    %dma_wait3A_187 = arith.constant 0 : i32
    %dma_wait3A_188 = arith.constant 0 : i32
    %dma_wait3A_189 = tpu.memref_slice %arg10[%dma_wait3A_187, %dma_wait3A_188] : memref<10240x128xf32, #tpu.memory_space<vmem_shared>> -> memref<10240x128xf32, #tpu.memory_space<vmem_shared>>
    %dma_wait3A_190 = tpu.memref_slice %arg13[%dma_wait3A_179] : memref<2x!tpu.dma_semaphore, #tpu.memory_space<semaphore_mem>> -> memref<1x!tpu.dma_semaphore, #tpu.memory_space<semaphore_mem>>
    %dma_wait3A_191 = tpu.memref_squeeze %dma_wait3A_190 : memref<1x!tpu.dma_semaphore, #tpu.memory_space<semaphore_mem>> -> memref<!tpu.dma_semaphore, #tpu.memory_space<semaphore_mem>>
    tpu.wait_indirect_dma semaphore(%dma_wait3A_191 : memref<!tpu.dma_semaphore, #tpu.memory_space<semaphore_mem>>) src(%dma_wait3A_183 : memref<128x128xf32, #tpu.memory_space<vmem>>) dst(%dma_wait3A_189 : memref<10240x128xf32, #tpu.memory_space<vmem_shared>>)
    %barrier3A_192 = arith.constant 0 : index
    tpu.barrier barrier_id(%barrier3A_192)
    %mul3A_193 = arith.constant 640 : i32
    %mul3A_194 = arith.muli %arg1, %mul3A_193 : i32
    %mul3A_195 = arith.constant 640 : i32
    %mul3A_196 = arith.muli %arg1, %mul3A_195 : i32
    "tpu.region"() ({
      %run_scoped3A = tpu.sem_alloc : memref<!tpu.dma_semaphore, #tpu.memory_space<semaphore_mem>>
      %dma_start3A_197 = arith.constant 0 : i32
      %dma_start3A_198 = tpu.memref_slice %arg6[%arg0, %mul3A_196, %dma_start3A_197] : memref<2x10240x128xf32, #tpu.memory_space<hbm>> -> memref<1x640x128xf32, #tpu.memory_space<hbm>>
      %dma_start3A_199 = tpu.memref_squeeze %dma_start3A_198 : memref<1x640x128xf32, #tpu.memory_space<hbm>> -> memref<640x128xf32, #tpu.memory_space<hbm>>
      %dma_start3A_200 = arith.constant 0 : i32
      %dma_start3A_201 = tpu.memref_slice %arg10[%mul3A_194, %dma_start3A_200] : memref<10240x128xf32, #tpu.memory_space<vmem_shared>> -> memref<640x128xf32, #tpu.memory_space<vmem_shared>>
      tpu.enqueue_dma source(%dma_start3A_201 : memref<640x128xf32, #tpu.memory_space<vmem_shared>>) target(%dma_start3A_199 : memref<640x128xf32, #tpu.memory_space<hbm>>) target_semaphore(%run_scoped3A : memref<!tpu.dma_semaphore, #tpu.memory_space<semaphore_mem>>)
      %dma_wait3A_202 = arith.constant 0 : i32
      %dma_wait3A_203 = tpu.memref_slice %arg6[%arg0, %mul3A_196, %dma_wait3A_202] : memref<2x10240x128xf32, #tpu.memory_space<hbm>> -> memref<1x640x128xf32, #tpu.memory_space<hbm>>
      %dma_wait3A_204 = tpu.memref_squeeze %dma_wait3A_203 : memref<1x640x128xf32, #tpu.memory_space<hbm>> -> memref<640x128xf32, #tpu.memory_space<hbm>>
      %dma_wait3A_205 = arith.constant 0 : i32
      %dma_wait3A_206 = tpu.memref_slice %arg10[%mul3A_194, %dma_wait3A_205] : memref<10240x128xf32, #tpu.memory_space<vmem_shared>> -> memref<640x128xf32, #tpu.memory_space<vmem_shared>>
      tpu.wait_dma2 semaphore(%run_scoped3A : memref<!tpu.dma_semaphore, #tpu.memory_space<semaphore_mem>>) src(%dma_wait3A_206 : memref<640x128xf32, #tpu.memory_space<vmem_shared>>) dst(%dma_wait3A_204 : memref<640x128xf32, #tpu.memory_space<hbm>>)
      tpu.yield
    }) : () -> ()
    return
  }
}

module attributes {stable_mosaic.version = 14 : i64} {
  func.func @_hprime_body(%arg0: memref<10000x128xf32, #tpu.memory_space<vmem>>, %arg1: memref<128x128xf32, #tpu.memory_space<vmem>>, %arg2: memref<2x10240x128xf32, #tpu.memory_space<vmem>>, %arg3: memref<10000x128xf32, #tpu.memory_space<vmem>>) attributes {dimension_semantics = [], scalar_prefetch = 0 : i64, scratch_operands = 0 : i64, tpu.core_type = #tpu.core_type<tc>} {
    %get3A = arith.constant 0 : index
    %get3A_0 = arith.constant 0 : index
    %get3A_1 = arith.constant 0 : index
    %get3A_2 = vector.load %arg2[%get3A, %get3A_0, %get3A_1] : memref<2x10240x128xf32, #tpu.memory_space<vmem>>, vector<1x10000x1xf32>
    %get3A_3 = vector.shape_cast %get3A_2 : vector<1x10000x1xf32> to vector<10000x1xf32>
    %get3A_4 = arith.constant 1 : index
    %get3A_5 = arith.constant 0 : index
    %get3A_6 = arith.constant 0 : index
    %get3A_7 = vector.load %arg2[%get3A_4, %get3A_5, %get3A_6] : memref<2x10240x128xf32, #tpu.memory_space<vmem>>, vector<1x10000x1xf32>
    %get3A_8 = vector.shape_cast %get3A_7 : vector<1x10000x1xf32> to vector<10000x1xf32>
    %add3A = arith.addf %get3A_3, %get3A_8 : vector<10000x1xf32>
    %add3A_9 = arith.constant 1.000000e+00 : f32
    %add3A_10 = vector.broadcast %add3A_9 : f32 to vector<10000x1xf32>
    %add3A_11 = arith.addf %add3A, %add3A_10 : vector<10000x1xf32>
    %rsqrt3A = math.rsqrt %add3A_11 : vector<10000x1xf32>
    %get3A_12 = arith.constant 0 : index
    %get3A_13 = arith.constant 0 : index
    %get3A_14 = vector.load %arg0[%get3A_12, %get3A_13] : memref<10000x128xf32, #tpu.memory_space<vmem>>, vector<10000x128xf32>
    %get3A_15 = arith.constant 0 : index
    %get3A_16 = arith.constant 0 : index
    %get3A_17 = vector.load %arg1[%get3A_15, %get3A_16] : memref<128x128xf32, #tpu.memory_space<vmem>>, vector<128x128xf32>
    %dot_general3A = arith.constant dense<0.000000e+00> : vector<10000x128xf32>
    %dot_general3A_18 = tpu.matmul %get3A_14, %get3A_17, %dot_general3A {dimension_numbers = #tpu.dot_dimension_numbers<[1], [0], [0], [1], [0, 0, 1, 1], [], []>, transpose_lhs_hint = false} : vector<10000x128xf32>, vector<128x128xf32>, vector<10000x128xf32> -> vector<10000x128xf32>
    %mul3A = vector.broadcast %rsqrt3A : vector<10000x1xf32> to vector<10000x128xf32>
    %mul3A_19 = arith.mulf %dot_general3A_18, %mul3A : vector<10000x128xf32>
    %swap3A = arith.constant 0 : index
    %swap3A_20 = arith.constant 0 : index
    %swap3A_21 = vector.load %arg3[%swap3A, %swap3A_20] : memref<10000x128xf32, #tpu.memory_space<vmem>>, vector<10000x128xf32>
    tpu.vector_store %arg3[%swap3A, %swap3A_20], %mul3A_19 {strides = array<i32>} : memref<10000x128xf32, #tpu.memory_space<vmem>>, vector<10000x128xf32>,
    return
  }
}

module attributes {stable_mosaic.version = 14 : i64} {
  func.func @_final_body(%arg0: memref<10000x128xf32, #tpu.memory_space<vmem>>, %arg1: memref<2x10240x128xf32, #tpu.memory_space<vmem>>, %arg2: memref<10000x128xf32, #tpu.memory_space<vmem>>, %arg3: memref<2x10240x128xf32, #tpu.memory_space<vmem>>, %arg4: memref<1x128xf32, #tpu.memory_space<vmem>>, %arg5: memref<1x128xf32, #tpu.memory_space<vmem>>, %arg6: memref<1x128xf32, #tpu.memory_space<vmem>>, %arg7: memref<10000x128xf32, #tpu.memory_space<vmem>>) attributes {dimension_semantics = [], scalar_prefetch = 0 : i64, scratch_operands = 0 : i64, tpu.core_type = #tpu.core_type<tc>} {
    %get3A = arith.constant 0 : index
    %get3A_0 = arith.constant 0 : index
    %get3A_1 = arith.constant 0 : index
    %get3A_2 = vector.load %arg3[%get3A, %get3A_0, %get3A_1] : memref<2x10240x128xf32, #tpu.memory_space<vmem>>, vector<1x10000x1xf32>
    %get3A_3 = vector.shape_cast %get3A_2 : vector<1x10000x1xf32> to vector<10000x1xf32>
    %get3A_4 = arith.constant 1 : index
    %get3A_5 = arith.constant 0 : index
    %get3A_6 = arith.constant 0 : index
    %get3A_7 = vector.load %arg3[%get3A_4, %get3A_5, %get3A_6] : memref<2x10240x128xf32, #tpu.memory_space<vmem>>, vector<1x10000x1xf32>
    %get3A_8 = vector.shape_cast %get3A_7 : vector<1x10000x1xf32> to vector<10000x1xf32>
    %add3A = arith.addf %get3A_3, %get3A_8 : vector<10000x1xf32>
    %add3A_9 = arith.constant 1.000000e+00 : f32
    %add3A_10 = vector.broadcast %add3A_9 : f32 to vector<10000x1xf32>
    %add3A_11 = arith.addf %add3A, %add3A_10 : vector<10000x1xf32>
    %rsqrt3A = math.rsqrt %add3A_11 : vector<10000x1xf32>
    %get3A_12 = arith.constant 0 : index
    %get3A_13 = arith.constant 0 : index
    %get3A_14 = arith.constant 0 : index
    %get3A_15 = vector.load %arg1[%get3A_12, %get3A_13, %get3A_14] : memref<2x10240x128xf32, #tpu.memory_space<vmem>>, vector<1x10000x128xf32>
    %get3A_16 = vector.shape_cast %get3A_15 : vector<1x10000x128xf32> to vector<10000x128xf32>
    %get3A_17 = arith.constant 1 : index
    %get3A_18 = arith.constant 0 : index
    %get3A_19 = arith.constant 0 : index
    %get3A_20 = vector.load %arg1[%get3A_17, %get3A_18, %get3A_19] : memref<2x10240x128xf32, #tpu.memory_space<vmem>>, vector<1x10000x128xf32>
    %get3A_21 = vector.shape_cast %get3A_20 : vector<1x10000x128xf32> to vector<10000x128xf32>
    %add3A_22 = arith.addf %get3A_16, %get3A_21 : vector<10000x128xf32>
    %get3A_23 = arith.constant 0 : index
    %get3A_24 = arith.constant 0 : index
    %get3A_25 = vector.load %arg0[%get3A_23, %get3A_24] : memref<10000x128xf32, #tpu.memory_space<vmem>>, vector<10000x128xf32>
    %get3A_26 = arith.constant 0 : index
    %get3A_27 = arith.constant 0 : index
    %get3A_28 = vector.load %arg2[%get3A_26, %get3A_27] : memref<10000x128xf32, #tpu.memory_space<vmem>>, vector<10000x128xf32>
    %add3A_29 = arith.addf %add3A_22, %get3A_28 : vector<10000x128xf32>
    %mul3A = vector.broadcast %rsqrt3A : vector<10000x1xf32> to vector<10000x128xf32>
    %mul3A_30 = arith.mulf %mul3A, %add3A_29 : vector<10000x128xf32>
    %add3A_31 = arith.addf %get3A_25, %mul3A_30 : vector<10000x128xf32>
    %get3A_32 = arith.constant 0 : index
    %get3A_33 = arith.constant 0 : index
    %get3A_34 = vector.load %arg4[%get3A_32, %get3A_33] : memref<1x128xf32, #tpu.memory_space<vmem>>, vector<1x128xf32>
    %add3A_35 = vector.broadcast %get3A_34 : vector<1x128xf32> to vector<10000x128xf32>
    %add3A_36 = arith.addf %add3A_31, %add3A_35 : vector<10000x128xf32>
    %reduce_sum3A = arith.constant dense<0.000000e+00> : vector<128xf32>
    %reduce_sum3A_37 = vector.multi_reduction <add>, %add3A_36, %reduce_sum3A [0] : vector<10000x128xf32> to vector<128xf32>
    %broadcast_in_dim3A = vector.shape_cast %reduce_sum3A_37 : vector<128xf32> to vector<1x128xf32>
    %div3A = arith.constant 1.000000e+04 : f32
    %div3A_38 = vector.broadcast %div3A : f32 to vector<1x128xf32>
    %div3A_39 = arith.divf %broadcast_in_dim3A, %div3A_38 : vector<1x128xf32>
    %sub3A = vector.broadcast %div3A_39 : vector<1x128xf32> to vector<10000x128xf32>
    %sub3A_40 = arith.subf %add3A_36, %sub3A : vector<10000x128xf32>
    %mul3A_41 = arith.mulf %sub3A_40, %sub3A_40 : vector<10000x128xf32>
    %reduce_sum3A_42 = arith.constant dense<0.000000e+00> : vector<128xf32>
    %reduce_sum3A_43 = vector.multi_reduction <add>, %mul3A_41, %reduce_sum3A_42 [0] : vector<10000x128xf32> to vector<128xf32>
    %broadcast_in_dim3A_44 = vector.shape_cast %reduce_sum3A_43 : vector<128xf32> to vector<1x128xf32>
    %div3A_45 = arith.constant 1.000000e+04 : f32
    %div3A_46 = vector.broadcast %div3A_45 : f32 to vector<1x128xf32>
    %div3A_47 = arith.divf %broadcast_in_dim3A_44, %div3A_46 : vector<1x128xf32>
    %add3A_48 = arith.constant 9.99999974E-6 : f32
    %add3A_49 = vector.broadcast %add3A_48 : f32 to vector<1x128xf32>
    %add3A_50 = arith.addf %div3A_47, %add3A_49 : vector<1x128xf32>
    %rsqrt3A_51 = math.rsqrt %add3A_50 : vector<1x128xf32>
    %mul3A_52 = vector.broadcast %rsqrt3A_51 : vector<1x128xf32> to vector<10000x128xf32>
    %mul3A_53 = arith.mulf %sub3A_40, %mul3A_52 : vector<10000x128xf32>
    %get3A_54 = arith.constant 0 : index
    %get3A_55 = arith.constant 0 : index
    %get3A_56 = vector.load %arg5[%get3A_54, %get3A_55] : memref<1x128xf32, #tpu.memory_space<vmem>>, vector<1x128xf32>
    %mul3A_57 = vector.broadcast %get3A_56 : vector<1x128xf32> to vector<10000x128xf32>
    %mul3A_58 = arith.mulf %mul3A_53, %mul3A_57 : vector<10000x128xf32>
    %get3A_59 = arith.constant 0 : index
    %get3A_60 = arith.constant 0 : index
    %get3A_61 = vector.load %arg6[%get3A_59, %get3A_60] : memref<1x128xf32, #tpu.memory_space<vmem>>, vector<1x128xf32>
    %add3A_62 = vector.broadcast %get3A_61 : vector<1x128xf32> to vector<10000x128xf32>
    %add3A_63 = arith.addf %mul3A_58, %add3A_62 : vector<10000x128xf32>
    %max3A = arith.constant 0.000000e+00 : f32
    %max3A_64 = vector.broadcast %max3A : f32 to vector<10000x128xf32>
    %max3A_65 = arith.maximumf %add3A_63, %max3A_64 : vector<10000x128xf32>
    %swap3A = arith.constant 0 : index
    %swap3A_66 = arith.constant 0 : index
    %swap3A_67 = vector.load %arg7[%swap3A, %swap3A_66] : memref<10000x128xf32, #tpu.memory_space<vmem>>, vector<10000x128xf32>
    tpu.vector_store %arg7[%swap3A, %swap3A_66], %max3A_65 {strides = array<i32>} : memref<10000x128xf32, #tpu.memory_space<vmem>>, vector<10000x128xf32>,
    return
  }
}

</mosaic_0001>

<sc_bundles>
// kernel: kernel.6.cloned.1.call-start
scs
__scs_entry_jumppad:
0x0: {  	(pc) =	sbr.rel $0x88, $3  }
0x1: {  	(tag) =	ssettag $0x0;
	lr =	simm.s32 $0x1  }
0x2: {  	[smem:$0x3F9A] =	sst lr;
	_ =	strace $0xD0000000  }
0x3: {  	_ = 	snop  }
0x4: {  	_ = 	snop  }
0x5: {  	_ = 	snop  }
0x6: {  	_ = 	snop  }
0x7: {  	_ = 	snop  }
__scs_overlays_trampoline_lowered:
0x8: {  	[smem:$0x3FA9] =	sst s0  }
0x9: {  	[smem:$0x3FAA] =	sst s1  }
0xa: {  	[smem:$0x3FAB] =	sst s2  }
0xb: {  	[smem:$0x3FAC] =	sst s3  }
0xc: {  	[smem:$0x3FAD] =	sst s4  }
0xd: {  	[smem:$0x3FAE] =	sst s5  }
0xe: {  	[smem:$0x3FAF] =	sst s6  }
0xf: {  	[smem:$0x3FB0] =	sst s7  }
0x10: {  	[smem:$0x3FB1] =	sst s8  }
0x11: {  	[smem:$0x3FB2] =	sst s9;
	s0 =	simm.s32 @!p0 $0x0  }
0x12: {  	s1 =	sld [smem:$0x3F98];
	s0 =	simm.s32 @p0 $0x1  }
0x13: {  	[smem:$0x3FB3] =	sst s0;
	s0 =	simm.s32 @!p1 $0x0  }
0x14: {  	s2 =	sld [smem:$0x3F97];
	s0 =	simm.s32 @p1 $0x1  }
0x15: {  	[smem:$0x3FB4] =	sst s0;
	s0 =	simm.s32 @!p2 $0x0  }
0x16: {  	s3 =	sld [smem:$0x3FDB];
	s0 =	simm.s32 @p2 $0x1  }
0x17: {  	s4 =	simm.s32 $0x1BF5;
	[smem:$0x3FB6] =	sst s0  }
0x18: {  	s0 =	sld [smem:$0x3F99];
	_ =	swait.ge [sflag:s4], $0x0  }
0x19: {  	s7 =	sld [smem:$0x3F9A]  }
0x1a: {  	s8 =	sadd.s32 $0xFFFFE003, lr  }
0x1b: {  	s9 =	sadd.s32 $0xFFFFFEF7, lr;
	s5 =	simm.s32 $0xFFFFFFFF;
	p2 =	slt.u32 s8, $0xFFFFF086  }
0x1c: {  	p1 =	slt.u32 s9, $0xF7A;
	s5 =	simm.s32 @!p2 $0x0  }
0x1d: {  	s5 =	simm.s32 @p1 $0x1;
	p0 =	seq.s32 s7, s2  }
0x1e: {  	s7 =	smul.u32 @!p0 $0xF7A, s2;
	p2 =	seq.s32 @!p0 s5, $0x0  }
0x1f: {  	s9 =	smul.u32 $0xF7A, s1;
	s8 =	simm.s32 @!p0 $0x1BF5;
	p2 =	por !p2, p0  }
0x20: {  	[sflag:s8] =	ssyncset.s32 @!p0 $0xFFFFF086;
	s6 =	sadd.s32 @!p0 s3, s7;
	s7 =	simm.s32 @!p0 $0x108  }
0x21: {  	s3 =	sadd.s32 s3, s9;
	s6 =	sadd.s32 @!p0 $0x88, s6;
	s7 =	simm.s32 @p2 $0x1082  }
0x22: {  	[simem:s7], [sflag:s8] =	dma.local @!p0 [hbm:s6], $0xF7A  }
0x23: {  	s9 =	sor.u32 $0xD0000000, s2;
	s6 =	simm.s32 $0x108;
	_ =	swait.ge @!p0 [sflag:s8], $0x0  }
0x24: {  	s3 =	sadd.s32 $0x88, s3;
	s6 =	simm.s32 @!p1 $0x1082;
	[sflag:s4] =	ssyncset.s32 $0xFFFFF086  }
0x25: {  	[simem:s6], [sflag:s4] =	dma.local [hbm:s3], $0xF7A  }
0x26: {  	[smem:$0x3F9A] =	sst s1;
	(tag) =	ssettag s2;
	_ =	strace s9  }
0x27: {  	s1 =	sld [smem:$0x3FAA]  }
0x28: {  	s2 =	sld [smem:$0x3FAB]  }
0x29: {  	s4 =	sld [smem:$0x3FAD]  }
0x2a: {  	p0 =	seq.s32 s5, $0x0;
	s5 =	sld [smem:$0x3FAE]  }
0x2b: {  	s6 =	sld [smem:$0x3FAF]  }
0x2c: {  	s7 =	sld [smem:$0x3FB0]  }
0x2d: {  	s3 =	simm.s32 $0x108;
	s8 =	sld [smem:$0x3FB1]  }
0x2e: {  	s3 =	simm.s32 @!p0 $0x1082;
	s9 =	sld [smem:$0x3FB2]  }
0x2f: {  	lr =	sadd.s32 s0, s3;
	s0 =	sld [smem:$0x3FA9]  }
0x30: {  	s3 =	sld [smem:$0x3FAC]  }
0x31: {  	[smem:$0x3FB5] =	sst s10  }
0x32: {  	s10 =	sld [smem:$0x3FB3];
	_ =	sdelay $0x3  }
0x33: {  	p0 =	seq.s32 s10, $0x1;
	s10 =	sld [smem:$0x3FB5];
	_ =	sdelay $0x3  }
0x34: {  	[smem:$0x3FB5] =	sst s10  }
0x35: {  	s10 =	sld [smem:$0x3FB4];
	_ =	sdelay $0x3  }
0x36: {  	p1 =	seq.s32 s10, $0x1;
	s10 =	sld [smem:$0x3FB5];
	_ =	sdelay $0x3  }
0x37: {  	[smem:$0x3FB5] =	sst s10  }
0x38: {  	s10 =	sld [smem:$0x3FB6]  }
0x39: {  	_ = 	snop;
	(pc) =	sbr.ind lr, $3  }
0x3a: {  	_ = 	snop  }
0x3b: {  	_ = 	snop  }
0x3c: {  	p2 =	seq.s32 s10, $0x1;
	s10 =	sld [smem:$0x3FB5]  }
0x3d: {  	_ =	shalt  }
0x3e: {  	_ =	shalt  }
0x3f: {  	_ =	shalt  }
0x40: {  	_ =	shalt  }
0x41: {  	_ =	shalt  }
0x42: {  	_ =	shalt  }
0x43: {  	_ =	shalt  }
0x44: {  	_ =	shalt  }
0x45: {  	_ =	shalt  }
0x46: {  	_ =	shalt  }
0x47: {  	_ =	shalt  }
0x48: {  	_ =	shalt  }
0x49: {  	_ =	shalt  }
0x4a: {  	_ =	shalt  }
0x4b: {  	_ =	shalt  }
0x4c: {  	_ =	shalt  }
0x4d: {  	_ =	shalt  }
0x4e: {  	_ =	shalt  }
0x4f: {  	_ =	shalt  }
0x50: {  	_ =	shalt  }
0x51: {  	_ =	shalt  }
0x52: {  	_ =	shalt  }
0x53: {  	_ =	shalt  }
0x54: {  	_ =	shalt  }
0x55: {  	_ =	shalt  }
0x56: {  	_ =	shalt  }
0x57: {  	_ =	shalt  }
0x58: {  	_ =	shalt  }
0x59: {  	_ =	shalt  }
0x5a: {  	_ =	shalt  }
0x5b: {  	_ =	shalt  }
0x5c: {  	_ =	shalt  }
0x5d: {  	_ =	shalt  }
0x5e: {  	_ =	shalt  }
0x5f: {  	_ =	shalt  }
0x60: {  	_ =	shalt  }
0x61: {  	_ =	shalt  }
0x62: {  	_ =	shalt  }
0x63: {  	_ =	shalt  }
0x64: {  	_ =	shalt  }
0x65: {  	_ =	shalt  }
0x66: {  	_ =	shalt  }
0x67: {  	_ =	shalt  }
0x68: {  	_ =	shalt  }
0x69: {  	_ =	shalt  }
0x6a: {  	_ =	shalt  }
0x6b: {  	_ =	shalt  }
0x6c: {  	_ =	shalt  }
0x6d: {  	_ =	shalt  }
0x6e: {  	_ =	shalt  }
0x6f: {  	_ =	shalt  }
0x70: {  	_ =	shalt  }
0x71: {  	_ =	shalt  }
0x72: {  	_ =	shalt  }
0x73: {  	_ =	shalt  }
0x74: {  	_ =	shalt  }
0x75: {  	_ =	shalt  }
0x76: {  	_ =	shalt  }
0x77: {  	_ =	shalt  }
0x78: {  	_ =	shalt  }
0x79: {  	_ =	shalt  }
0x7a: {  	_ =	shalt  }
0x7b: {  	_ =	shalt  }
0x7c: {  	_ =	shalt  }
0x7d: {  	_ =	shalt  }
0x7e: {  	_ =	shalt  }
0x7f: {  	_ =	shalt  }
0x80: {  	_ =	shalt  }
0x81: {  	_ =	shalt  }
0x82: {  	_ =	shalt  }
0x83: {  	_ =	shalt  }
0x84: {  	_ =	shalt  }
0x85: {  	_ =	shalt  }
0x86: {  	_ =	shalt  }
0x87: {  	_ =	shalt  }
.Lfunc_end0:
.L_simem_size_0:
called_computation_lowered:
.L_overlay_start_0:
0x88: {  	s2 =	sld [smem:$0x3FD9]  }
0x89: {  	s3 =	sld [smem:$0x3FFE];
	_ =	sdelay $0x1  }
0x8a: {  	s1 =	srdreg.scid  }
0x8b: {  	s0 =	sand.u32 $0x1, s1  }
0x8c: {  	s17 =	sshll.u32 s0, $0xA;
	s2 =	sadd.s32 s3, s2  }
0x8d: {  	s2 =	sadd.s32 s2, s17  }
0x8e: {  	[smem:$0x3FC1] =	sst s2  }
0x8f: {  	_ = 	snop  }
0x90: {  	s2 =	sld [smem:$0x3FD0];
	(tm) =	ssettm $0x1  }
0x91: {  	s18 =	sld [smem:$0x3FFB];
	_ =	sdelay $0x3  }
0x92: {  	_ =	strace s18  }
0x93: {  	s3 =	sld [smem:$0x3FFC];
	_ =	sdelay $0x3  }
0x94: {  	_ =	strace s3  }
0x95: {  	s3 =	sld [smem:$0x3FFD];
	_ =	sdelay $0x3  }
0x96: {  	_ =	strace s3  }
0x97: {  	_ =	strace $0x8FFFFFFF  }
0x98: {  	s19 =	sld [smem:$0x3FDB];
	_ =	sdelay $0x1  }
0x99: {  	s4 =	simm.s32 $_scs_section_size  }
0x9a: {  	s5 =	simm.s32 $_size__tile_overlayer_lowered;
	s6 =	simm.s32 $_tile_overlayer_lowered  }
0x9b: {  	s22 =	simm.s32 $0x1BFF;
	s21 =	sshll.u32 s6, $0x1;
	s3 =	sadd.s32 s4, s19  }
0x9c: {  	s7 =	simm.s32 $0x0;
	s20 =	sshll.u32 s5, $0x1;
	s5 =	sadd.s32 s21, s3  }
0x9d: {  	[timem:s7], [sflag:s22] =	dma.local [hbm:s5], s20  }
0x9e: {  	_ =	swait.ge [sflag:s22], s20  }
0x9f: {  	s4 =	ssub.s32 $0x0, s20;
	[sflag:s22] =	ssyncset.done $0x0  }
0xa0: {  	[sflag:s22] =	ssyncadd.s32 s4;
	_ =	sdelay $0x1  }
0xa1: {  	s23 =	simm.s32 $0x1B8B  }
0xa2: {  	_ =	swait.ge [sflag:s23], $0x1  }
0xa3: {  	[sflag:s23] =	ssyncset.done $0x0  }
0xa4: {  	s25 =	simm.s32 $0x1B8E;
	s24 =	sld [smem:$0x3FFE];
	[sflag:s23] =	ssyncadd.s32 $0xFFFFFFFF  }
0xa5: {  	s26 =	simm.s32 $execute0_lowered;
	[smem:$0x3FD2] =	sst s25  }
0xa6: {  	s5 =	sshll.u32 s26, $0x1;
	_ =	strace $0x80000046;
	[dreg:$0x1] =	wrdreg $0xFFFFFFFF  }
0xa7: {  	s28 =	simm.s32 $_size_execute0_lowered;
	s3 =	sadd.s32 s3, s5;
	[dreg:$0x0] =	wrdreg $0x0  }
0xa8: {  	s5 =	sshll.u32 s28, $0x1;
	[dreg:$0x2] =	wrdreg s3  }
0xa9: {  	[dreg:$0x3] =	wrdreg s5  }
0xaa: {  	[dreg:$0x4] =	wrdreg $0xC0  }
0xab: {  	_ =	task [dreg:s7], $0x5FFFF  }
0xac: {  	[dreg:$0x1] =	wrdreg $0xFFFFFFFF  }
0xad: {  	[dreg:$0x0] =	wrdreg $0x60  }
0xae: {  	[dreg:$0x2] =	wrdreg s24  }
0xaf: {  	[dreg:$0x3] =	wrdreg s2  }
0xb0: {  	[dreg:$0x4] =	wrdreg $0x68000  }
0xb1: {  	[dreg:$0x5] =	wrdreg $0x9  }
0xb2: {  	_ =	task.clear_ibuf [dreg:s7], $0x6FFFF;
	_ =	strace $0x90000046  }
0xb3: {  	s29 =	simm.s32 $0x9;
	_ =	strace $0x80000048  }
0xb4: {  	_ =	swait.ge [sflag:s29], $0x1  }
0xb5: {  	[sflag:s29] =	ssyncadd.s32 $0xFFFFFFFF  }
0xb6: {  	_ =	strace $0x90000048  }
0xb7: {  	_ =	sfence  }
0xb8: {  	s30 =	sld [smem:$0x0];
	_ =	sdelay $0x2  }
0xb9: {  	s31 =	sshll.u32 s1, $0xD;
	s1 =	sshrl.u32 s1, $0x2  }
0xba: {  	s3 =	sand.u32 $0x4000, s31;
	s1 =	sadd.s32 s1, s30  }
0xbb: {  	s0 =	sor.u32 s3, s0;
	s1 =	sshll.u32 s1, $0x11  }
0xbc: {  	s0 =	sor.u32 s1, s0  }
0xbd: {  	s0 =	sadd.s32 $0x8F2B, s0  }
0xbe: {  	[sflag:s0] =	ssyncadd.remote.s32 $0x1  }
0xbf: {  	_ =	sfence.sel $0xFFFF  }
0xc0: {  	[dreg:$0x0] =	wrdreg $0xFFFFFFFF;
	(pc) =	sbr.abs _section_cstart, $3  }
0xc1: {  	[dreg:$0x1] =	wrdreg $0xFFFFFFFF  }
0xc2: {  	_ =	task.clear_ibuf [dreg:s7], $0x2FFFF;
	_ =	strace $0x9FFFFFFF  }
0xc3: {  	(tm) =	ssettm $0x7FFFFFFF  }
tec
execute0_lowered:
.L_overlay_start_1:
0x0: {  	(tag) =	ssettag $0x1  }
0x1: {  	s6 =	rddreg [dreg:$0x0]  }
0x2: {  	s1 =	srdreg.scid;
	s2 =	rddreg [dreg:$0x1]  }
0x3: {  	s0 =	stileid.u32;
	s3 =	rddreg [dreg:$0x2];
	s4 =	simm.s32 $0x0  }
0x4: {  	s17 =	simm.s32 $0x80;
	s18 =	simm.s32 $0x1;
	s19 =	simm.s32 $0x0  }
0x5: {  	s7 =	sand.u32 $0x1, s1;
	s28 =	sshll.u32 s0, $0x1;
	s9 =	smul.u32 $0x14000, s0  }
0x6: {  	[smem:$0x7FF] =	sst s4;
	s29 =	smul.u32 $0x50000, s0;
	s31 =	sshll.u32 s0, $0x6  }
0x7: {  	s1 =	sor.u32 s7, s28;
	s8 =	smul.u32 $0x140000, s7;
	s7 =	ssub.s32 $0x2, s7  }
0x8: {  	s5 =	smul.u32 $0x500, s1;
	s1 =	rddreg [dreg:$0x3];
	_ =	strace $0x80000047  }
0x9: {  	s30 =	sshrl.u32 s7, $0x1;
	s8 =	sadd.s32 s9, s8;
	s9 =	sshrl.u32 s29, $0x2  }
0xa: {  	s11 =	ssub.s32 s7, s30;
	s10 =	sadd.s32 s5, s6;
	s5 =	sadd.s32 $0xC000, s6  }
0xb: {  	s8 =	sshrl.u32 s8, $0x3;
	s12 =	sadd.s32 s9, s3;
	s9 =	smax.u32 s11, $0x1  }
0xc: {  	s11 =	simm.s32 $0x2;
	s8 =	sadd.s32 s8, s6;
	s6 =	sor.u32 $0x1C02, s31  }
0xd: {  	s13 =	sadd.s32 $0x4000, s12;
	s14 =	sadd.s32 $0x8000, s12;
	s15 =	sadd.s32 $0xC000, s12  }
0xe: {  	s16 =	sadd.s32 $0x10000, s12;
	s7 =	sadd.s32 $0x2000, s10;
	s10 =	sshrl.u32 s12, $0x3  }
0xf: {  	s8 =	sadd.s32 $0xC800, s8;
	s12 =	sshrl.u32 s13, $0x3;
	s13 =	sshrl.u32 s14, $0x3  }
0x10: {  	s14 =	sshrl.u32 s15, $0x3;
	s15 =	sshrl.u32 s16, $0x3;
	s16 =	simm.s32 $0x2800  }
.LBB2_1:
0x11: {  	[spmem:s10], [sflag:s6] =	dma.local [hbm:s5], $0x800  }
0x12: {  	_ =	swait.ge [sflag:s11], $0x800  }
0x13: {  	[sflag:s11] =	ssyncset.done $0x0  }
0x14: {  	[sflag:s11] =	ssyncadd.s32 $0xFFFFF800  }
0x15: {  	[spmem:s12], [sflag:s6] =	dma.local [hbm:s5], $0x800  }
0x16: {  	_ =	swait.ge [sflag:s11], $0x800  }
0x17: {  	[sflag:s11] =	ssyncset.done $0x0  }
0x18: {  	[sflag:s11] =	ssyncadd.s32 $0xFFFFF800  }
0x19: {  	[spmem:s13], [sflag:s6] =	dma.local [hbm:s5], $0x800  }
0x1a: {  	_ =	swait.ge [sflag:s11], $0x800  }
0x1b: {  	[sflag:s11] =	ssyncset.done $0x0  }
0x1c: {  	[sflag:s11] =	ssyncadd.s32 $0xFFFFF800  }
0x1d: {  	[spmem:s14], [sflag:s6] =	dma.local [hbm:s5], $0x800  }
0x1e: {  	_ =	swait.ge [sflag:s11], $0x800  }
0x1f: {  	[sflag:s11] =	ssyncset.done $0x0  }
0x20: {  	[sflag:s11] =	ssyncadd.s32 $0xFFFFF800  }
0x21: {  	[spmem:s15], [sflag:s6] =	dma.local [hbm:s5], $0x800  }
0x22: {  	_ =	swait.ge [sflag:s11], $0x800  }
0x23: {  	[sflag:s11] =	ssyncset.done $0x0  }
0x24: {  	[sflag:s11] =	ssyncadd.s32 $0xFFFFF800  }
0x25: {  	[tilespmem:s16], [sflag:$0x2] =	stream.linear.gather [hbm4b:s2+s4], $0x4000, $0x38;
	[tilespmem:$0x1A800] =	vst v63  }
0x26: {  	_ =	swait.ge [sflag:s11], $0x4000  }
0x27: {  	[sflag:s11] =	ssyncset.done $0x0  }
0x28: {  	[sflag:s11] =	ssyncadd.s32 $0xFFFFC000  }
0x29: {  	[tilespmem:s4], [sflag:$0x2] =	stream.linear.gather [hbm4b:s7+s4], $0x2800, $0x38;
	[tilespmem:$0x1A800] =	vst v63  }
0x2a: {  	_ =	swait.ge [sflag:s11], $0x2800  }
0x2b: {  	[sflag:s11] =	ssyncset.done $0x0  }
0x2c: {  	[sflag:s11] =	ssyncadd.s32 $0xFFFFD800  }
0x2d: {  	p0 =	por $0x1, $0x1;
	s20 =	simm.s32 $0x0;
	[bflag:$0x0] =	sbarrier.arrive $0xFFFF  }
.LBB2_2:
0x2e: {  	s20 =	sshra.s32 s20, $0x2  }
0x2f: {  	[spmem:s3] =	stream.indirect.scatter.add.f32 [tilespmem:s16], [sflag:$0x1], $0x80, s20, s17, $0xb8;
	[tilespmem:$0x1A800] =	vst v63  }
0x30: {  	s21 =	sadd.s32 $0x80, s20  }
0x31: {  	[spmem:s3] =	stream.indirect.scatter.add.f32 [tilespmem:s16], [sflag:$0x1], $0x80, s21, s17, $0xb8;
	[tilespmem:$0x1A800] =	vst v63  }
0x32: {  	s31 =	sadd.s32 $0x100, s20  }
0x33: {  	[spmem:s3] =	stream.indirect.scatter.add.f32 [tilespmem:s16], [sflag:$0x1], $0x80, s31, s17, $0xb8;
	[tilespmem:$0x1A800] =	vst v63  }
0x34: {  	s22 =	sadd.s32 $0x180, s20  }
0x35: {  	[spmem:s3] =	stream.indirect.scatter.add.f32 [tilespmem:s16], [sflag:$0x1], $0x80, s22, s17, $0xb8;
	[tilespmem:$0x1A800] =	vst v63  }
0x36: {  	s23 =	sadd.s32 $0x200, s20  }
0x37: {  	[spmem:s3] =	stream.indirect.scatter.add.f32 [tilespmem:s16], [sflag:$0x1], $0x80, s23, s17, $0xb8;
	[tilespmem:$0x1A800] =	vst v63  }
0x38: {  	s24 =	sadd.s32 $0x280, s20  }
0x39: {  	[spmem:s3] =	stream.indirect.scatter.add.f32 [tilespmem:s16], [sflag:$0x1], $0x80, s24, s17, $0xb8;
	[tilespmem:$0x1A800] =	vst v63  }
0x3a: {  	s25 =	sadd.s32 $0x300, s20  }
0x3b: {  	[spmem:s3] =	stream.indirect.scatter.add.f32 [tilespmem:s16], [sflag:$0x1], $0x80, s25, s17, $0xb8;
	[tilespmem:$0x1A800] =	vst v63  }
0x3c: {  	s26 =	sadd.s32 $0x380, s20  }
0x3d: {  	[spmem:s3] =	stream.indirect.scatter.add.f32 [tilespmem:s16], [sflag:$0x1], $0x80, s26, s17, $0xb8;
	[tilespmem:$0x1A800] =	vst v63  }
0x3e: {  	s28 =	sadd.s32 $0x400, s20  }
0x3f: {  	[spmem:s3] =	stream.indirect.scatter.add.f32 [tilespmem:s16], [sflag:$0x1], $0x80, s28, s17, $0xb8;
	[tilespmem:$0x1A800] =	vst v63  }
0x40: {  	s29 =	sadd.s32 $0x480, s20  }
0x41: {  	[spmem:s3] =	stream.indirect.scatter.add.f32 [tilespmem:s16], [sflag:$0x1], $0x80, s29, s17, $0xb8;
	[tilespmem:$0x1A800] =	vst v63  }
0x42: {  	s30 =	sadd.s32 $0x500, s20  }
0x43: {  	[spmem:s3] =	stream.indirect.scatter.add.f32 [tilespmem:s16], [sflag:$0x1], $0x80, s30, s17, $0xb8;
	[tilespmem:$0x1A800] =	vst v63  }
0x44: {  	s31 =	sadd.s32 $0x580, s20  }
0x45: {  	[spmem:s3] =	stream.indirect.scatter.add.f32 [tilespmem:s16], [sflag:$0x1], $0x80, s31, s17, $0xb8;
	[tilespmem:$0x1A800] =	vst v63  }
0x46: {  	s22 =	sadd.s32 $0x600, s20  }
0x47: {  	[spmem:s3] =	stream.indirect.scatter.add.f32 [tilespmem:s16], [sflag:$0x1], $0x80, s22, s17, $0xb8;
	[tilespmem:$0x1A800] =	vst v63  }
0x48: {  	s23 =	sadd.s32 $0x680, s20  }
0x49: {  	[spmem:s3] =	stream.indirect.scatter.add.f32 [tilespmem:s16], [sflag:$0x1], $0x80, s23, s17, $0xb8;
	[tilespmem:$0x1A800] =	vst v63  }
0x4a: {  	s24 =	sadd.s32 $0x700, s20  }
0x4b: {  	[spmem:s3] =	stream.indirect.scatter.add.f32 [tilespmem:s16], [sflag:$0x1], $0x80, s24, s17, $0xb8;
	[tilespmem:$0x1A800] =	vst v63  }
0x4c: {  	s25 =	sadd.s32 $0x780, s20  }
0x4d: {  	[spmem:s3] =	stream.indirect.scatter.add.f32 [tilespmem:s16], [sflag:$0x1], $0x80, s25, s17, $0xb8;
	[tilespmem:$0x1A800] =	vst v63  }
0x4e: {  	s26 =	sadd.s32 $0x800, s20  }
0x4f: {  	[spmem:s3] =	stream.indirect.scatter.add.f32 [tilespmem:s16], [sflag:$0x1], $0x80, s26, s17, $0xb8;
	[tilespmem:$0x1A800] =	vst v63  }
0x50: {  	s28 =	sadd.s32 $0x880, s20  }
0x51: {  	[spmem:s3] =	stream.indirect.scatter.add.f32 [tilespmem:s16], [sflag:$0x1], $0x80, s28, s17, $0xb8;
	[tilespmem:$0x1A800] =	vst v63  }
0x52: {  	s29 =	sadd.s32 $0x900, s20  }
0x53: {  	[spmem:s3] =	stream.indirect.scatter.add.f32 [tilespmem:s16], [sflag:$0x1], $0x80, s29, s17, $0xb8;
	[tilespmem:$0x1A800] =	vst v63  }
0x54: {  	s30 =	sadd.s32 $0x980, s20  }
0x55: {  	[spmem:s3] =	stream.indirect.scatter.add.f32 [tilespmem:s16], [sflag:$0x1], $0x80, s30, s17, $0xb8;
	[tilespmem:$0x1A800] =	vst v63  }
0x56: {  	s31 =	sadd.s32 $0xA00, s20  }
0x57: {  	[spmem:s3] =	stream.indirect.scatter.add.f32 [tilespmem:s16], [sflag:$0x1], $0x80, s31, s17, $0xb8;
	[tilespmem:$0x1A800] =	vst v63  }
0x58: {  	s22 =	sadd.s32 $0xA80, s20  }
0x59: {  	[spmem:s3] =	stream.indirect.scatter.add.f32 [tilespmem:s16], [sflag:$0x1], $0x80, s22, s17, $0xb8;
	[tilespmem:$0x1A800] =	vst v63  }
0x5a: {  	s23 =	sadd.s32 $0xB00, s20  }
0x5b: {  	[spmem:s3] =	stream.indirect.scatter.add.f32 [tilespmem:s16], [sflag:$0x1], $0x80, s23, s17, $0xb8;
	[tilespmem:$0x1A800] =	vst v63  }
0x5c: {  	s24 =	sadd.s32 $0xB80, s20  }
0x5d: {  	[spmem:s3] =	stream.indirect.scatter.add.f32 [tilespmem:s16], [sflag:$0x1], $0x80, s24, s17, $0xb8;
	[tilespmem:$0x1A800] =	vst v63  }
0x5e: {  	s25 =	sadd.s32 $0xC00, s20  }
0x5f: {  	[spmem:s3] =	stream.indirect.scatter.add.f32 [tilespmem:s16], [sflag:$0x1], $0x80, s25, s17, $0xb8;
	[tilespmem:$0x1A800] =	vst v63  }
0x60: {  	s26 =	sadd.s32 $0xC80, s20  }
0x61: {  	[spmem:s3] =	stream.indirect.scatter.add.f32 [tilespmem:s16], [sflag:$0x1], $0x80, s26, s17, $0xb8;
	[tilespmem:$0x1A800] =	vst v63  }
0x62: {  	s28 =	sadd.s32 $0xD00, s20  }
0x63: {  	[spmem:s3] =	stream.indirect.scatter.add.f32 [tilespmem:s16], [sflag:$0x1], $0x80, s28, s17, $0xb8;
	[tilespmem:$0x1A800] =	vst v63  }
0x64: {  	s29 =	sadd.s32 $0xD80, s20  }
0x65: {  	[spmem:s3] =	stream.indirect.scatter.add.f32 [tilespmem:s16], [sflag:$0x1], $0x80, s29, s17, $0xb8;
	[tilespmem:$0x1A800] =	vst v63  }
0x66: {  	s30 =	sadd.s32 $0xE00, s20  }
0x67: {  	[spmem:s3] =	stream.indirect.scatter.add.f32 [tilespmem:s16], [sflag:$0x1], $0x80, s30, s17, $0xb8;
	[tilespmem:$0x1A800] =	vst v63  }
0x68: {  	s31 =	sadd.s32 $0xE80, s20  }
0x69: {  	[spmem:s3] =	stream.indirect.scatter.add.f32 [tilespmem:s16], [sflag:$0x1], $0x80, s31, s17, $0xb8;
	[tilespmem:$0x1A800] =	vst v63  }
0x6a: {  	s22 =	sadd.s32 $0xF00, s20  }
0x6b: {  	[spmem:s3] =	stream.indirect.scatter.add.f32 [tilespmem:s16], [sflag:$0x1], $0x80, s22, s17, $0xb8;
	[tilespmem:$0x1A800] =	vst v63  }
0x6c: {  	s23 =	sadd.s32 $0xF80, s20  }
0x6d: {  	[spmem:s3] =	stream.indirect.scatter.add.f32 [tilespmem:s16], [sflag:$0x1], $0x80, s23, s17, $0xb8;
	[tilespmem:$0x1A800] =	vst v63  }
0x6e: {  	s24 =	sadd.s32 $0x1000, s20  }
0x6f: {  	[spmem:s3] =	stream.indirect.scatter.add.f32 [tilespmem:s16], [sflag:$0x1], $0x80, s24, s17, $0xb8;
	[tilespmem:$0x1A800] =	vst v63  }
0x70: {  	s25 =	sadd.s32 $0x1080, s20  }
0x71: {  	[spmem:s3] =	stream.indirect.scatter.add.f32 [tilespmem:s16], [sflag:$0x1], $0x80, s25, s17, $0xb8;
	[tilespmem:$0x1A800] =	vst v63  }
0x72: {  	s26 =	sadd.s32 $0x1100, s20  }
0x73: {  	[spmem:s3] =	stream.indirect.scatter.add.f32 [tilespmem:s16], [sflag:$0x1], $0x80, s26, s17, $0xb8;
	[tilespmem:$0x1A800] =	vst v63  }
0x74: {  	s28 =	sadd.s32 $0x1180, s20  }
0x75: {  	[spmem:s3] =	stream.indirect.scatter.add.f32 [tilespmem:s16], [sflag:$0x1], $0x80, s28, s17, $0xb8;
	[tilespmem:$0x1A800] =	vst v63  }
0x76: {  	s29 =	sadd.s32 $0x1200, s20  }
0x77: {  	[spmem:s3] =	stream.indirect.scatter.add.f32 [tilespmem:s16], [sflag:$0x1], $0x80, s29, s17, $0xb8;
	[tilespmem:$0x1A800] =	vst v63  }
0x78: {  	s30 =	sadd.s32 $0x1280, s20  }
0x79: {  	[spmem:s3] =	stream.indirect.scatter.add.f32 [tilespmem:s16], [sflag:$0x1], $0x80, s30, s17, $0xb8;
	[tilespmem:$0x1A800] =	vst v63  }
0x7a: {  	s31 =	sadd.s32 $0x1300, s20  }
0x7b: {  	[spmem:s3] =	stream.indirect.scatter.add.f32 [tilespmem:s16], [sflag:$0x1], $0x80, s31, s17, $0xb8;
	[tilespmem:$0x1A800] =	vst v63  }
0x7c: {  	s20 =	sadd.s32 $0x1380, s20  }
0x7d: {  	[spmem:s3] =	stream.indirect.scatter.add.f32 [tilespmem:s16], [sflag:$0x1], $0x80, s20, s17, $0xb8;
	[tilespmem:$0x1A800] =	vst v63  }
0x7e: {  	_ =	swait.ge [sflag:s18], $0x4000  }
0x7f: {  	[sflag:s18] =	ssyncset.done $0x0  }
0x80: {  	[sflag:s18] =	ssyncadd.s32 $0xFFFFC000  }
0x81: {  	_ =	swait.ge [sflag:s18], $0x4000  }
0x82: {  	[sflag:s18] =	ssyncset.done $0x0  }
0x83: {  	[sflag:s18] =	ssyncadd.s32 $0xFFFFC000  }
0x84: {  	_ =	swait.ge [sflag:s18], $0x4000  }
0x85: {  	[sflag:s18] =	ssyncset.done $0x0  }
0x86: {  	[sflag:s18] =	ssyncadd.s32 $0xFFFFC000  }
0x87: {  	_ =	swait.ge [sflag:s18], $0x4000  }
0x88: {  	[sflag:s18] =	ssyncset.done $0x0  }
0x89: {  	[sflag:s18] =	ssyncadd.s32 $0xFFFFC000  }
0x8a: {  	_ =	swait.ge [sflag:s18], $0x4000  }
0x8b: {  	[sflag:s18] =	ssyncset.done $0x0  }
0x8c: {  	[sflag:s18] =	ssyncadd.s32 $0xFFFFC000  }
0x8d: {  	_ =	swait.ge [sflag:s18], $0x4000  }
0x8e: {  	[sflag:s18] =	ssyncset.done $0x0  }
0x8f: {  	[sflag:s18] =	ssyncadd.s32 $0xFFFFC000  }
0x90: {  	_ =	swait.ge [sflag:s18], $0x4000  }
0x91: {  	[sflag:s18] =	ssyncset.done $0x0  }
0x92: {  	[sflag:s18] =	ssyncadd.s32 $0xFFFFC000  }
0x93: {  	_ =	swait.ge [sflag:s18], $0x4000  }
0x94: {  	[sflag:s18] =	ssyncset.done $0x0  }
0x95: {  	[sflag:s18] =	ssyncadd.s32 $0xFFFFC000  }
0x96: {  	_ =	swait.ge [sflag:s18], $0x4000  }
0x97: {  	[sflag:s18] =	ssyncset.done $0x0  }
0x98: {  	[sflag:s18] =	ssyncadd.s32 $0xFFFFC000  }
0x99: {  	_ =	swait.ge [sflag:s18], $0x4000  }
0x9a: {  	[sflag:s18] =	ssyncset.done $0x0  }
0x9b: {  	[sflag:s18] =	ssyncadd.s32 $0xFFFFC000  }
0x9c: {  	_ =	swait.ge [sflag:s18], $0x4000  }
0x9d: {  	[sflag:s18] =	ssyncset.done $0x0  }
0x9e: {  	[sflag:s18] =	ssyncadd.s32 $0xFFFFC000  }
0x9f: {  	_ =	swait.ge [sflag:s18], $0x4000  }
0xa0: {  	[sflag:s18] =	ssyncset.done $0x0  }
0xa1: {  	[sflag:s18] =	ssyncadd.s32 $0xFFFFC000  }
0xa2: {  	_ =	swait.ge [sflag:s18], $0x4000  }
0xa3: {  	[sflag:s18] =	ssyncset.done $0x0  }
0xa4: {  	[sflag:s18] =	ssyncadd.s32 $0xFFFFC000  }
0xa5: {  	_ =	swait.ge [sflag:s18], $0x4000  }
0xa6: {  	[sflag:s18] =	ssyncset.done $0x0  }
0xa7: {  	[sflag:s18] =	ssyncadd.s32 $0xFFFFC000  }
0xa8: {  	_ =	swait.ge [sflag:s18], $0x4000  }
0xa9: {  	[sflag:s18] =	ssyncset.done $0x0  }
0xaa: {  	[sflag:s18] =	ssyncadd.s32 $0xFFFFC000  }
0xab: {  	_ =	swait.ge [sflag:s18], $0x4000  }
0xac: {  	[sflag:s18] =	ssyncset.done $0x0  }
0xad: {  	[sflag:s18] =	ssyncadd.s32 $0xFFFFC000  }
0xae: {  	_ =	swait.ge [sflag:s18], $0x4000  }
0xaf: {  	[sflag:s18] =	ssyncset.done $0x0  }
0xb0: {  	[sflag:s18] =	ssyncadd.s32 $0xFFFFC000  }
0xb1: {  	_ =	swait.ge [sflag:s18], $0x4000  }
0xb2: {  	[sflag:s18] =	ssyncset.done $0x0  }
0xb3: {  	[sflag:s18] =	ssyncadd.s32 $0xFFFFC000  }
0xb4: {  	_ =	swait.ge [sflag:s18], $0x4000  }
0xb5: {  	[sflag:s18] =	ssyncset.done $0x0  }
0xb6: {  	[sflag:s18] =	ssyncadd.s32 $0xFFFFC000  }
0xb7: {  	_ =	swait.ge [sflag:s18], $0x4000  }
0xb8: {  	[sflag:s18] =	ssyncset.done $0x0  }
0xb9: {  	[sflag:s18] =	ssyncadd.s32 $0xFFFFC000  }
0xba: {  	_ =	swait.ge [sflag:s18], $0x4000  }
0xbb: {  	[sflag:s18] =	ssyncset.done $0x0  }
0xbc: {  	[sflag:s18] =	ssyncadd.s32 $0xFFFFC000  }
0xbd: {  	_ =	swait.ge [sflag:s18], $0x4000  }
0xbe: {  	[sflag:s18] =	ssyncset.done $0x0  }
0xbf: {  	[sflag:s18] =	ssyncadd.s32 $0xFFFFC000  }
0xc0: {  	_ =	swait.ge [sflag:s18], $0x4000  }
0xc1: {  	[sflag:s18] =	ssyncset.done $0x0  }
0xc2: {  	[sflag:s18] =	ssyncadd.s32 $0xFFFFC000  }
0xc3: {  	_ =	swait.ge [sflag:s18], $0x4000  }
0xc4: {  	[sflag:s18] =	ssyncset.done $0x0  }
0xc5: {  	[sflag:s18] =	ssyncadd.s32 $0xFFFFC000  }
0xc6: {  	_ =	swait.ge [sflag:s18], $0x4000  }
0xc7: {  	[sflag:s18] =	ssyncset.done $0x0  }
0xc8: {  	[sflag:s18] =	ssyncadd.s32 $0xFFFFC000  }
0xc9: {  	_ =	swait.ge [sflag:s18], $0x4000  }
0xca: {  	[sflag:s18] =	ssyncset.done $0x0  }
0xcb: {  	[sflag:s18] =	ssyncadd.s32 $0xFFFFC000  }
0xcc: {  	_ =	swait.ge [sflag:s18], $0x4000  }
0xcd: {  	[sflag:s18] =	ssyncset.done $0x0  }
0xce: {  	[sflag:s18] =	ssyncadd.s32 $0xFFFFC000  }
0xcf: {  	_ =	swait.ge [sflag:s18], $0x4000  }
0xd0: {  	[sflag:s18] =	ssyncset.done $0x0  }
0xd1: {  	[sflag:s18] =	ssyncadd.s32 $0xFFFFC000  }
0xd2: {  	_ =	swait.ge [sflag:s18], $0x4000  }
0xd3: {  	[sflag:s18] =	ssyncset.done $0x0  }
0xd4: {  	[sflag:s18] =	ssyncadd.s32 $0xFFFFC000  }
0xd5: {  	_ =	swait.ge [sflag:s18], $0x4000  }
0xd6: {  	[sflag:s18] =	ssyncset.done $0x0  }
0xd7: {  	[sflag:s18] =	ssyncadd.s32 $0xFFFFC000  }
0xd8: {  	_ =	swait.ge [sflag:s18], $0x4000  }
0xd9: {  	[sflag:s18] =	ssyncset.done $0x0  }
0xda: {  	[sflag:s18] =	ssyncadd.s32 $0xFFFFC000  }
0xdb: {  	_ =	swait.ge [sflag:s18], $0x4000  }
0xdc: {  	[sflag:s18] =	ssyncset.done $0x0  }
0xdd: {  	[sflag:s18] =	ssyncadd.s32 $0xFFFFC000  }
0xde: {  	_ =	swait.ge [sflag:s18], $0x4000  }
0xdf: {  	[sflag:s18] =	ssyncset.done $0x0  }
0xe0: {  	[sflag:s18] =	ssyncadd.s32 $0xFFFFC000  }
0xe1: {  	_ =	swait.ge [sflag:s18], $0x4000  }
0xe2: {  	[sflag:s18] =	ssyncset.done $0x0  }
0xe3: {  	[sflag:s18] =	ssyncadd.s32 $0xFFFFC000  }
0xe4: {  	_ =	swait.ge [sflag:s18], $0x4000  }
0xe5: {  	[sflag:s18] =	ssyncset.done $0x0  }
0xe6: {  	[sflag:s18] =	ssyncadd.s32 $0xFFFFC000  }
0xe7: {  	_ =	swait.ge [sflag:s18], $0x4000  }
0xe8: {  	[sflag:s18] =	ssyncset.done $0x0  }
0xe9: {  	[sflag:s18] =	ssyncadd.s32 $0xFFFFC000  }
0xea: {  	_ =	swait.ge [sflag:s18], $0x4000  }
0xeb: {  	[sflag:s18] =	ssyncset.done $0x0  }
0xec: {  	[sflag:s18] =	ssyncadd.s32 $0xFFFFC000  }
0xed: {  	_ =	swait.ge [sflag:s18], $0x4000  }
0xee: {  	[sflag:s18] =	ssyncset.done $0x0  }
0xef: {  	[sflag:s18] =	ssyncadd.s32 $0xFFFFC000  }
0xf0: {  	p1 =	por p0, p0;
	_ =	swait.ge [sflag:s18], $0x4000  }
.Ltmp0:
0xf1: {  	[sflag:s18] =	ssyncset.done $0x0;
	(pc) =	sbr.rel @p1 .LBB2_2-.Ltmp0, $4  }
0xf2: {  	[sflag:s18] =	ssyncadd.s32 $0xFFFFC000  }
0xf3: {  	_ =	swait.ge [sflag:s18], $0x4000  }
0xf4: {  	[sflag:s18] =	ssyncset.done $0x0  }
0xf5: {  	p0 =	por $0x0, $0x0;
	s20 =	simm.s32 $0x5000;
	[sflag:s18] =	ssyncadd.s32 $0xFFFFC000  }
0xf6: {  	s19 =	sadd.s32 $0x1, s19  }
0xf7: {  	p0 =	sne.s32 s19, s9  }
.Ltmp1:
0xf8: {  	[bflag:$0x0] =	sbarrier.arrive $0xFFFF;
	(pc) =	sbr.rel @p0 .LBB2_1-.Ltmp1, $4  }
0xf9: {  	[hbm:s8], [sflag:s6] =	dma.local [spmem:s10], $0x2800  }
0xfa: {  	_ =	swait.ge [sflag:s11], $0x2800  }
0xfb: {  	[sflag:s11] =	ssyncset.done $0x0  }
0xfc: {  	[sflag:s11] =	ssyncadd.s32 $0xFFFFD800  }
0xfd: {  	_ =	sfence.sel $0x180000  }
0xfe: {  	[bflag:$0x0] =	sbarrier.arrive $0xFFFF  }
0xff: {  	p0 =	sne.s32 s0, $0x0;
	_ =	strace $0x90000047  }
0x100: {  	s0 =	sadd.s32 @!p0 $0x100000, s1;
	[bflag:$0x2] =	sbarrier.arrive $0xFFFF  }
0x101: {  	[sflag:s0] =	ssyncadd.tile.s32 @!p0 $0x1;
	_ =	shalt  }
.Lfunc_end2:
_tile_overlayer_lowered:
.L_overlay_start_2:
0x102: {  	(tag) =	ssettag $0x2  }
0x103: {  	s0 =	rddreg [dreg:$0x0];
	s2 =	stileid.u32  }
0x104: {  	s1 =	rddreg [dreg:$0x1];
	p0 =	sne.s32 s2, $0x0  }
0x105: {  	s3 =	rddreg [dreg:$0x2];
	[bflag:$0x3] =	sbarrier.arrive $0xFFFF;
	s2 =	simm.s32 @!p0 $0x1C02  }
0x106: {  	[timem:s3], [sflag:s2] =	dma.local @!p0 [hbm:s0], s1  }
0x107: {  	s0 =	simm.s32 @!p0 $0x2  }
0x108: {  	_ =	swait.ge @!p0 [sflag:s0], s1  }
0x109: {  	s1 =	ssub.s32 @!p0 $0x0, s1;
	[sflag:s0] =	ssyncset.done @!p0 $0x0  }
0x10a: {  	[sflag:s0] =	ssyncadd.s32 @!p0 s1  }
0x10b: {  	[bflag:$0x3] =	sbarrier.arrive $0xFFFF  }
0x10c: {  	_ =	shalt  }

// kernel: kernel.9.cloned.1.call-start
scs
__scs_entry_jumppad:
0x0: {  	(pc) =	sbr.rel $0x88, $3  }
0x1: {  	(tag) =	ssettag $0x0;
	lr =	simm.s32 $0x1  }
0x2: {  	[smem:$0x3F9A] =	sst lr;
	_ =	strace $0xD0000000  }
0x3: {  	_ = 	snop  }
0x4: {  	_ = 	snop  }
0x5: {  	_ = 	snop  }
0x6: {  	_ = 	snop  }
0x7: {  	_ = 	snop  }
__scs_overlays_trampoline_lowered:
0x8: {  	[smem:$0x3FA9] =	sst s0  }
0x9: {  	[smem:$0x3FAA] =	sst s1  }
0xa: {  	[smem:$0x3FAB] =	sst s2  }
0xb: {  	[smem:$0x3FAC] =	sst s3  }
0xc: {  	[smem:$0x3FAD] =	sst s4  }
0xd: {  	[smem:$0x3FAE] =	sst s5  }
0xe: {  	[smem:$0x3FAF] =	sst s6  }
0xf: {  	[smem:$0x3FB0] =	sst s7  }
0x10: {  	[smem:$0x3FB1] =	sst s8  }
0x11: {  	[smem:$0x3FB2] =	sst s9;
	s0 =	simm.s32 @!p0 $0x0  }
0x12: {  	s1 =	sld [smem:$0x3F98];
	s0 =	simm.s32 @p0 $0x1  }
0x13: {  	[smem:$0x3FB3] =	sst s0;
	s0 =	simm.s32 @!p1 $0x0  }
0x14: {  	s2 =	sld [smem:$0x3F97];
	s0 =	simm.s32 @p1 $0x1  }
0x15: {  	[smem:$0x3FB4] =	sst s0;
	s0 =	simm.s32 @!p2 $0x0  }
0x16: {  	s3 =	sld [smem:$0x3FDB];
	s0 =	simm.s32 @p2 $0x1  }
0x17: {  	s4 =	simm.s32 $0x1BF5;
	[smem:$0x3FB6] =	sst s0  }
0x18: {  	s0 =	sld [smem:$0x3F99];
	_ =	swait.ge [sflag:s4], $0x0  }
0x19: {  	s7 =	sld [smem:$0x3F9A]  }
0x1a: {  	s8 =	sadd.s32 $0xFFFFE003, lr  }
0x1b: {  	s9 =	sadd.s32 $0xFFFFFEF7, lr;
	s5 =	simm.s32 $0xFFFFFFFF;
	p2 =	slt.u32 s8, $0xFFFFF086  }
0x1c: {  	p1 =	slt.u32 s9, $0xF7A;
	s5 =	simm.s32 @!p2 $0x0  }
0x1d: {  	s5 =	simm.s32 @p1 $0x1;
	p0 =	seq.s32 s7, s2  }
0x1e: {  	s7 =	smul.u32 @!p0 $0xF7A, s2;
	p2 =	seq.s32 @!p0 s5, $0x0  }
0x1f: {  	s9 =	smul.u32 $0xF7A, s1;
	s8 =	simm.s32 @!p0 $0x1BF5;
	p2 =	por !p2, p0  }
0x20: {  	[sflag:s8] =	ssyncset.s32 @!p0 $0xFFFFF086;
	s6 =	sadd.s32 @!p0 s3, s7;
	s7 =	simm.s32 @!p0 $0x108  }
0x21: {  	s3 =	sadd.s32 s3, s9;
	s6 =	sadd.s32 @!p0 $0x88, s6;
	s7 =	simm.s32 @p2 $0x1082  }
0x22: {  	[simem:s7], [sflag:s8] =	dma.local @!p0 [hbm:s6], $0xF7A  }
0x23: {  	s9 =	sor.u32 $0xD0000000, s2;
	s6 =	simm.s32 $0x108;
	_ =	swait.ge @!p0 [sflag:s8], $0x0  }
0x24: {  	s3 =	sadd.s32 $0x88, s3;
	s6 =	simm.s32 @!p1 $0x1082;
	[sflag:s4] =	ssyncset.s32 $0xFFFFF086  }
0x25: {  	[simem:s6], [sflag:s4] =	dma.local [hbm:s3], $0xF7A  }
0x26: {  	[smem:$0x3F9A] =	sst s1;
	(tag) =	ssettag s2;
	_ =	strace s9  }
0x27: {  	s1 =	sld [smem:$0x3FAA]  }
0x28: {  	s2 =	sld [smem:$0x3FAB]  }
0x29: {  	s4 =	sld [smem:$0x3FAD]  }
0x2a: {  	p0 =	seq.s32 s5, $0x0;
	s5 =	sld [smem:$0x3FAE]  }
0x2b: {  	s6 =	sld [smem:$0x3FAF]  }
0x2c: {  	s7 =	sld [smem:$0x3FB0]  }
0x2d: {  	s3 =	simm.s32 $0x108;
	s8 =	sld [smem:$0x3FB1]  }
0x2e: {  	s3 =	simm.s32 @!p0 $0x1082;
	s9 =	sld [smem:$0x3FB2]  }
0x2f: {  	lr =	sadd.s32 s0, s3;
	s0 =	sld [smem:$0x3FA9]  }
0x30: {  	s3 =	sld [smem:$0x3FAC]  }
0x31: {  	[smem:$0x3FB5] =	sst s10  }
0x32: {  	s10 =	sld [smem:$0x3FB3];
	_ =	sdelay $0x3  }
0x33: {  	p0 =	seq.s32 s10, $0x1;
	s10 =	sld [smem:$0x3FB5];
	_ =	sdelay $0x3  }
0x34: {  	[smem:$0x3FB5] =	sst s10  }
0x35: {  	s10 =	sld [smem:$0x3FB4];
	_ =	sdelay $0x3  }
0x36: {  	p1 =	seq.s32 s10, $0x1;
	s10 =	sld [smem:$0x3FB5];
	_ =	sdelay $0x3  }
0x37: {  	[smem:$0x3FB5] =	sst s10  }
0x38: {  	s10 =	sld [smem:$0x3FB6]  }
0x39: {  	_ = 	snop;
	(pc) =	sbr.ind lr, $3  }
0x3a: {  	_ = 	snop  }
0x3b: {  	_ = 	snop  }
0x3c: {  	p2 =	seq.s32 s10, $0x1;
	s10 =	sld [smem:$0x3FB5]  }
0x3d: {  	_ =	shalt  }
0x3e: {  	_ =	shalt  }
0x3f: {  	_ =	shalt  }
0x40: {  	_ =	shalt  }
0x41: {  	_ =	shalt  }
0x42: {  	_ =	shalt  }
0x43: {  	_ =	shalt  }
0x44: {  	_ =	shalt  }
0x45: {  	_ =	shalt  }
0x46: {  	_ =	shalt  }
0x47: {  	_ =	shalt  }
0x48: {  	_ =	shalt  }
0x49: {  	_ =	shalt  }
0x4a: {  	_ =	shalt  }
0x4b: {  	_ =	shalt  }
0x4c: {  	_ =	shalt  }
0x4d: {  	_ =	shalt  }
0x4e: {  	_ =	shalt  }
0x4f: {  	_ =	shalt  }
0x50: {  	_ =	shalt  }
0x51: {  	_ =	shalt  }
0x52: {  	_ =	shalt  }
0x53: {  	_ =	shalt  }
0x54: {  	_ =	shalt  }
0x55: {  	_ =	shalt  }
0x56: {  	_ =	shalt  }
0x57: {  	_ =	shalt  }
0x58: {  	_ =	shalt  }
0x59: {  	_ =	shalt  }
0x5a: {  	_ =	shalt  }
0x5b: {  	_ =	shalt  }
0x5c: {  	_ =	shalt  }
0x5d: {  	_ =	shalt  }
0x5e: {  	_ =	shalt  }
0x5f: {  	_ =	shalt  }
0x60: {  	_ =	shalt  }
0x61: {  	_ =	shalt  }
0x62: {  	_ =	shalt  }
0x63: {  	_ =	shalt  }
0x64: {  	_ =	shalt  }
0x65: {  	_ =	shalt  }
0x66: {  	_ =	shalt  }
0x67: {  	_ =	shalt  }
0x68: {  	_ =	shalt  }
0x69: {  	_ =	shalt  }
0x6a: {  	_ =	shalt  }
0x6b: {  	_ =	shalt  }
0x6c: {  	_ =	shalt  }
0x6d: {  	_ =	shalt  }
0x6e: {  	_ =	shalt  }
0x6f: {  	_ =	shalt  }
0x70: {  	_ =	shalt  }
0x71: {  	_ =	shalt  }
0x72: {  	_ =	shalt  }
0x73: {  	_ =	shalt  }
0x74: {  	_ =	shalt  }
0x75: {  	_ =	shalt  }
0x76: {  	_ =	shalt  }
0x77: {  	_ =	shalt  }
0x78: {  	_ =	shalt  }
0x79: {  	_ =	shalt  }
0x7a: {  	_ =	shalt  }
0x7b: {  	_ =	shalt  }
0x7c: {  	_ =	shalt  }
0x7d: {  	_ =	shalt  }
0x7e: {  	_ =	shalt  }
0x7f: {  	_ =	shalt  }
0x80: {  	_ =	shalt  }
0x81: {  	_ =	shalt  }
0x82: {  	_ =	shalt  }
0x83: {  	_ =	shalt  }
0x84: {  	_ =	shalt  }
0x85: {  	_ =	shalt  }
0x86: {  	_ =	shalt  }
0x87: {  	_ =	shalt  }
.Lfunc_end0:
.L_simem_size_0:
called_computation.1_lowered:
.L_overlay_start_0:
0x88: {  	s2 =	sld [smem:$0x3FD9]  }
0x89: {  	s3 =	sld [smem:$0x3FFE];
	_ =	sdelay $0x1  }
0x8a: {  	s1 =	srdreg.scid  }
0x8b: {  	s0 =	sand.u32 $0x1, s1  }
0x8c: {  	s17 =	sshll.u32 s0, $0xA;
	s2 =	sadd.s32 s3, s2  }
0x8d: {  	s2 =	sadd.s32 s2, s17  }
0x8e: {  	[smem:$0x3FC1] =	sst s2  }
0x8f: {  	_ = 	snop  }
0x90: {  	s2 =	sld [smem:$0x3FD0];
	(tm) =	ssettm $0x1  }
0x91: {  	s18 =	sld [smem:$0x3FFB];
	_ =	sdelay $0x3  }
0x92: {  	_ =	strace s18  }
0x93: {  	s3 =	sld [smem:$0x3FFC];
	_ =	sdelay $0x3  }
0x94: {  	_ =	strace s3  }
0x95: {  	s3 =	sld [smem:$0x3FFD];
	_ =	sdelay $0x3  }
0x96: {  	_ =	strace s3  }
0x97: {  	_ =	strace $0x8FFFFFFF  }
0x98: {  	s19 =	sld [smem:$0x3FDB];
	_ =	sdelay $0x1  }
0x99: {  	s4 =	simm.s32 $_scs_section_size  }
0x9a: {  	s5 =	simm.s32 $_size__tile_overlayer_lowered;
	s6 =	simm.s32 $_tile_overlayer_lowered  }
0x9b: {  	s22 =	simm.s32 $0x1BFF;
	s21 =	sshll.u32 s6, $0x1;
	s3 =	sadd.s32 s4, s19  }
0x9c: {  	s7 =	simm.s32 $0x0;
	s20 =	sshll.u32 s5, $0x1;
	s5 =	sadd.s32 s21, s3  }
0x9d: {  	[timem:s7], [sflag:s22] =	dma.local [hbm:s5], s20  }
0x9e: {  	_ =	swait.ge [sflag:s22], s20  }
0x9f: {  	s4 =	ssub.s32 $0x0, s20;
	[sflag:s22] =	ssyncset.done $0x0  }
0xa0: {  	[sflag:s22] =	ssyncadd.s32 s4;
	_ =	sdelay $0x1  }
0xa1: {  	s23 =	simm.s32 $0x1B8B  }
0xa2: {  	_ =	swait.ge [sflag:s23], $0x1  }
0xa3: {  	[sflag:s23] =	ssyncset.done $0x0  }
0xa4: {  	s25 =	simm.s32 $0x1B8E;
	s24 =	sld [smem:$0x3FFE];
	[sflag:s23] =	ssyncadd.s32 $0xFFFFFFFF  }
0xa5: {  	s26 =	simm.s32 $execute0_lowered;
	[smem:$0x3FD2] =	sst s25  }
0xa6: {  	s5 =	sshll.u32 s26, $0x1;
	_ =	strace $0x80000049;
	[dreg:$0x1] =	wrdreg $0xFFFFFFFF  }
0xa7: {  	s28 =	simm.s32 $_size_execute0_lowered;
	s3 =	sadd.s32 s3, s5;
	[dreg:$0x0] =	wrdreg $0x0  }
0xa8: {  	s5 =	sshll.u32 s28, $0x1;
	[dreg:$0x2] =	wrdreg s3  }
0xa9: {  	[dreg:$0x3] =	wrdreg s5  }
0xaa: {  	[dreg:$0x4] =	wrdreg $0xC0  }
0xab: {  	_ =	task [dreg:s7], $0x5FFFF  }
0xac: {  	[dreg:$0x1] =	wrdreg $0xFFFFFFFF  }
0xad: {  	[dreg:$0x0] =	wrdreg $0x60  }
0xae: {  	[dreg:$0x2] =	wrdreg s2  }
0xaf: {  	[dreg:$0x3] =	wrdreg s24  }
0xb0: {  	[dreg:$0x4] =	wrdreg $0xAC000  }
0xb1: {  	[dreg:$0x5] =	wrdreg $0x9  }
0xb2: {  	_ =	task.clear_ibuf [dreg:s7], $0x6FFFF;
	_ =	strace $0x90000049  }
0xb3: {  	s29 =	simm.s32 $0x9;
	_ =	strace $0x8000004B  }
0xb4: {  	_ =	swait.ge [sflag:s29], $0x1  }
0xb5: {  	[sflag:s29] =	ssyncadd.s32 $0xFFFFFFFF  }
0xb6: {  	_ =	strace $0x9000004B  }
0xb7: {  	_ =	sfence  }
0xb8: {  	s30 =	sld [smem:$0x0];
	_ =	sdelay $0x2  }
0xb9: {  	s31 =	sshll.u32 s1, $0xD;
	s1 =	sshrl.u32 s1, $0x2  }
0xba: {  	s3 =	sand.u32 $0x4000, s31;
	s1 =	sadd.s32 s1, s30  }
0xbb: {  	s0 =	sor.u32 s3, s0;
	s1 =	sshll.u32 s1, $0x11  }
0xbc: {  	s0 =	sor.u32 s1, s0  }
0xbd: {  	s0 =	sadd.s32 $0x8F2B, s0  }
0xbe: {  	[sflag:s0] =	ssyncadd.remote.s32 $0x1  }
0xbf: {  	_ =	sfence.sel $0xFFFF  }
0xc0: {  	[dreg:$0x0] =	wrdreg $0xFFFFFFFF;
	(pc) =	sbr.abs _section_cstart, $3  }
0xc1: {  	[dreg:$0x1] =	wrdreg $0xFFFFFFFF  }
0xc2: {  	_ =	task.clear_ibuf [dreg:s7], $0x2FFFF;
	_ =	strace $0x9FFFFFFF  }
0xc3: {  	(tm) =	ssettm $0x7FFFFFFF  }
tec
execute0_lowered:
.L_overlay_start_1:
0x0: {  	(tag) =	ssettag $0x1  }
0x1: {  	s1 =	rddreg [dreg:$0x0]  }
0x2: {  	s0 =	srdreg.scid;
	s4 =	rddreg [dreg:$0x1]  }
0x3: {  	s11 =	stileid.u32;
	s3 =	rddreg [dreg:$0x2]  }
0x4: {  	s6 =	simm.s32 $0x0;
	s29 =	simm.s32 $0x2980;
	s28 =	simm.s32 $0x2A80  }
0x5: {  	s30 =	simm.s32 $0x2880;
	s31 =	simm.s32 $0x2900;
	s0 =	sand.u32 $0x1, s0  }
0x6: {  	s2 =	sshll.u32 s11, $0x1;
	[smem:$0x7FF] =	sst s6;
	s17 =	smul.u32 $0x14000, s11  }
0x7: {  	s8 =	sadd.s32 $0x2000, s4;
	s9 =	smul.u32 $0x50000, s11;
	s10 =	sadd.s32 $0xC000, s4  }
0x8: {  	s21 =	sshll.u32 s11, $0x6;
	s22 =	smul.u32 $0xA0, s11;
	s6 =	simm.s32 $0x8  }
0x9: {  	s2 =	sor.u32 s0, s2;
	s5 =	smul.u32 $0x140000, s0;
	_ =	strace $0x8000004A  }
0xa: {  	s18 =	ssub.s32 $0x2, s0;
	[dreg:$0x8] =	wrdreg s10;
	s0 =	smul.u32 $0x50, s0  }
0xb: {  	s2 =	smul.u32 $0x500, s2;
	s19 =	sshrl.u32 s18, $0x1;
	s20 =	sshrl.u32 s9, $0x2  }
0xc: {  	s5 =	sadd.s32 s17, s5;
	s12 =	sadd.s32 s20, s3;
	s20 =	sor.u32 $0x1C0D, s21  }
0xd: {  	s0 =	sadd.s32 s0, s22;
	s7 =	sadd.s32 s2, s4;
	[dreg:$0x9] =	wrdreg s12  }
0xe: {  	s5 =	sshrl.u32 s5, $0x3;
	s2 =	sadd.s32 s8, s2;
	[dreg:$0xa] =	wrdreg s20  }
0xf: {  	s23 =	sadd.s32 $0x4000, s12;
	s7 =	sadd.s32 $0x5C800, s7;
	[dreg:$0xc] =	wrdreg s2  }
0x10: {  	s10 =	sadd.s32 $0x8000, s12;
	s24 =	sadd.s32 $0x10, s2;
	[dreg:$0xb] =	wrdreg s7  }
0x11: {  	s11 =	sadd.s32 $0xC000, s12;
	s25 =	sadd.s32 $0x20, s2;
	[dreg:$0xd] =	wrdreg s24  }
0x12: {  	s12 =	sadd.s32 $0x10000, s12;
	s26 =	sadd.s32 $0x30, s2;
	[dreg:$0xe] =	wrdreg s25  }
0x13: {  	s0 =	sshll.u32 s0, $0x4;
	s9 =	sadd.s32 $0x40, s2;
	[dreg:$0xf] =	wrdreg s26  }
0x14: {  	s4 =	sadd.s32 s5, s4;
	s13 =	sadd.s32 $0x50, s2;
	[dreg:$0x10] =	wrdreg s9  }
0x15: {  	s5 =	ssub.s32 s18, s19;
	s15 =	sadd.s32 $0x60, s2;
	[dreg:$0x11] =	wrdreg s13  }
0x16: {  	s14 =	sadd.s32 s0, s8;
	s2 =	sadd.s32 $0x70, s2;
	[dreg:$0x12] =	wrdreg s15  }
0x17: {  	s23 =	sshrl.u32 s23, $0x3;
	s0 =	simm.s32 $0x2B00;
	[dreg:$0x13] =	wrdreg s2  }
0x18: {  	s8 =	simm.s32 $0x80;
	s16 =	sadd.s32 $0xE0, s14;
	[dreg:$0x16] =	wrdreg s23  }
0x19: {  	s17 =	sadd.s32 $0xC0, s14;
	s18 =	sadd.s32 $0x66800, s4;
	[dreg:$0x4] =	wrdreg s16  }
0x1a: {  	s19 =	sadd.s32 $0xA0, s14;
	s21 =	smax.u32 s5, $0x1;
	[dreg:$0x14] =	wrdreg s18  }
0x1b: {  	s22 =	sadd.s32 $0x80, s14;
	s7 =	simm.s32 $0xD;
	[dreg:$0x5] =	wrdreg s17  }
0x1c: {  	s24 =	sshrl.u32 s10, $0x3;
	s25 =	sshrl.u32 s11, $0x3;
	[dreg:$0x15] =	wrdreg s21  }
0x1d: {  	s26 =	sshrl.u32 s12, $0x3;
	s9 =	simm.s32 $0x2880;
	[dreg:$0x6] =	wrdreg s19  }
0x1e: {  	s2 =	simm.s32 $0x2A00;
	s10 =	simm.s32 $0x2C00;
	[dreg:$0x7] =	wrdreg s22  }
0x1f: {  	s11 =	simm.s32 $0x9;
	s12 =	simm.s32 $0x6C00;
	[dreg:$0x17] =	wrdreg s24  }
0x20: {  	s13 =	simm.s32 $0x1;
	s15 =	simm.s32 $0xA;
	[dreg:$0x18] =	wrdreg s25  }
0x21: {  	s23 =	simm.s32 $0x6;
	s5 =	simm.s32 $0x0;
	[dreg:$0x19] =	wrdreg s26  }
0x22: {  	s26 =	simm.s32 $0x2800;
	s25 =	simm.s32 $0x2900;
	s16 =	simm.s32 $0xB  }
0x23: {  	s17 =	simm.s32 $0x2;
	s18 =	simm.s32 $0xC;
	s19 =	simm.s32 $0x3  }
0x24: {  	s21 =	simm.s32 $0x4;
	s22 =	simm.s32 $0x5;
	s24 =	simm.s32 $0x7  }
.LBB2_1:
0x25: {  	[dreg:$0x1a] =	wrdreg s5  }
0x26: {  	s4 =	rddreg [dreg:$0x9]  }
0x27: {  	s5 =	sshrl.u32 s4, $0x3;
	s4 =	rddreg [dreg:$0x8]  }
0x28: {  	[dreg:$0x1b] =	wrdreg s5  }
0x29: {  	[spmem:s5], [sflag:s20] =	dma.local [hbm:s4], $0x800  }
0x2a: {  	_ =	swait.ge [sflag:s7], $0x800  }
0x2b: {  	[sflag:s7] =	ssyncset.done $0x0  }
0x2c: {  	s5 =	rddreg [dreg:$0x16];
	[sflag:s7] =	ssyncadd.s32 $0xFFFFF800  }
0x2d: {  	[spmem:s5], [sflag:s20] =	dma.local [hbm:s4], $0x800  }
0x2e: {  	_ =	swait.ge [sflag:s7], $0x800  }
0x2f: {  	[sflag:s7] =	ssyncset.done $0x0  }
0x30: {  	s5 =	rddreg [dreg:$0x17];
	[sflag:s7] =	ssyncadd.s32 $0xFFFFF800  }
0x31: {  	[spmem:s5], [sflag:s20] =	dma.local [hbm:s4], $0x800  }
0x32: {  	_ =	swait.ge [sflag:s7], $0x800  }
0x33: {  	[sflag:s7] =	ssyncset.done $0x0  }
0x34: {  	s5 =	rddreg [dreg:$0x18];
	[sflag:s7] =	ssyncadd.s32 $0xFFFFF800  }
0x35: {  	[spmem:s5], [sflag:s20] =	dma.local [hbm:s4], $0x800  }
0x36: {  	_ =	swait.ge [sflag:s7], $0x800  }
0x37: {  	[sflag:s7] =	ssyncset.done $0x0  }
0x38: {  	s5 =	rddreg [dreg:$0x19];
	[sflag:s7] =	ssyncadd.s32 $0xFFFFF800  }
0x39: {  	[spmem:s5], [sflag:s20] =	dma.local [hbm:s4], $0x800  }
0x3a: {  	_ =	swait.ge [sflag:s7], $0x800  }
0x3b: {  	[sflag:s7] =	ssyncset.done $0x0  }
0x3c: {  	s4 =	simm.s32 $0x0;
	s20 =	rddreg [dreg:$0xb];
	[sflag:s7] =	ssyncadd.s32 $0xFFFFF800  }
0x3d: {  	[tilespmem:s4], [sflag:$0xD] =	stream.linear.gather [hbm4b:s20+s4], $0x2800, $0x38;
	[tilespmem:$0x1EC00] =	vst v63  }
0x3e: {  	_ =	swait.ge [sflag:s7], $0x2800  }
0x3f: {  	[sflag:s7] =	ssyncset.done $0x0  }
0x40: {  	s20 =	rddreg [dreg:$0xc];
	[sflag:s7] =	ssyncadd.s32 $0xFFFFD800  }
0x41: {  	[tilespmem:s26], [sflag:$0x1] =	stream.linear.gather [hbm4b:s20+s4], $0x80, $0x38;
	[tilespmem:$0x1EC00] =	vst v63  }
0x42: {  	s7 =	rddreg [dreg:$0xd]  }
0x43: {  	[tilespmem:s9], [sflag:$0x2] =	stream.linear.gather [hbm4b:s7+s4], $0x80, $0x38;
	[tilespmem:$0x1EC00] =	vst v63  }
0x44: {  	s20 =	rddreg [dreg:$0xe]  }
0x45: {  	[tilespmem:s25], [sflag:$0x3] =	stream.linear.gather [hbm4b:s20+s4], $0x80, $0x38;
	[tilespmem:$0x1EC00] =	vst v63  }
0x46: {  	s7 =	rddreg [dreg:$0xf]  }
0x47: {  	[tilespmem:s29], [sflag:$0x4] =	stream.linear.gather [hbm4b:s7+s4], $0x80, $0x38;
	[tilespmem:$0x1EC00] =	vst v63  }
0x48: {  	s20 =	rddreg [dreg:$0x10]  }
0x49: {  	[tilespmem:s2], [sflag:$0x5] =	stream.linear.gather [hbm4b:s20+s4], $0x80, $0x38;
	[tilespmem:$0x1EC00] =	vst v63  }
0x4a: {  	s7 =	rddreg [dreg:$0x11]  }
0x4b: {  	[tilespmem:s28], [sflag:$0x6] =	stream.linear.gather [hbm4b:s7+s4], $0x80, $0x38;
	[tilespmem:$0x1EC00] =	vst v63  }
0x4c: {  	s20 =	rddreg [dreg:$0x12]  }
0x4d: {  	[tilespmem:s0], [sflag:$0x7] =	stream.linear.gather [hbm4b:s20+s4], $0x80, $0x38;
	[tilespmem:$0x1EC00] =	vst v63  }
0x4e: {  	s7 =	rddreg [dreg:$0x13];
	s20 =	simm.s32 $0x2B80  }
0x4f: {  	[tilespmem:s20], [sflag:$0x8] =	stream.linear.gather [hbm4b:s7+s4], $0x80, $0x38;
	[tilespmem:$0x1EC00] =	vst v63  }
0x50: {  	[bflag:$0x0] =	sbarrier.arrive $0xFFFF  }
0x51: {  	[tilespmem:s10], [sflag:$0x9] =	stream.indirect.gather [hbm4b:s1+s8], $0x80, s4, s8, $0xb8;
	[tilespmem:$0x1EC00] =	vst v63  }
0x52: {  	_ =	swait.ge [sflag:s11], $0x4000  }
0x53: {  	p0 =	por $0x1, $0x1;
	[sflag:s11] =	ssyncset.done $0x0  }
0x54: {  	s4 =	simm.s32 @!p0 $0xC;
	[sflag:s11] =	ssyncadd.s32 $0xFFFFC000  }
0x55: {  	s5 =	sadd.s32 @!p0 $0x0, s14;
	_ =	swait.ge @!p0 [sflag:s4], $0x4000  }
0x56: {  	s5 =	sadd.s32 @!p0 $0x70, s5;
	[sflag:s4] =	ssyncset.done @!p0 $0x0  }
0x57: {  	s7 =	simm.s32 @!p0 $0x2B80;
	[sflag:s4] =	ssyncadd.s32 @!p0 $0xFFFFC000;
	s4 =	simm.s32 @!p0 $0x0  }
0x58: {  	[tilespmem:s7], [sflag:$0x8] =	stream.linear.gather @!p0 [hbm4b:s5+s4], $0x80, $0x38;
	[tilespmem:$0x1EC00] =	vst v63  }
0x59: {  	s5 =	simm.s32 $0x80  }
0x5a: {  	[tilespmem:s12], [sflag:$0xA] =	stream.indirect.gather [hbm4b:s1+s8], $0x80, s5, s8, $0xb8;
	[tilespmem:$0x1EC00] =	vst v63  }
0x5b: {  	_ =	swait.ge [sflag:s13], $0x80  }
0x5c: {  	[sflag:s13] =	ssyncset.done $0x0  }
0x5d: {  	[sflag:s13] =	ssyncadd.s32 $0xFFFFFF80  }
0x5e: {  	[spmem:s3] =	stream.indirect.scatter.add.f32 [tilespmem:s10], [sflag:$0xB], $0x80, s26, s8, $0xb8;
	[tilespmem:$0x1EC00] =	vst v63  }
0x5f: {  	_ =	swait.ge [sflag:s15], $0x4000  }
0x60: {  	[sflag:s15] =	ssyncset.done $0x0  }
0x61: {  	[sflag:s15] =	ssyncadd.s32 $0xFFFFC000  }
0x62: {  	p0 =	por $0x0, $0x0;
	_ =	swait.ge [sflag:s16], $0x4000  }
0x63: {  	s7 =	simm.s32 @!p0 $0x2800;
	s4 =	rddreg [dreg:$0x7];
	[sflag:s16] =	ssyncset.done $0x0  }
0x64: {  	[sflag:s16] =	ssyncadd.s32 $0xFFFFC000;
	s5 =	sadd.s32 @!p0 $0x0, s4;
	s4 =	simm.s32 @!p0 $0x0  }
0x65: {  	[tilespmem:s7], [sflag:$0x1] =	stream.linear.gather @!p0 [hbm4b:s5+s4], $0x80, $0x38;
	[tilespmem:$0x1EC00] =	vst v63  }
0x66: {  	s7 =	simm.s32 $0x100  }
0x67: {  	[tilespmem:s10], [sflag:$0x9] =	stream.indirect.gather [hbm4b:s1+s8], $0x80, s7, s8, $0xb8;
	[tilespmem:$0x1EC00] =	vst v63  }
0x68: {  	_ =	swait.ge [sflag:s17], $0x80  }
0x69: {  	[sflag:s17] =	ssyncset.done $0x0  }
0x6a: {  	[sflag:s17] =	ssyncadd.s32 $0xFFFFFF80  }
0x6b: {  	[spmem:s3] =	stream.indirect.scatter.add.f32 [tilespmem:s12], [sflag:$0xC], $0x80, s9, s8, $0xb8;
	[tilespmem:$0x1EC00] =	vst v63  }
0x6c: {  	_ =	swait.ge [sflag:s11], $0x4000  }
0x6d: {  	[sflag:s11] =	ssyncset.done $0x0  }
0x6e: {  	[sflag:s11] =	ssyncadd.s32 $0xFFFFC000  }
0x6f: {  	_ =	swait.ge [sflag:s18], $0x4000  }
0x70: {  	s5 =	sadd.s32 @!p0 $0x0, s14;
	[sflag:s18] =	ssyncset.done $0x0  }
0x71: {  	s7 =	sadd.s32 @!p0 $0x90, s5;
	s9 =	simm.s32 @!p0 $0x2880;
	[sflag:s18] =	ssyncadd.s32 $0xFFFFC000  }
0x72: {  	[tilespmem:s9], [sflag:$0x2] =	stream.linear.gather @!p0 [hbm4b:s7+s4], $0x80, $0x38;
	[tilespmem:$0x1EC00] =	vst v63  }
0x73: {  	s20 =	simm.s32 $0x180  }
0x74: {  	[tilespmem:s12], [sflag:$0xA] =	stream.indirect.gather [hbm4b:s1+s8], $0x80, s20, s8, $0xb8;
	[tilespmem:$0x1EC00] =	vst v63  }
0x75: {  	_ =	swait.ge [sflag:s19], $0x80  }
0x76: {  	[sflag:s19] =	ssyncset.done $0x0  }
0x77: {  	[sflag:s19] =	ssyncadd.s32 $0xFFFFFF80  }
0x78: {  	[spmem:s3] =	stream.indirect.scatter.add.f32 [tilespmem:s10], [sflag:$0xB], $0x80, s25, s8, $0xb8;
	[tilespmem:$0x1EC00] =	vst v63  }
0x79: {  	_ =	swait.ge [sflag:s15], $0x4000  }
0x7a: {  	[sflag:s15] =	ssyncset.done $0x0  }
0x7b: {  	[sflag:s15] =	ssyncadd.s32 $0xFFFFC000  }
0x7c: {  	_ =	swait.ge [sflag:s16], $0x4000  }
0x7d: {  	s7 =	rddreg [dreg:$0x6];
	[sflag:s16] =	ssyncset.done $0x0  }
0x7e: {  	s9 =	simm.s32 @!p0 $0x2900;
	[sflag:s16] =	ssyncadd.s32 $0xFFFFC000;
	s7 =	sadd.s32 @!p0 $0x0, s7  }
0x7f: {  	[tilespmem:s9], [sflag:$0x3] =	stream.linear.gather @!p0 [hbm4b:s7+s4], $0x80, $0x38;
	[tilespmem:$0x1EC00] =	vst v63  }
0x80: {  	s9 =	simm.s32 $0x200  }
0x81: {  	[tilespmem:s10], [sflag:$0x9] =	stream.indirect.gather [hbm4b:s1+s8], $0x80, s9, s8, $0xb8;
	[tilespmem:$0x1EC00] =	vst v63  }
0x82: {  	_ =	swait.ge [sflag:s21], $0x80  }
0x83: {  	[sflag:s21] =	ssyncset.done $0x0  }
0x84: {  	[sflag:s21] =	ssyncadd.s32 $0xFFFFFF80  }
0x85: {  	[spmem:s3] =	stream.indirect.scatter.add.f32 [tilespmem:s12], [sflag:$0xC], $0x80, s29, s8, $0xb8;
	[tilespmem:$0x1EC00] =	vst v63  }
0x86: {  	_ =	swait.ge [sflag:s11], $0x4000  }
0x87: {  	[sflag:s11] =	ssyncset.done $0x0  }
0x88: {  	[sflag:s11] =	ssyncadd.s32 $0xFFFFC000  }
0x89: {  	_ =	swait.ge [sflag:s18], $0x4000  }
0x8a: {  	[sflag:s18] =	ssyncset.done $0x0  }
0x8b: {  	s7 =	sadd.s32 @!p0 $0xB0, s5;
	s9 =	simm.s32 @!p0 $0x2980;
	[sflag:s18] =	ssyncadd.s32 $0xFFFFC000  }
0x8c: {  	[tilespmem:s9], [sflag:$0x4] =	stream.linear.gather @!p0 [hbm4b:s7+s4], $0x80, $0x38;
	[tilespmem:$0x1EC00] =	vst v63  }
0x8d: {  	s20 =	simm.s32 $0x280  }
0x8e: {  	[tilespmem:s12], [sflag:$0xA] =	stream.indirect.gather [hbm4b:s1+s8], $0x80, s20, s8, $0xb8;
	[tilespmem:$0x1EC00] =	vst v63  }
0x8f: {  	_ =	swait.ge [sflag:s22], $0x80  }
0x90: {  	[sflag:s22] =	ssyncset.done $0x0  }
0x91: {  	[sflag:s22] =	ssyncadd.s32 $0xFFFFFF80  }
0x92: {  	[spmem:s3] =	stream.indirect.scatter.add.f32 [tilespmem:s10], [sflag:$0xB], $0x80, s2, s8, $0xb8;
	[tilespmem:$0x1EC00] =	vst v63  }
0x93: {  	_ =	swait.ge [sflag:s15], $0x4000  }
0x94: {  	[sflag:s15] =	ssyncset.done $0x0  }
0x95: {  	[sflag:s15] =	ssyncadd.s32 $0xFFFFC000  }
0x96: {  	_ =	swait.ge [sflag:s16], $0x4000  }
0x97: {  	s7 =	rddreg [dreg:$0x5];
	[sflag:s16] =	ssyncset.done $0x0  }
0x98: {  	s9 =	simm.s32 @!p0 $0x2A00;
	[sflag:s16] =	ssyncadd.s32 $0xFFFFC000;
	s7 =	sadd.s32 @!p0 $0x0, s7  }
0x99: {  	[tilespmem:s9], [sflag:$0x5] =	stream.linear.gather @!p0 [hbm4b:s7+s4], $0x80, $0x38;
	[tilespmem:$0x1EC00] =	vst v63  }
0x9a: {  	s25 =	simm.s32 $0x300  }
0x9b: {  	[tilespmem:s10], [sflag:$0x9] =	stream.indirect.gather [hbm4b:s1+s8], $0x80, s25, s8, $0xb8;
	[tilespmem:$0x1EC00] =	vst v63  }
0x9c: {  	_ =	swait.ge [sflag:s23], $0x80  }
0x9d: {  	[sflag:s23] =	ssyncset.done $0x0  }
0x9e: {  	[sflag:s23] =	ssyncadd.s32 $0xFFFFFF80  }
0x9f: {  	[spmem:s3] =	stream.indirect.scatter.add.f32 [tilespmem:s12], [sflag:$0xC], $0x80, s28, s8, $0xb8;
	[tilespmem:$0x1EC00] =	vst v63  }
0xa0: {  	_ =	swait.ge [sflag:s11], $0x4000  }
0xa1: {  	[sflag:s11] =	ssyncset.done $0x0  }
0xa2: {  	[sflag:s11] =	ssyncadd.s32 $0xFFFFC000  }
0xa3: {  	_ =	swait.ge [sflag:s18], $0x4000  }
0xa4: {  	[sflag:s18] =	ssyncset.done $0x0  }
0xa5: {  	s5 =	sadd.s32 @!p0 $0xD0, s5;
	s7 =	simm.s32 @!p0 $0x2A80;
	[sflag:s18] =	ssyncadd.s32 $0xFFFFC000  }
0xa6: {  	[tilespmem:s7], [sflag:$0x6] =	stream.linear.gather @!p0 [hbm4b:s5+s4], $0x80, $0x38;
	[tilespmem:$0x1EC00] =	vst v63  }
0xa7: {  	s29 =	simm.s32 $0x380  }
0xa8: {  	[tilespmem:s12], [sflag:$0xA] =	stream.indirect.gather [hbm4b:s1+s8], $0x80, s29, s8, $0xb8;
	[tilespmem:$0x1EC00] =	vst v63  }
0xa9: {  	_ =	swait.ge [sflag:s24], $0x80  }
0xaa: {  	[sflag:s24] =	ssyncset.done $0x0  }
0xab: {  	[sflag:s24] =	ssyncadd.s32 $0xFFFFFF80  }
0xac: {  	[spmem:s3] =	stream.indirect.scatter.add.f32 [tilespmem:s10], [sflag:$0xB], $0x80, s0, s8, $0xb8;
	[tilespmem:$0x1EC00] =	vst v63  }
0xad: {  	_ =	swait.ge [sflag:s15], $0x4000  }
0xae: {  	[sflag:s15] =	ssyncset.done $0x0  }
0xaf: {  	[sflag:s15] =	ssyncadd.s32 $0xFFFFC000  }
0xb0: {  	_ =	swait.ge [sflag:s16], $0x4000  }
0xb1: {  	s5 =	rddreg [dreg:$0x4];
	[sflag:s16] =	ssyncset.done $0x0  }
0xb2: {  	s7 =	simm.s32 @!p0 $0x2B00;
	[sflag:s16] =	ssyncadd.s32 $0xFFFFC000;
	s5 =	sadd.s32 @!p0 $0x0, s5  }
0xb3: {  	[tilespmem:s7], [sflag:$0x7] =	stream.linear.gather @!p0 [hbm4b:s5+s4], $0x80, $0x38;
	[tilespmem:$0x1EC00] =	vst v63  }
0xb4: {  	s4 =	simm.s32 $0x400;
	s5 =	simm.s32 @!p0 $0x80;
	s7 =	simm.s32 @!p0 $0x2C00  }
0xb5: {  	[tilespmem:s7], [sflag:$0x9] =	stream.indirect.gather @!p0 [hbm4b:s1+s5], $0x80, s4, s5, $0xb8;
	[tilespmem:$0x1EC00] =	vst v63  }
0xb6: {  	s2 =	simm.s32 $0x2A00;
	_ =	swait.ge [sflag:s6], $0x80  }
0xb7: {  	s0 =	simm.s32 $0x2B00;
	s5 =	simm.s32 $0x80;
	[sflag:s6] =	ssyncset.done $0x0  }
.LBB2_2:
0xb8: {  	[sflag:s6] =	ssyncadd.s32 $0xFFFFFF80;
	s9 =	simm.s32 $0x2B80  }
0xb9: {  	[spmem:s3] =	stream.indirect.scatter.add.f32 [tilespmem:s12], [sflag:$0xC], $0x80, s9, s8, $0xb8;
	[tilespmem:$0x1EC00] =	vst v63  }
0xba: {  	s7 =	smov.u32 s5;
	_ =	swait.ge [sflag:s11], $0x4000  }
0xbb: {  	p1 =	seq.s32 s7, $0x0;
	[sflag:s11] =	ssyncset.done $0x0  }
0xbc: {  	s9 =	simm.s32 @!p1 $0xC;
	[sflag:s11] =	ssyncadd.s32 $0xFFFFC000  }
0xbd: {  	s4 =	sadd.s32 $0x400, s4;
	_ =	swait.ge @!p1 [sflag:s9], $0x4000  }
0xbe: {  	s20 =	sadd.s32 @!p1 s7, s14;
	s25 =	simm.s32 @!p1 $0x2B80;
	[sflag:s9] =	ssyncset.done @!p1 $0x0  }
0xbf: {  	s20 =	sadd.s32 @!p1 $0x70, s20;
	[sflag:s9] =	ssyncadd.s32 @!p1 $0xFFFFC000;
	s9 =	simm.s32 @!p1 $0x0  }
0xc0: {  	[tilespmem:s25], [sflag:$0x8] =	stream.linear.gather @!p1 [hbm4b:s20+s9], $0x80, $0x38;
	[tilespmem:$0x1EC00] =	vst v63  }
0xc1: {  	s25 =	sadd.s32 $0xFFFFFC80, s4  }
0xc2: {  	[tilespmem:s12], [sflag:$0xA] =	stream.indirect.gather [hbm4b:s1+s8], $0x80, s25, s8, $0xb8;
	[tilespmem:$0x1EC00] =	vst v63  }
0xc3: {  	_ =	swait.ge [sflag:s13], $0x80  }
0xc4: {  	[sflag:s13] =	ssyncset.done $0x0  }
0xc5: {  	[sflag:s13] =	ssyncadd.s32 $0xFFFFFF80  }
0xc6: {  	[spmem:s3] =	stream.indirect.scatter.add.f32 [tilespmem:s10], [sflag:$0xB], $0x80, s26, s8, $0xb8;
	[tilespmem:$0x1EC00] =	vst v63  }
0xc7: {  	_ =	swait.ge [sflag:s15], $0x4000  }
0xc8: {  	[sflag:s15] =	ssyncset.done $0x0  }
0xc9: {  	[sflag:s15] =	ssyncadd.s32 $0xFFFFC000  }
0xca: {  	p1 =	seq.s32 s7, $0x480;
	_ =	swait.ge [sflag:s16], $0x4000  }
0xcb: {  	s25 =	simm.s32 @!p1 $0x2800;
	s9 =	rddreg [dreg:$0x7];
	[sflag:s16] =	ssyncset.done $0x0  }
0xcc: {  	[sflag:s16] =	ssyncadd.s32 $0xFFFFC000;
	s20 =	sadd.s32 @!p1 s7, s9;
	s9 =	simm.s32 @!p1 $0x0  }
0xcd: {  	[tilespmem:s25], [sflag:$0x1] =	stream.linear.gather @!p1 [hbm4b:s20+s9], $0x80, $0x38;
	[tilespmem:$0x1EC00] =	vst v63  }
0xce: {  	s26 =	sadd.s32 $0xFFFFFD00, s4  }
0xcf: {  	[tilespmem:s10], [sflag:$0x9] =	stream.indirect.gather [hbm4b:s1+s8], $0x80, s26, s8, $0xb8;
	[tilespmem:$0x1EC00] =	vst v63  }
0xd0: {  	_ =	swait.ge [sflag:s17], $0x80  }
0xd1: {  	[sflag:s17] =	ssyncset.done $0x0  }
0xd2: {  	[sflag:s17] =	ssyncadd.s32 $0xFFFFFF80  }
0xd3: {  	[spmem:s3] =	stream.indirect.scatter.add.f32 [tilespmem:s12], [sflag:$0xC], $0x80, s30, s8, $0xb8;
	[tilespmem:$0x1EC00] =	vst v63  }
0xd4: {  	_ =	swait.ge [sflag:s11], $0x4000  }
0xd5: {  	[sflag:s11] =	ssyncset.done $0x0  }
0xd6: {  	[sflag:s11] =	ssyncadd.s32 $0xFFFFC000  }
0xd7: {  	_ =	swait.ge [sflag:s18], $0x4000  }
0xd8: {  	s28 =	sadd.s32 @!p1 s7, s14;
	[sflag:s18] =	ssyncset.done $0x0  }
0xd9: {  	s29 =	sadd.s32 @!p1 $0x90, s28;
	s26 =	simm.s32 @!p1 $0x2880;
	[sflag:s18] =	ssyncadd.s32 $0xFFFFC000  }
0xda: {  	[tilespmem:s26], [sflag:$0x2] =	stream.linear.gather @!p1 [hbm4b:s29+s9], $0x80, $0x38;
	[tilespmem:$0x1EC00] =	vst v63  }
0xdb: {  	s25 =	sadd.s32 @!p1 $0xB0, s28;
	s20 =	sadd.s32 @!p1 $0xD0, s28;
	s28 =	sadd.s32 $0xFFFFFD80, s4  }
0xdc: {  	[tilespmem:s12], [sflag:$0xA] =	stream.indirect.gather [hbm4b:s1+s8], $0x80, s28, s8, $0xb8;
	[tilespmem:$0x1EC00] =	vst v63  }
0xdd: {  	_ =	swait.ge [sflag:s19], $0x80  }
0xde: {  	[sflag:s19] =	ssyncset.done $0x0  }
0xdf: {  	[sflag:s19] =	ssyncadd.s32 $0xFFFFFF80  }
0xe0: {  	[spmem:s3] =	stream.indirect.scatter.add.f32 [tilespmem:s10], [sflag:$0xB], $0x80, s31, s8, $0xb8;
	[tilespmem:$0x1EC00] =	vst v63  }
0xe1: {  	_ =	swait.ge [sflag:s15], $0x4000  }
0xe2: {  	[sflag:s15] =	ssyncset.done $0x0  }
0xe3: {  	[sflag:s15] =	ssyncadd.s32 $0xFFFFC000  }
0xe4: {  	_ =	swait.ge [sflag:s16], $0x4000  }
0xe5: {  	s26 =	rddreg [dreg:$0x6];
	[sflag:s16] =	ssyncset.done $0x0  }
0xe6: {  	s28 =	simm.s32 @!p1 $0x2900;
	[sflag:s16] =	ssyncadd.s32 $0xFFFFC000;
	s26 =	sadd.s32 @!p1 s7, s26  }
0xe7: {  	[tilespmem:s28], [sflag:$0x3] =	stream.linear.gather @!p1 [hbm4b:s26+s9], $0x80, $0x38;
	[tilespmem:$0x1EC00] =	vst v63  }
0xe8: {  	s29 =	sadd.s32 $0xFFFFFE00, s4  }
0xe9: {  	[tilespmem:s10], [sflag:$0x9] =	stream.indirect.gather [hbm4b:s1+s8], $0x80, s29, s8, $0xb8;
	[tilespmem:$0x1EC00] =	vst v63  }
0xea: {  	_ =	swait.ge [sflag:s21], $0x80  }
0xeb: {  	[sflag:s21] =	ssyncset.done $0x0  }
0xec: {  	s29 =	simm.s32 $0x2980;
	[sflag:s21] =	ssyncadd.s32 $0xFFFFFF80  }
0xed: {  	[spmem:s3] =	stream.indirect.scatter.add.f32 [tilespmem:s12], [sflag:$0xC], $0x80, s29, s8, $0xb8;
	[tilespmem:$0x1EC00] =	vst v63  }
0xee: {  	_ =	swait.ge [sflag:s11], $0x4000  }
0xef: {  	[sflag:s11] =	ssyncset.done $0x0  }
0xf0: {  	[sflag:s11] =	ssyncadd.s32 $0xFFFFC000  }
0xf1: {  	_ =	swait.ge [sflag:s18], $0x4000  }
0xf2: {  	[sflag:s18] =	ssyncset.done $0x0  }
0xf3: {  	s26 =	simm.s32 @!p1 $0x2980;
	[sflag:s18] =	ssyncadd.s32 $0xFFFFC000  }
0xf4: {  	[tilespmem:s26], [sflag:$0x4] =	stream.linear.gather @!p1 [hbm4b:s25+s9], $0x80, $0x38;
	[tilespmem:$0x1EC00] =	vst v63  }
0xf5: {  	s28 =	sadd.s32 $0xFFFFFE80, s4  }
0xf6: {  	[tilespmem:s12], [sflag:$0xA] =	stream.indirect.gather [hbm4b:s1+s8], $0x80, s28, s8, $0xb8;
	[tilespmem:$0x1EC00] =	vst v63  }
0xf7: {  	_ =	swait.ge [sflag:s22], $0x80  }
0xf8: {  	[sflag:s22] =	ssyncset.done $0x0  }
0xf9: {  	[sflag:s22] =	ssyncadd.s32 $0xFFFFFF80  }
0xfa: {  	[spmem:s3] =	stream.indirect.scatter.add.f32 [tilespmem:s10], [sflag:$0xB], $0x80, s2, s8, $0xb8;
	[tilespmem:$0x1EC00] =	vst v63  }
0xfb: {  	_ =	swait.ge [sflag:s15], $0x4000  }
0xfc: {  	[sflag:s15] =	ssyncset.done $0x0  }
0xfd: {  	[sflag:s15] =	ssyncadd.s32 $0xFFFFC000  }
0xfe: {  	_ =	swait.ge [sflag:s16], $0x4000  }
0xff: {  	s25 =	rddreg [dreg:$0x5];
	[sflag:s16] =	ssyncset.done $0x0  }
0x100: {  	s26 =	simm.s32 @!p1 $0x2A00;
	[sflag:s16] =	ssyncadd.s32 $0xFFFFC000;
	s25 =	sadd.s32 @!p1 s7, s25  }
0x101: {  	[tilespmem:s26], [sflag:$0x5] =	stream.linear.gather @!p1 [hbm4b:s25+s9], $0x80, $0x38;
	[tilespmem:$0x1EC00] =	vst v63  }
0x102: {  	s28 =	sadd.s32 $0xFFFFFF00, s4  }
0x103: {  	[tilespmem:s10], [sflag:$0x9] =	stream.indirect.gather [hbm4b:s1+s8], $0x80, s28, s8, $0xb8;
	[tilespmem:$0x1EC00] =	vst v63  }
0x104: {  	_ =	swait.ge [sflag:s23], $0x80  }
0x105: {  	[sflag:s23] =	ssyncset.done $0x0  }
0x106: {  	s28 =	simm.s32 $0x2A80;
	[sflag:s23] =	ssyncadd.s32 $0xFFFFFF80  }
0x107: {  	[spmem:s3] =	stream.indirect.scatter.add.f32 [tilespmem:s12], [sflag:$0xC], $0x80, s28, s8, $0xb8;
	[tilespmem:$0x1EC00] =	vst v63  }
0x108: {  	_ =	swait.ge [sflag:s11], $0x4000  }
0x109: {  	[sflag:s11] =	ssyncset.done $0x0  }
0x10a: {  	[sflag:s11] =	ssyncadd.s32 $0xFFFFC000  }
0x10b: {  	_ =	swait.ge [sflag:s18], $0x4000  }
0x10c: {  	[sflag:s18] =	ssyncset.done $0x0  }
0x10d: {  	s25 =	simm.s32 @!p1 $0x2A80;
	[sflag:s18] =	ssyncadd.s32 $0xFFFFC000  }
0x10e: {  	[tilespmem:s25], [sflag:$0x6] =	stream.linear.gather @!p1 [hbm4b:s20+s9], $0x80, $0x38;
	[tilespmem:$0x1EC00] =	vst v63  }
0x10f: {  	s26 =	sadd.s32 $0xFFFFFF80, s4  }
0x110: {  	[tilespmem:s12], [sflag:$0xA] =	stream.indirect.gather [hbm4b:s1+s8], $0x80, s26, s8, $0xb8;
	[tilespmem:$0x1EC00] =	vst v63  }
0x111: {  	_ =	swait.ge [sflag:s24], $0x80  }
0x112: {  	[sflag:s24] =	ssyncset.done $0x0  }
0x113: {  	[sflag:s24] =	ssyncadd.s32 $0xFFFFFF80  }
0x114: {  	[spmem:s3] =	stream.indirect.scatter.add.f32 [tilespmem:s10], [sflag:$0xB], $0x80, s0, s8, $0xb8;
	[tilespmem:$0x1EC00] =	vst v63  }
0x115: {  	_ =	swait.ge [sflag:s15], $0x4000  }
0x116: {  	[sflag:s15] =	ssyncset.done $0x0  }
0x117: {  	[sflag:s15] =	ssyncadd.s32 $0xFFFFC000  }
0x118: {  	s5 =	sadd.s32 $0x80, s5;
	_ =	swait.ge [sflag:s16], $0x4000  }
0x119: {  	p0 =	sne.s32 s5, $0x500;
	s20 =	rddreg [dreg:$0x4];
	[sflag:s16] =	ssyncset.done $0x0  }
0x11a: {  	s25 =	simm.s32 @!p1 $0x2B00;
	[sflag:s16] =	ssyncadd.s32 $0xFFFFC000;
	s7 =	sadd.s32 @!p1 s7, s20  }
0x11b: {  	[tilespmem:s25], [sflag:$0x7] =	stream.linear.gather @!p1 [hbm4b:s7+s9], $0x80, $0x38;
	[tilespmem:$0x1EC00] =	vst v63  }
.Ltmp0:
0x11c: {  	_ = 	snop;
	(pc) =	sbr.rel @p0 .LBB2_2-.Ltmp0, $4  }
0x11d: {  	s26 =	simm.s32 @!p1 $0x2C00;
	s20 =	simm.s32 @!p1 $0x80  }
0x11e: {  	[tilespmem:s26], [sflag:$0x9] =	stream.indirect.gather @!p1 [hbm4b:s1+s20], $0x80, s4, s20, $0xb8;
	[tilespmem:$0x1EC00] =	vst v63  }
0x11f: {  	_ =	swait.ge [sflag:s6], $0x80  }
0x120: {  	s26 =	simm.s32 $0x2800;
	[sflag:s6] =	ssyncset.done $0x0  }
0x121: {  	[sflag:s6] =	ssyncadd.s32 $0xFFFFFF80;
	s0 =	simm.s32 $0x2B80  }
0x122: {  	[spmem:s3] =	stream.indirect.scatter.add.f32 [tilespmem:s12], [sflag:$0xC], $0x80, s0, s8, $0xb8;
	[tilespmem:$0x1EC00] =	vst v63  }
0x123: {  	_ =	swait.ge [sflag:s18], $0x4000  }
0x124: {  	[sflag:s18] =	ssyncset.done $0x0  }
0x125: {  	[sflag:s18] =	ssyncadd.s32 $0xFFFFC000  }
0x126: {  	[bflag:$0x0] =	sbarrier.arrive $0xFFFF  }
0x127: {  	s20 =	rddreg [dreg:$0xa]  }
0x128: {  	s4 =	rddreg [dreg:$0x14]  }
0x129: {  	s7 =	simm.s32 $0xD;
	s9 =	rddreg [dreg:$0x1b]  }
0x12a: {  	[hbm:s4], [sflag:s20] =	dma.local [spmem:s9], $0x2800  }
0x12b: {  	_ =	swait.ge [sflag:s7], $0x2800  }
0x12c: {  	s5 =	rddreg [dreg:$0x1a]  }
0x12d: {  	s25 =	rddreg [dreg:$0x15];
	s5 =	sadd.s32 $0x1, s5  }
0x12e: {  	p0 =	sne.s32 s5, s25  }
.Ltmp1:
0x12f: {  	_ = 	snop;
	(pc) =	sbr.rel @p0 .LBB2_1-.Ltmp1, $3  }
0x130: {  	_ =	sdelay $0x1  }
0x131: {  	s2 =	simm.s32 $0x2A00;
	s0 =	simm.s32 $0x2B00;
	[sflag:s7] =	ssyncset.done $0x0  }
0x132: {  	s9 =	simm.s32 $0x2880;
	[sflag:s7] =	ssyncadd.s32 $0xFFFFD800;
	s25 =	simm.s32 $0x2900  }
0x133: {  	_ =	sfence.sel $0x180000  }
0x134: {  	[bflag:$0x0] =	sbarrier.arrive $0xFFFF  }
0x135: {  	_ =	strace $0x9000004A  }
0x136: {  	s0 =	stileid.u32;
	[bflag:$0x2] =	sbarrier.arrive $0xFFFF  }
0x137: {  	p0 =	sne.s32 s0, $0x0;
	s0 =	rddreg [dreg:$0x3]  }
0x138: {  	s0 =	sadd.s32 @!p0 $0x100000, s0  }
0x139: {  	[sflag:s0] =	ssyncadd.tile.s32 @!p0 $0x1;
	_ =	shalt  }
.Lfunc_end2:
_tile_overlayer_lowered:
.L_overlay_start_2:
0x13a: {  	(tag) =	ssettag $0x2  }
0x13b: {  	s0 =	rddreg [dreg:$0x0];
	s2 =	stileid.u32  }
0x13c: {  	s1 =	rddreg [dreg:$0x1];
	p0 =	sne.s32 s2, $0x0  }
0x13d: {  	s3 =	rddreg [dreg:$0x2];
	[bflag:$0x3] =	sbarrier.arrive $0xFFFF;
	s2 =	simm.s32 @!p0 $0x1C0D  }
0x13e: {  	[timem:s3], [sflag:s2] =	dma.local @!p0 [hbm:s0], s1  }
0x13f: {  	s0 =	simm.s32 @!p0 $0xD  }
0x140: {  	_ =	swait.ge @!p0 [sflag:s0], s1  }
0x141: {  	s1 =	ssub.s32 @!p0 $0x0, s1;
	[sflag:s0] =	ssyncset.done @!p0 $0x0  }
0x142: {  	[sflag:s0] =	ssyncadd.s32 @!p0 s1  }
0x143: {  	[bflag:$0x3] =	sbarrier.arrive $0xFFFF  }
0x144: {  	_ =	shalt  }

</sc_bundles>
